<compile_context>
chip_gen: v7x
topology: tpu7x:2x2x1
jax: 0.10.2.dev20260603
libtpu: 0.0.44.dev20260713+nightly
codegen_flags: <defaults>
</compile_context>

<pallas_src>
import jax
import jax.numpy as jnp
from jax import lax
from jax.experimental import pallas as pl
from jax.experimental.pallas import tpu as pltpu
from jax.experimental.pallas import tpu_sc as plsc

DIM = 64
EPS = 1e-5
NC, NS = 2, 16
NW = NC * NS
RPC = 4
NQ = DIM // 16
LANES = 128
PADF = 32


def _rsqrt_newton(x):
    i = lax.bitcast_convert_type(x, jnp.int32)
    i = jnp.int32(0x5F3759DF) - (i >> 1)
    y = lax.bitcast_convert_type(i, jnp.float32)
    for _ in range(3):
        y = y * (1.5 - 0.5 * x * y * y)
    return y


def _build_ct(tt0, tt1, vpad):
    blk = 8192
    assert vpad % blk == 0

    def body(a_ref, b_ref, o_ref):
        o_ref[...] = jnp.concatenate(
            [a_ref[...].T, b_ref[...].T], axis=-1)

    return pl.pallas_call(
        body,
        grid=(vpad // blk,),
        in_specs=[
            pl.BlockSpec((DIM, blk), lambda i: (0, i)),
            pl.BlockSpec((DIM, blk), lambda i: (0, i)),
        ],
        out_specs=pl.BlockSpec((blk, 2 * DIM), lambda i: (i, 0)),
        out_shape=jax.ShapeDtypeStruct((vpad, 2 * DIM), jnp.float32),
    )(tt0, tt1)


def _fused_sc(i0, i1, ct, gamma, beta, fields):
    batch = i0.shape[0]
    rows_w = batch // NW
    chunks = rows_w // RPC
    lpc = RPC * fields
    assert chunks % 2 == 0 and lpc % 8 == 0 and lpc <= LANES
    groups = (lpc + 15) // 16
    mesh = plsc.VectorSubcoreMesh(core_axis_name="c", subcore_axis_name="s")

    def body(i0_hbm, i1_hbm, ct_hbm, g_hbm, b_hbm, out_hbm,
             ir0, ir1, if0, if1, gb_v,
             r0a, r1a, r0b, r1b, oa, ob,
             sga, sgb, soa, sob):
        wid = lax.axis_index("s") * NC + lax.axis_index("c")
        row0 = wid * rows_w

        pltpu.sync_copy(i0_hbm.at[pl.ds(row0, rows_w)], ir0)
        pltpu.sync_copy(i1_hbm.at[pl.ds(row0, rows_w)], ir1)
        pltpu.sync_copy(g_hbm, gb_v.at[0])
        pltpu.sync_copy(b_hbm, gb_v.at[1])
        gv = [gb_v[0, pl.ds(16 * q, 16)] for q in range(NQ)]
        bv = [gb_v[1, pl.ds(16 * q, 16)] for q in range(NQ)]

        rowc = []
        colc = []
        for g in range(groups):
            t = jnp.arange(16, dtype=jnp.int32) + 16 * g
            rowc.append(t // fields)
            colc.append(t % fields)

        def flatten(j, carry):
            base = j * RPC
            for g in range(groups):
                sl = pl.ds(16 * g, 16)
                row = jnp.minimum(base + rowc[g], rows_w - 1)
                if0[j, sl] = plsc.load_gather(ir0, [row, colc[g]])
                if1[j, sl] = plsc.load_gather(ir1, [row, colc[g]])
            return carry

        lax.fori_loop(0, chunks, flatten, 0)

        def issue_gathers(j, r0x, r1x, sgx):
            pltpu.async_copy(ct_hbm.at[if0.at[j, pl.ds(0, lpc)]], r0x, sgx)
            pltpu.async_copy(ct_hbm.at[if1.at[j, pl.ds(0, lpc)]], r1x, sgx)

        def wait_gathers(r0x, r1x, sgx):
            pltpu.make_async_copy(
                ct_hbm.at[if0.at[0, pl.ds(0, lpc)]], r0x, sgx).wait()
            pltpu.make_async_copy(
                ct_hbm.at[if1.at[0, pl.ds(0, lpc)]], r1x, sgx).wait()

        def out_dst(j):
            return out_hbm.at[pl.ds(row0 + j * RPC, RPC),
                              pl.ds(0, fields), pl.ds(0, DIM)]

        def compute(r0x, r1x, ox):
            @plsc.parallel_loop(0, lpc, 1, unroll=8)
            def row(k):
                i = k // fields
                j = k - i * fields
                a = [r0x[k, pl.ds(16 * q, 16)]
                     + r1x[k, pl.ds(DIM + 16 * q, 16)]
                     for q in range(NQ)]
                tot = jnp.sum((a[0] + a[1]) + (a[2] + a[3]))
                tot2 = jnp.sum((a[0] * a[0] + a[1] * a[1])
                               + (a[2] * a[2] + a[3] * a[3]))
                mu = tot * (1.0 / DIM)
                var = tot2 * (1.0 / DIM) - mu * mu
                rstd = _rsqrt_newton(var + EPS)
                for q in range(NQ):
                    ox[i, j, pl.ds(16 * q, 16)] = \
                        (a[q] - mu) * (rstd * gv[q]) + bv[q]

        issue_gathers(0, r0a, r1a, sga)
        pltpu.async_copy(oa, out_dst(0), soa)
        pltpu.async_copy(ob, out_dst(1), sob)

        def pair(p, carry):
            ja = 2 * p
            wait_gathers(r0a, r1a, sga)
            issue_gathers(ja + 1, r0b, r1b, sgb)
            pltpu.make_async_copy(oa, out_dst(0), soa).wait()
            compute(r0a, r1a, oa)
            pltpu.async_copy(oa, out_dst(ja), soa)
            wait_gathers(r0b, r1b, sgb)

            @pl.when(p < chunks // 2 - 1)
            def _():
                issue_gathers(ja + 2, r0a, r1a, sga)

            pltpu.make_async_copy(ob, out_dst(0), sob).wait()
            compute(r0b, r1b, ob)
            pltpu.async_copy(ob, out_dst(ja + 1), sob)
            return carry

        lax.fori_loop(0, chunks // 2, pair, 0)
        pltpu.make_async_copy(oa, out_dst(0), soa).wait()
        pltpu.make_async_copy(ob, out_dst(0), sob).wait()

    f = pl.kernel(
        body,
        out_type=jax.ShapeDtypeStruct((batch, PADF, LANES), jnp.float32),
        mesh=mesh,
        scratch_types=[
            pltpu.VMEM((rows_w, LANES), jnp.int32),
            pltpu.VMEM((rows_w, LANES), jnp.int32),
            pltpu.VMEM((chunks, LANES), jnp.int32),
            pltpu.VMEM((chunks, LANES), jnp.int32),
            pltpu.VMEM((2, DIM), jnp.float32),
            pltpu.VMEM((lpc, 2 * DIM), jnp.float32),
            pltpu.VMEM((lpc, 2 * DIM), jnp.float32),
            pltpu.VMEM((lpc, 2 * DIM), jnp.float32),
            pltpu.VMEM((lpc, 2 * DIM), jnp.float32),
            pltpu.VMEM((RPC, fields, DIM), jnp.float32),
            pltpu.VMEM((RPC, fields, DIM), jnp.float32),
            pltpu.SemaphoreType.DMA,
            pltpu.SemaphoreType.DMA,
            pltpu.SemaphoreType.DMA,
            pltpu.SemaphoreType.DMA,
        ],
        compiler_params=pltpu.CompilerParams(
            use_tc_tiling_on_sc=False, needs_layout_passes=False),
    )
    return f(i0, i1, ct, gamma, beta)


def kernel(idx0, idx1, table0, table1, gamma, beta):
    pad = ((0, 0), (0, 128 - idx0.shape[1]))
    i0 = jnp.pad(idx0.astype(jnp.int32), pad)
    i1 = jnp.pad(idx1.astype(jnp.int32), pad)
    vpad = ((table0.shape[0] + 8191) // 8192) * 8192
    ct = _build_ct(table0.T, table1.T, vpad)
    padded = _fused_sc(i0, i1, ct, gamma, beta, idx0.shape[1])
    return padded[:, :idx0.shape[1], :DIM]

# --- scband reference (transcript-rebuilt; emitter-appended) ---
"""Pipeline reference for scband-composite-embedding-45294725103679 (READ-ONLY COPY).

The authoritative reference and input builder live on the scoring server;
editing this copy changes nothing except your own understanding.
"""

import jax, jax.numpy as jnp
import numpy as np

VOCAB = 100000
DIM = 64
BATCH = 4096
FIELDS = 26
EPS = 1e-5


def setup_inputs(seed: int = 0) -> dict:
    key = jax.random.key(seed)
    k1, k2, k3, k4 = jax.random.split(key, 4)
    idx0 = jax.random.randint(k1, (BATCH, FIELDS), 0, VOCAB)
    idx1 = jax.random.randint(k2, (BATCH, FIELDS), 0, VOCAB)
    table0 = jax.random.normal(k3, (VOCAB, DIM), dtype=jnp.float32) * 0.02
    table1 = jax.random.normal(k4, (VOCAB, DIM), dtype=jnp.float32) * 0.02
    gamma = jnp.ones((DIM,), dtype=jnp.float32)
    beta = jnp.zeros((DIM,), dtype=jnp.float32)
    return {"idx0": idx0, "idx1": idx1, "table0": table0, "table1": table1, "gamma": gamma, "beta": beta}


def reference(idx0, idx1, table0, table1, gamma, beta):
    # CompositeEmbedding.forward: sum of per-table lookups, then postprocessor (LayerNorm)
    emb = jnp.take(table0, idx0, axis=0) + jnp.take(table1, idx1, axis=0)
    mu = jnp.mean(emb, axis=-1, keepdims=True)
    var = jnp.mean((emb - mu) ** 2, axis=-1, keepdims=True)
    normed = (emb - mu) / jnp.sqrt(var + EPS)
    return normed * gamma + beta

if __name__ == "__main__":
    import jax
    _d = setup_inputs()
    print(jax.jit(kernel)(*tuple(_d.values())))

</pallas_src>

<mosaic_0001>
#map = affine_map<(d0, d1) -> (0, 0)>
#map1 = affine_map<(d0, d1) -> (0)>
#map2 = affine_map<(d0, d1) -> (0, 0, 0)>
module attributes {stable_mosaic.version = 14 : i64} {
  func.func @body(%arg0: i32, %arg1: i32, %arg2: memref<4096x128xi32, #tpu.memory_space<hbm>>, %arg3: memref<4096x128xi32, #tpu.memory_space<hbm>>, %arg4: memref<106496x128xf32, #tpu.memory_space<hbm>>, %arg5: memref<64xf32, #tpu.memory_space<hbm>>, %arg6: memref<64xf32, #tpu.memory_space<hbm>>, %arg7: memref<4096x32x128xf32, #tpu.memory_space<hbm>>, %arg8: memref<128x128xi32, #tpu.memory_space<vmem>>, %arg9: memref<128x128xi32, #tpu.memory_space<vmem>>, %arg10: memref<32x128xi32, #tpu.memory_space<vmem>>, %arg11: memref<32x128xi32, #tpu.memory_space<vmem>>, %arg12: memref<2x64xf32, #tpu.memory_space<vmem>>, %arg13: memref<104x128xf32, #tpu.memory_space<vmem>>, %arg14: memref<104x128xf32, #tpu.memory_space<vmem>>, %arg15: memref<104x128xf32, #tpu.memory_space<vmem>>, %arg16: memref<104x128xf32, #tpu.memory_space<vmem>>, %arg17: memref<4x26x64xf32, #tpu.memory_space<vmem>>, %arg18: memref<4x26x64xf32, #tpu.memory_space<vmem>>, %arg19: memref<!tpu.dma_semaphore, #tpu.memory_space<semaphore_mem>>, %arg20: memref<!tpu.dma_semaphore, #tpu.memory_space<semaphore_mem>>, %arg21: memref<!tpu.dma_semaphore, #tpu.memory_space<semaphore_mem>>, %arg22: memref<!tpu.dma_semaphore, #tpu.memory_space<semaphore_mem>>) attributes {dimension_semantics = [#tpu.dimension_semantics<core_parallel>, #tpu.dimension_semantics<subcore_parallel>], iteration_bounds = array<i64: 2, 16>, scalar_prefetch = 0 : i64, scratch_operands = 15 : i64, tpu.core_type = #tpu.core_type<sc_vector_subcore>, window_params = [{transform_indices = #map}, {transform_indices = #map}, {transform_indices = #map}, {transform_indices = #map1}, {transform_indices = #map1}, {transform_indices = #map2}]} {
    %mul3A = arith.constant 2 : i32
    %mul3A_0 = arith.muli %arg1, %mul3A : i32
    %add3A = arith.addi %mul3A_0, %arg0 : i32
    %mul3A_1 = arith.constant 128 : i32
    %mul3A_2 = arith.muli %add3A, %mul3A_1 : i32
    "tpu.region"() ({
      %run_scoped3A_478 = tpu.sem_alloc : memref<!tpu.dma_semaphore, #tpu.memory_space<semaphore_mem>>
      %dma_start3A_479 = arith.constant 0 : i32
      %dma_start3A_480 = tpu.memref_slice %arg2[%mul3A_2, %dma_start3A_479] : memref<4096x128xi32, #tpu.memory_space<hbm>> -> memref<128x128xi32, #tpu.memory_space<hbm>>
      %dma_start3A_481 = arith.constant 0 : i32
      %dma_start3A_482 = tpu.memref_slice %arg2[%mul3A_2, %dma_start3A_481] : memref<4096x128xi32, #tpu.memory_space<hbm>> -> memref<128x128xi32, #tpu.memory_space<hbm>>
      tpu.enqueue_dma source(%dma_start3A_482 : memref<128x128xi32, #tpu.memory_space<hbm>>) target(%arg8 : memref<128x128xi32, #tpu.memory_space<vmem>>) target_semaphore(%run_scoped3A_478 : memref<!tpu.dma_semaphore, #tpu.memory_space<semaphore_mem>>)
      %dma_wait3A_483 = arith.constant 0 : i32
      %dma_wait3A_484 = tpu.memref_slice %arg2[%mul3A_2, %dma_wait3A_483] : memref<4096x128xi32, #tpu.memory_space<hbm>> -> memref<128x128xi32, #tpu.memory_space<hbm>>
      %dma_wait3A_485 = arith.constant 0 : i32
      %dma_wait3A_486 = tpu.memref_slice %arg2[%mul3A_2, %dma_wait3A_485] : memref<4096x128xi32, #tpu.memory_space<hbm>> -> memref<128x128xi32, #tpu.memory_space<hbm>>
      tpu.wait_dma2 semaphore(%run_scoped3A_478 : memref<!tpu.dma_semaphore, #tpu.memory_space<semaphore_mem>>) src(%dma_wait3A_486 : memref<128x128xi32, #tpu.memory_space<hbm>>) dst(%arg8 : memref<128x128xi32, #tpu.memory_space<vmem>>)
      tpu.yield
    }) : () -> ()
    "tpu.region"() ({
      %run_scoped3A_478 = tpu.sem_alloc : memref<!tpu.dma_semaphore, #tpu.memory_space<semaphore_mem>>
      %dma_start3A_479 = arith.constant 0 : i32
      %dma_start3A_480 = tpu.memref_slice %arg3[%mul3A_2, %dma_start3A_479] : memref<4096x128xi32, #tpu.memory_space<hbm>> -> memref<128x128xi32, #tpu.memory_space<hbm>>
      %dma_start3A_481 = arith.constant 0 : i32
      %dma_start3A_482 = tpu.memref_slice %arg3[%mul3A_2, %dma_start3A_481] : memref<4096x128xi32, #tpu.memory_space<hbm>> -> memref<128x128xi32, #tpu.memory_space<hbm>>
      tpu.enqueue_dma source(%dma_start3A_482 : memref<128x128xi32, #tpu.memory_space<hbm>>) target(%arg9 : memref<128x128xi32, #tpu.memory_space<vmem>>) target_semaphore(%run_scoped3A_478 : memref<!tpu.dma_semaphore, #tpu.memory_space<semaphore_mem>>)
      %dma_wait3A_483 = arith.constant 0 : i32
      %dma_wait3A_484 = tpu.memref_slice %arg3[%mul3A_2, %dma_wait3A_483] : memref<4096x128xi32, #tpu.memory_space<hbm>> -> memref<128x128xi32, #tpu.memory_space<hbm>>
      %dma_wait3A_485 = arith.constant 0 : i32
      %dma_wait3A_486 = tpu.memref_slice %arg3[%mul3A_2, %dma_wait3A_485] : memref<4096x128xi32, #tpu.memory_space<hbm>> -> memref<128x128xi32, #tpu.memory_space<hbm>>
      tpu.wait_dma2 semaphore(%run_scoped3A_478 : memref<!tpu.dma_semaphore, #tpu.memory_space<semaphore_mem>>) src(%dma_wait3A_486 : memref<128x128xi32, #tpu.memory_space<hbm>>) dst(%arg9 : memref<128x128xi32, #tpu.memory_space<vmem>>)
      tpu.yield
    }) : () -> ()
    %run_scoped3A = arith.constant 0 : i32
    "tpu.region"() ({
      %run_scoped3A_478 = tpu.sem_alloc : memref<!tpu.dma_semaphore, #tpu.memory_space<semaphore_mem>>
      %dma_start3A_479 = arith.constant 0 : i32
      %dma_start3A_480 = tpu.memref_slice %arg12[%run_scoped3A, %dma_start3A_479] : memref<2x64xf32, #tpu.memory_space<vmem>> -> memref<1x64xf32, #tpu.memory_space<vmem>>
      %dma_start3A_481 = tpu.memref_squeeze %dma_start3A_480 : memref<1x64xf32, #tpu.memory_space<vmem>> -> memref<64xf32, #tpu.memory_space<vmem>>
      %dma_start3A_482 = arith.constant 0 : i32
      %dma_start3A_483 = tpu.memref_slice %arg12[%run_scoped3A, %dma_start3A_482] : memref<2x64xf32, #tpu.memory_space<vmem>> -> memref<1x64xf32, #tpu.memory_space<vmem>>
      %dma_start3A_484 = tpu.memref_squeeze %dma_start3A_483 : memref<1x64xf32, #tpu.memory_space<vmem>> -> memref<64xf32, #tpu.memory_space<vmem>>
      tpu.enqueue_dma source(%arg5 : memref<64xf32, #tpu.memory_space<hbm>>) target(%dma_start3A_484 : memref<64xf32, #tpu.memory_space<vmem>>) target_semaphore(%run_scoped3A_478 : memref<!tpu.dma_semaphore, #tpu.memory_space<semaphore_mem>>)
      %dma_wait3A_485 = arith.constant 0 : i32
      %dma_wait3A_486 = tpu.memref_slice %arg12[%run_scoped3A, %dma_wait3A_485] : memref<2x64xf32, #tpu.memory_space<vmem>> -> memref<1x64xf32, #tpu.memory_space<vmem>>
      %dma_wait3A_487 = tpu.memref_squeeze %dma_wait3A_486 : memref<1x64xf32, #tpu.memory_space<vmem>> -> memref<64xf32, #tpu.memory_space<vmem>>
      %dma_wait3A_488 = arith.constant 0 : i32
      %dma_wait3A_489 = tpu.memref_slice %arg12[%run_scoped3A, %dma_wait3A_488] : memref<2x64xf32, #tpu.memory_space<vmem>> -> memref<1x64xf32, #tpu.memory_space<vmem>>
      %dma_wait3A_490 = tpu.memref_squeeze %dma_wait3A_489 : memref<1x64xf32, #tpu.memory_space<vmem>> -> memref<64xf32, #tpu.memory_space<vmem>>
      tpu.wait_dma2 semaphore(%run_scoped3A_478 : memref<!tpu.dma_semaphore, #tpu.memory_space<semaphore_mem>>) src(%arg5 : memref<64xf32, #tpu.memory_space<hbm>>) dst(%dma_wait3A_490 : memref<64xf32, #tpu.memory_space<vmem>>)
      tpu.yield
    }) : () -> ()
    %run_scoped3A_3 = arith.constant 1 : i32
    "tpu.region"() ({
      %run_scoped3A_478 = tpu.sem_alloc : memref<!tpu.dma_semaphore, #tpu.memory_space<semaphore_mem>>
      %dma_start3A_479 = arith.constant 0 : i32
      %dma_start3A_480 = tpu.memref_slice %arg12[%run_scoped3A_3, %dma_start3A_479] : memref<2x64xf32, #tpu.memory_space<vmem>> -> memref<1x64xf32, #tpu.memory_space<vmem>>
      %dma_start3A_481 = tpu.memref_squeeze %dma_start3A_480 : memref<1x64xf32, #tpu.memory_space<vmem>> -> memref<64xf32, #tpu.memory_space<vmem>>
      %dma_start3A_482 = arith.constant 0 : i32
      %dma_start3A_483 = tpu.memref_slice %arg12[%run_scoped3A_3, %dma_start3A_482] : memref<2x64xf32, #tpu.memory_space<vmem>> -> memref<1x64xf32, #tpu.memory_space<vmem>>
      %dma_start3A_484 = tpu.memref_squeeze %dma_start3A_483 : memref<1x64xf32, #tpu.memory_space<vmem>> -> memref<64xf32, #tpu.memory_space<vmem>>
      tpu.enqueue_dma source(%arg6 : memref<64xf32, #tpu.memory_space<hbm>>) target(%dma_start3A_484 : memref<64xf32, #tpu.memory_space<vmem>>) target_semaphore(%run_scoped3A_478 : memref<!tpu.dma_semaphore, #tpu.memory_space<semaphore_mem>>)
      %dma_wait3A_485 = arith.constant 0 : i32
      %dma_wait3A_486 = tpu.memref_slice %arg12[%run_scoped3A_3, %dma_wait3A_485] : memref<2x64xf32, #tpu.memory_space<vmem>> -> memref<1x64xf32, #tpu.memory_space<vmem>>
      %dma_wait3A_487 = tpu.memref_squeeze %dma_wait3A_486 : memref<1x64xf32, #tpu.memory_space<vmem>> -> memref<64xf32, #tpu.memory_space<vmem>>
      %dma_wait3A_488 = arith.constant 0 : i32
      %dma_wait3A_489 = tpu.memref_slice %arg12[%run_scoped3A_3, %dma_wait3A_488] : memref<2x64xf32, #tpu.memory_space<vmem>> -> memref<1x64xf32, #tpu.memory_space<vmem>>
      %dma_wait3A_490 = tpu.memref_squeeze %dma_wait3A_489 : memref<1x64xf32, #tpu.memory_space<vmem>> -> memref<64xf32, #tpu.memory_space<vmem>>
      tpu.wait_dma2 semaphore(%run_scoped3A_478 : memref<!tpu.dma_semaphore, #tpu.memory_space<semaphore_mem>>) src(%arg6 : memref<64xf32, #tpu.memory_space<hbm>>) dst(%dma_wait3A_490 : memref<64xf32, #tpu.memory_space<vmem>>)
      tpu.yield
    }) : () -> ()
    %get3A = arith.constant 0 : i32
    %get3A_4 = arith.index_cast %get3A : i32 to index
    %get3A_5 = arith.constant 0 : index
    %get3A_6 = tpu.vector_load %arg12[%get3A_4, %get3A_5] {strides = array<i32>} : memref<2x64xf32, #tpu.memory_space<vmem>>, vector<16xf32>,
    %get3A_7 = arith.constant 0 : i32
    %get3A_8 = arith.index_cast %get3A_7 : i32 to index
    %get3A_9 = arith.constant 16 : index
    %get3A_10 = tpu.vector_load %arg12[%get3A_8, %get3A_9] {strides = array<i32>} : memref<2x64xf32, #tpu.memory_space<vmem>>, vector<16xf32>,
    %get3A_11 = arith.constant 0 : i32
    %get3A_12 = arith.index_cast %get3A_11 : i32 to index
    %get3A_13 = arith.constant 32 : index
    %get3A_14 = tpu.vector_load %arg12[%get3A_12, %get3A_13] {strides = array<i32>} : memref<2x64xf32, #tpu.memory_space<vmem>>, vector<16xf32>,
    %get3A_15 = arith.constant 0 : i32
    %get3A_16 = arith.index_cast %get3A_15 : i32 to index
    %get3A_17 = arith.constant 48 : index
    %get3A_18 = tpu.vector_load %arg12[%get3A_16, %get3A_17] {strides = array<i32>} : memref<2x64xf32, #tpu.memory_space<vmem>>, vector<16xf32>,
    %get3A_19 = arith.constant 1 : i32
    %get3A_20 = arith.index_cast %get3A_19 : i32 to index
    %get3A_21 = arith.constant 0 : index
    %get3A_22 = tpu.vector_load %arg12[%get3A_20, %get3A_21] {strides = array<i32>} : memref<2x64xf32, #tpu.memory_space<vmem>>, vector<16xf32>,
    %get3A_23 = arith.constant 1 : i32
    %get3A_24 = arith.index_cast %get3A_23 : i32 to index
    %get3A_25 = arith.constant 16 : index
    %get3A_26 = tpu.vector_load %arg12[%get3A_24, %get3A_25] {strides = array<i32>} : memref<2x64xf32, #tpu.memory_space<vmem>>, vector<16xf32>,
    %get3A_27 = arith.constant 1 : i32
    %get3A_28 = arith.index_cast %get3A_27 : i32 to index
    %get3A_29 = arith.constant 32 : index
    %get3A_30 = tpu.vector_load %arg12[%get3A_28, %get3A_29] {strides = array<i32>} : memref<2x64xf32, #tpu.memory_space<vmem>>, vector<16xf32>,
    %get3A_31 = arith.constant 1 : i32
    %get3A_32 = arith.index_cast %get3A_31 : i32 to index
    %get3A_33 = arith.constant 48 : index
    %get3A_34 = tpu.vector_load %arg12[%get3A_32, %get3A_33] {strides = array<i32>} : memref<2x64xf32, #tpu.memory_space<vmem>>, vector<16xf32>,
    %iota3A = tpu.iota {dimensions = array<i32: 0>} : vector<16xi32>
    %add3A_35 = arith.constant 0 : i32
    %add3A_36 = vector.broadcast %add3A_35 : i32 to vector<16xi32>
    %add3A_37 = arith.addi %iota3A, %add3A_36 : vector<16xi32>
    %jit3A = arith.constant 26 : i32
    %div3A = vector.broadcast %jit3A : i32 to vector<16xi32>
    %div3A_38 = arith.divsi %add3A_37, %div3A : vector<16xi32>
    %sign3A = arith.constant 0 : i32
    %sign3A_39 = vector.broadcast %sign3A : i32 to vector<16xi32>
    %sign3A_40 = arith.cmpi sgt, %add3A_37, %sign3A_39 : vector<16xi32>
    %sign3A_41 = arith.extui %sign3A_40 : vector<16xi1> to vector<16xi32>
    %sign3A_42 = arith.constant 0 : i32
    %sign3A_43 = vector.broadcast %sign3A_42 : i32 to vector<16xi32>
    %sign3A_44 = arith.cmpi slt, %add3A_37, %sign3A_43 : vector<16xi32>
    %sign3A_45 = arith.extui %sign3A_44 : vector<16xi1> to vector<16xi32>
    %sign3A_46 = arith.subi %sign3A_41, %sign3A_45 : vector<16xi32>
    %sign3A_47 = arith.constant 0 : i32
    %sign3A_48 = arith.cmpi sgt, %jit3A, %sign3A_47 : i32
    %sign3A_49 = arith.extui %sign3A_48 : i1 to i32
    %sign3A_50 = arith.constant 0 : i32
    %sign3A_51 = arith.cmpi slt, %jit3A, %sign3A_50 : i32
    %sign3A_52 = arith.extui %sign3A_51 : i1 to i32
    %sign3A_53 = arith.subi %sign3A_49, %sign3A_52 : i32
    %ne3A = vector.broadcast %sign3A_53 : i32 to vector<16xi32>
    %ne3A_54 = arith.cmpi ne, %sign3A_46, %ne3A : vector<16xi32>
    %rem3A = vector.broadcast %jit3A : i32 to vector<16xi32>
    %rem3A_55 = arith.remsi %add3A_37, %rem3A : vector<16xi32>
    %ne3A_56 = arith.constant 0 : i32
    %ne3A_57 = vector.broadcast %ne3A_56 : i32 to vector<16xi32>
    %ne3A_58 = arith.cmpi ne, %rem3A_55, %ne3A_57 : vector<16xi32>
    %and3A = arith.andi %ne3A_54, %ne3A_58 : vector<16xi1>
    %sub3A = arith.constant 1 : i32
    %sub3A_59 = vector.broadcast %sub3A : i32 to vector<16xi32>
    %sub3A_60 = arith.subi %div3A_38, %sub3A_59 : vector<16xi32>
    %select_n3A = arith.select %and3A, %sub3A_60, %div3A_38 : vector<16xi1>, vector<16xi32>
    %jit3A_61 = arith.constant 26 : i32
    %eq3A = arith.constant 0 : i32
    %eq3A_62 = arith.cmpi eq, %jit3A_61, %eq3A : i32
    %jit3A_63 = arith.constant 1 : i32
    %select_n3A_64 = arith.select %eq3A_62, %jit3A_63, %jit3A_61 : i32
    %rem3A_65 = vector.broadcast %select_n3A_64 : i32 to vector<16xi32>
    %rem3A_66 = arith.remsi %add3A_37, %rem3A_65 : vector<16xi32>
    %ne3A_67 = arith.constant 0 : i32
    %ne3A_68 = vector.broadcast %ne3A_67 : i32 to vector<16xi32>
    %ne3A_69 = arith.cmpi ne, %rem3A_66, %ne3A_68 : vector<16xi32>
    %lt3A = arith.constant 0 : i32
    %lt3A_70 = vector.broadcast %lt3A : i32 to vector<16xi32>
    %lt3A_71 = arith.cmpi slt, %rem3A_66, %lt3A_70 : vector<16xi32>
    %lt3A_72 = arith.constant 0 : i32
    %lt3A_73 = arith.cmpi slt, %select_n3A_64, %lt3A_72 : i32
    %ne3A_74 = vector.broadcast %lt3A_73 : i1 to vector<16xi1>
    %ne3A_75 = vector.broadcast %ne3A_74 : vector<16xi1> to vector<16xi1>
    %ne3A_76 = arith.xori %lt3A_71, %ne3A_75 : vector<16xi1>
    %and3A_77 = arith.andi %ne3A_76, %ne3A_69 : vector<16xi1>
    %add3A_78 = vector.broadcast %select_n3A_64 : i32 to vector<16xi32>
    %add3A_79 = arith.addi %rem3A_66, %add3A_78 : vector<16xi32>
    %select_n3A_80 = arith.select %and3A_77, %add3A_79, %rem3A_66 : vector<16xi1>, vector<16xi32>
    %iota3A_81 = tpu.iota {dimensions = array<i32: 0>} : vector<16xi32>
    %add3A_82 = arith.constant 16 : i32
    %add3A_83 = vector.broadcast %add3A_82 : i32 to vector<16xi32>
    %add3A_84 = arith.addi %iota3A_81, %add3A_83 : vector<16xi32>
    %jit3A_85 = arith.constant 26 : i32
    %div3A_86 = vector.broadcast %jit3A_85 : i32 to vector<16xi32>
    %div3A_87 = arith.divsi %add3A_84, %div3A_86 : vector<16xi32>
    %sign3A_88 = arith.constant 0 : i32
    %sign3A_89 = vector.broadcast %sign3A_88 : i32 to vector<16xi32>
    %sign3A_90 = arith.cmpi sgt, %add3A_84, %sign3A_89 : vector<16xi32>
    %sign3A_91 = arith.extui %sign3A_90 : vector<16xi1> to vector<16xi32>
    %sign3A_92 = arith.constant 0 : i32
    %sign3A_93 = vector.broadcast %sign3A_92 : i32 to vector<16xi32>
    %sign3A_94 = arith.cmpi slt, %add3A_84, %sign3A_93 : vector<16xi32>
    %sign3A_95 = arith.extui %sign3A_94 : vector<16xi1> to vector<16xi32>
    %sign3A_96 = arith.subi %sign3A_91, %sign3A_95 : vector<16xi32>
    %sign3A_97 = arith.constant 0 : i32
    %sign3A_98 = arith.cmpi sgt, %jit3A_85, %sign3A_97 : i32
    %sign3A_99 = arith.extui %sign3A_98 : i1 to i32
    %sign3A_100 = arith.constant 0 : i32
    %sign3A_101 = arith.cmpi slt, %jit3A_85, %sign3A_100 : i32
    %sign3A_102 = arith.extui %sign3A_101 : i1 to i32
    %sign3A_103 = arith.subi %sign3A_99, %sign3A_102 : i32
    %ne3A_104 = vector.broadcast %sign3A_103 : i32 to vector<16xi32>
    %ne3A_105 = arith.cmpi ne, %sign3A_96, %ne3A_104 : vector<16xi32>
    %rem3A_106 = vector.broadcast %jit3A_85 : i32 to vector<16xi32>
    %rem3A_107 = arith.remsi %add3A_84, %rem3A_106 : vector<16xi32>
    %ne3A_108 = arith.constant 0 : i32
    %ne3A_109 = vector.broadcast %ne3A_108 : i32 to vector<16xi32>
    %ne3A_110 = arith.cmpi ne, %rem3A_107, %ne3A_109 : vector<16xi32>
    %and3A_111 = arith.andi %ne3A_105, %ne3A_110 : vector<16xi1>
    %sub3A_112 = arith.constant 1 : i32
    %sub3A_113 = vector.broadcast %sub3A_112 : i32 to vector<16xi32>
    %sub3A_114 = arith.subi %div3A_87, %sub3A_113 : vector<16xi32>
    %select_n3A_115 = arith.select %and3A_111, %sub3A_114, %div3A_87 : vector<16xi1>, vector<16xi32>
    %jit3A_116 = arith.constant 26 : i32
    %eq3A_117 = arith.constant 0 : i32
    %eq3A_118 = arith.cmpi eq, %jit3A_116, %eq3A_117 : i32
    %jit3A_119 = arith.constant 1 : i32
    %select_n3A_120 = arith.select %eq3A_118, %jit3A_119, %jit3A_116 : i32
    %rem3A_121 = vector.broadcast %select_n3A_120 : i32 to vector<16xi32>
    %rem3A_122 = arith.remsi %add3A_84, %rem3A_121 : vector<16xi32>
    %ne3A_123 = arith.constant 0 : i32
    %ne3A_124 = vector.broadcast %ne3A_123 : i32 to vector<16xi32>
    %ne3A_125 = arith.cmpi ne, %rem3A_122, %ne3A_124 : vector<16xi32>
    %lt3A_126 = arith.constant 0 : i32
    %lt3A_127 = vector.broadcast %lt3A_126 : i32 to vector<16xi32>
    %lt3A_128 = arith.cmpi slt, %rem3A_122, %lt3A_127 : vector<16xi32>
    %lt3A_129 = arith.constant 0 : i32
    %lt3A_130 = arith.cmpi slt, %select_n3A_120, %lt3A_129 : i32
    %ne3A_131 = vector.broadcast %lt3A_130 : i1 to vector<16xi1>
    %ne3A_132 = vector.broadcast %ne3A_131 : vector<16xi1> to vector<16xi1>
    %ne3A_133 = arith.xori %lt3A_128, %ne3A_132 : vector<16xi1>
    %and3A_134 = arith.andi %ne3A_133, %ne3A_125 : vector<16xi1>
    %add3A_135 = vector.broadcast %select_n3A_120 : i32 to vector<16xi32>
    %add3A_136 = arith.addi %rem3A_122, %add3A_135 : vector<16xi32>
    %select_n3A_137 = arith.select %and3A_134, %add3A_136, %rem3A_122 : vector<16xi1>, vector<16xi32>
    %iota3A_138 = tpu.iota {dimensions = array<i32: 0>} : vector<16xi32>
    %add3A_139 = arith.constant 32 : i32
    %add3A_140 = vector.broadcast %add3A_139 : i32 to vector<16xi32>
    %add3A_141 = arith.addi %iota3A_138, %add3A_140 : vector<16xi32>
    %jit3A_142 = arith.constant 26 : i32
    %div3A_143 = vector.broadcast %jit3A_142 : i32 to vector<16xi32>
    %div3A_144 = arith.divsi %add3A_141, %div3A_143 : vector<16xi32>
    %sign3A_145 = arith.constant 0 : i32
    %sign3A_146 = vector.broadcast %sign3A_145 : i32 to vector<16xi32>
    %sign3A_147 = arith.cmpi sgt, %add3A_141, %sign3A_146 : vector<16xi32>
    %sign3A_148 = arith.extui %sign3A_147 : vector<16xi1> to vector<16xi32>
    %sign3A_149 = arith.constant 0 : i32
    %sign3A_150 = vector.broadcast %sign3A_149 : i32 to vector<16xi32>
    %sign3A_151 = arith.cmpi slt, %add3A_141, %sign3A_150 : vector<16xi32>
    %sign3A_152 = arith.extui %sign3A_151 : vector<16xi1> to vector<16xi32>
    %sign3A_153 = arith.subi %sign3A_148, %sign3A_152 : vector<16xi32>
    %sign3A_154 = arith.constant 0 : i32
    %sign3A_155 = arith.cmpi sgt, %jit3A_142, %sign3A_154 : i32
    %sign3A_156 = arith.extui %sign3A_155 : i1 to i32
    %sign3A_157 = arith.constant 0 : i32
    %sign3A_158 = arith.cmpi slt, %jit3A_142, %sign3A_157 : i32
    %sign3A_159 = arith.extui %sign3A_158 : i1 to i32
    %sign3A_160 = arith.subi %sign3A_156, %sign3A_159 : i32
    %ne3A_161 = vector.broadcast %sign3A_160 : i32 to vector<16xi32>
    %ne3A_162 = arith.cmpi ne, %sign3A_153, %ne3A_161 : vector<16xi32>
    %rem3A_163 = vector.broadcast %jit3A_142 : i32 to vector<16xi32>
    %rem3A_164 = arith.remsi %add3A_141, %rem3A_163 : vector<16xi32>
    %ne3A_165 = arith.constant 0 : i32
    %ne3A_166 = vector.broadcast %ne3A_165 : i32 to vector<16xi32>
    %ne3A_167 = arith.cmpi ne, %rem3A_164, %ne3A_166 : vector<16xi32>
    %and3A_168 = arith.andi %ne3A_162, %ne3A_167 : vector<16xi1>
    %sub3A_169 = arith.constant 1 : i32
    %sub3A_170 = vector.broadcast %sub3A_169 : i32 to vector<16xi32>
    %sub3A_171 = arith.subi %div3A_144, %sub3A_170 : vector<16xi32>
    %select_n3A_172 = arith.select %and3A_168, %sub3A_171, %div3A_144 : vector<16xi1>, vector<16xi32>
    %jit3A_173 = arith.constant 26 : i32
    %eq3A_174 = arith.constant 0 : i32
    %eq3A_175 = arith.cmpi eq, %jit3A_173, %eq3A_174 : i32
    %jit3A_176 = arith.constant 1 : i32
    %select_n3A_177 = arith.select %eq3A_175, %jit3A_176, %jit3A_173 : i32
    %rem3A_178 = vector.broadcast %select_n3A_177 : i32 to vector<16xi32>
    %rem3A_179 = arith.remsi %add3A_141, %rem3A_178 : vector<16xi32>
    %ne3A_180 = arith.constant 0 : i32
    %ne3A_181 = vector.broadcast %ne3A_180 : i32 to vector<16xi32>
    %ne3A_182 = arith.cmpi ne, %rem3A_179, %ne3A_181 : vector<16xi32>
    %lt3A_183 = arith.constant 0 : i32
    %lt3A_184 = vector.broadcast %lt3A_183 : i32 to vector<16xi32>
    %lt3A_185 = arith.cmpi slt, %rem3A_179, %lt3A_184 : vector<16xi32>
    %lt3A_186 = arith.constant 0 : i32
    %lt3A_187 = arith.cmpi slt, %select_n3A_177, %lt3A_186 : i32
    %ne3A_188 = vector.broadcast %lt3A_187 : i1 to vector<16xi1>
    %ne3A_189 = vector.broadcast %ne3A_188 : vector<16xi1> to vector<16xi1>
    %ne3A_190 = arith.xori %lt3A_185, %ne3A_189 : vector<16xi1>
    %and3A_191 = arith.andi %ne3A_190, %ne3A_182 : vector<16xi1>
    %add3A_192 = vector.broadcast %select_n3A_177 : i32 to vector<16xi32>
    %add3A_193 = arith.addi %rem3A_179, %add3A_192 : vector<16xi32>
    %select_n3A_194 = arith.select %and3A_191, %add3A_193, %rem3A_179 : vector<16xi1>, vector<16xi32>
    %iota3A_195 = tpu.iota {dimensions = array<i32: 0>} : vector<16xi32>
    %add3A_196 = arith.constant 48 : i32
    %add3A_197 = vector.broadcast %add3A_196 : i32 to vector<16xi32>
    %add3A_198 = arith.addi %iota3A_195, %add3A_197 : vector<16xi32>
    %jit3A_199 = arith.constant 26 : i32
    %div3A_200 = vector.broadcast %jit3A_199 : i32 to vector<16xi32>
    %div3A_201 = arith.divsi %add3A_198, %div3A_200 : vector<16xi32>
    %sign3A_202 = arith.constant 0 : i32
    %sign3A_203 = vector.broadcast %sign3A_202 : i32 to vector<16xi32>
    %sign3A_204 = arith.cmpi sgt, %add3A_198, %sign3A_203 : vector<16xi32>
    %sign3A_205 = arith.extui %sign3A_204 : vector<16xi1> to vector<16xi32>
    %sign3A_206 = arith.constant 0 : i32
    %sign3A_207 = vector.broadcast %sign3A_206 : i32 to vector<16xi32>
    %sign3A_208 = arith.cmpi slt, %add3A_198, %sign3A_207 : vector<16xi32>
    %sign3A_209 = arith.extui %sign3A_208 : vector<16xi1> to vector<16xi32>
    %sign3A_210 = arith.subi %sign3A_205, %sign3A_209 : vector<16xi32>
    %sign3A_211 = arith.constant 0 : i32
    %sign3A_212 = arith.cmpi sgt, %jit3A_199, %sign3A_211 : i32
    %sign3A_213 = arith.extui %sign3A_212 : i1 to i32
    %sign3A_214 = arith.constant 0 : i32
    %sign3A_215 = arith.cmpi slt, %jit3A_199, %sign3A_214 : i32
    %sign3A_216 = arith.extui %sign3A_215 : i1 to i32
    %sign3A_217 = arith.subi %sign3A_213, %sign3A_216 : i32
    %ne3A_218 = vector.broadcast %sign3A_217 : i32 to vector<16xi32>
    %ne3A_219 = arith.cmpi ne, %sign3A_210, %ne3A_218 : vector<16xi32>
    %rem3A_220 = vector.broadcast %jit3A_199 : i32 to vector<16xi32>
    %rem3A_221 = arith.remsi %add3A_198, %rem3A_220 : vector<16xi32>
    %ne3A_222 = arith.constant 0 : i32
    %ne3A_223 = vector.broadcast %ne3A_222 : i32 to vector<16xi32>
    %ne3A_224 = arith.cmpi ne, %rem3A_221, %ne3A_223 : vector<16xi32>
    %and3A_225 = arith.andi %ne3A_219, %ne3A_224 : vector<16xi1>
    %sub3A_226 = arith.constant 1 : i32
    %sub3A_227 = vector.broadcast %sub3A_226 : i32 to vector<16xi32>
    %sub3A_228 = arith.subi %div3A_201, %sub3A_227 : vector<16xi32>
    %select_n3A_229 = arith.select %and3A_225, %sub3A_228, %div3A_201 : vector<16xi1>, vector<16xi32>
    %jit3A_230 = arith.constant 26 : i32
    %eq3A_231 = arith.constant 0 : i32
    %eq3A_232 = arith.cmpi eq, %jit3A_230, %eq3A_231 : i32
    %jit3A_233 = arith.constant 1 : i32
    %select_n3A_234 = arith.select %eq3A_232, %jit3A_233, %jit3A_230 : i32
    %rem3A_235 = vector.broadcast %select_n3A_234 : i32 to vector<16xi32>
    %rem3A_236 = arith.remsi %add3A_198, %rem3A_235 : vector<16xi32>
    %ne3A_237 = arith.constant 0 : i32
    %ne3A_238 = vector.broadcast %ne3A_237 : i32 to vector<16xi32>
    %ne3A_239 = arith.cmpi ne, %rem3A_236, %ne3A_238 : vector<16xi32>
    %lt3A_240 = arith.constant 0 : i32
    %lt3A_241 = vector.broadcast %lt3A_240 : i32 to vector<16xi32>
    %lt3A_242 = arith.cmpi slt, %rem3A_236, %lt3A_241 : vector<16xi32>
    %lt3A_243 = arith.constant 0 : i32
    %lt3A_244 = arith.cmpi slt, %select_n3A_234, %lt3A_243 : i32
    %ne3A_245 = vector.broadcast %lt3A_244 : i1 to vector<16xi1>
    %ne3A_246 = vector.broadcast %ne3A_245 : vector<16xi1> to vector<16xi1>
    %ne3A_247 = arith.xori %lt3A_242, %ne3A_246 : vector<16xi1>
    %and3A_248 = arith.andi %ne3A_247, %ne3A_239 : vector<16xi1>
    %add3A_249 = vector.broadcast %select_n3A_234 : i32 to vector<16xi32>
    %add3A_250 = arith.addi %rem3A_236, %add3A_249 : vector<16xi32>
    %select_n3A_251 = arith.select %and3A_248, %add3A_250, %rem3A_236 : vector<16xi1>, vector<16xi32>
    %iota3A_252 = tpu.iota {dimensions = array<i32: 0>} : vector<16xi32>
    %add3A_253 = arith.constant 64 : i32
    %add3A_254 = vector.broadcast %add3A_253 : i32 to vector<16xi32>
    %add3A_255 = arith.addi %iota3A_252, %add3A_254 : vector<16xi32>
    %jit3A_256 = arith.constant 26 : i32
    %div3A_257 = vector.broadcast %jit3A_256 : i32 to vector<16xi32>
    %div3A_258 = arith.divsi %add3A_255, %div3A_257 : vector<16xi32>
    %sign3A_259 = arith.constant 0 : i32
    %sign3A_260 = vector.broadcast %sign3A_259 : i32 to vector<16xi32>
    %sign3A_261 = arith.cmpi sgt, %add3A_255, %sign3A_260 : vector<16xi32>
    %sign3A_262 = arith.extui %sign3A_261 : vector<16xi1> to vector<16xi32>
    %sign3A_263 = arith.constant 0 : i32
    %sign3A_264 = vector.broadcast %sign3A_263 : i32 to vector<16xi32>
    %sign3A_265 = arith.cmpi slt, %add3A_255, %sign3A_264 : vector<16xi32>
    %sign3A_266 = arith.extui %sign3A_265 : vector<16xi1> to vector<16xi32>
    %sign3A_267 = arith.subi %sign3A_262, %sign3A_266 : vector<16xi32>
    %sign3A_268 = arith.constant 0 : i32
    %sign3A_269 = arith.cmpi sgt, %jit3A_256, %sign3A_268 : i32
    %sign3A_270 = arith.extui %sign3A_269 : i1 to i32
    %sign3A_271 = arith.constant 0 : i32
    %sign3A_272 = arith.cmpi slt, %jit3A_256, %sign3A_271 : i32
    %sign3A_273 = arith.extui %sign3A_272 : i1 to i32
    %sign3A_274 = arith.subi %sign3A_270, %sign3A_273 : i32
    %ne3A_275 = vector.broadcast %sign3A_274 : i32 to vector<16xi32>
    %ne3A_276 = arith.cmpi ne, %sign3A_267, %ne3A_275 : vector<16xi32>
    %rem3A_277 = vector.broadcast %jit3A_256 : i32 to vector<16xi32>
    %rem3A_278 = arith.remsi %add3A_255, %rem3A_277 : vector<16xi32>
    %ne3A_279 = arith.constant 0 : i32
    %ne3A_280 = vector.broadcast %ne3A_279 : i32 to vector<16xi32>
    %ne3A_281 = arith.cmpi ne, %rem3A_278, %ne3A_280 : vector<16xi32>
    %and3A_282 = arith.andi %ne3A_276, %ne3A_281 : vector<16xi1>
    %sub3A_283 = arith.constant 1 : i32
    %sub3A_284 = vector.broadcast %sub3A_283 : i32 to vector<16xi32>
    %sub3A_285 = arith.subi %div3A_258, %sub3A_284 : vector<16xi32>
    %select_n3A_286 = arith.select %and3A_282, %sub3A_285, %div3A_258 : vector<16xi1>, vector<16xi32>
    %jit3A_287 = arith.constant 26 : i32
    %eq3A_288 = arith.constant 0 : i32
    %eq3A_289 = arith.cmpi eq, %jit3A_287, %eq3A_288 : i32
    %jit3A_290 = arith.constant 1 : i32
    %select_n3A_291 = arith.select %eq3A_289, %jit3A_290, %jit3A_287 : i32
    %rem3A_292 = vector.broadcast %select_n3A_291 : i32 to vector<16xi32>
    %rem3A_293 = arith.remsi %add3A_255, %rem3A_292 : vector<16xi32>
    %ne3A_294 = arith.constant 0 : i32
    %ne3A_295 = vector.broadcast %ne3A_294 : i32 to vector<16xi32>
    %ne3A_296 = arith.cmpi ne, %rem3A_293, %ne3A_295 : vector<16xi32>
    %lt3A_297 = arith.constant 0 : i32
    %lt3A_298 = vector.broadcast %lt3A_297 : i32 to vector<16xi32>
    %lt3A_299 = arith.cmpi slt, %rem3A_293, %lt3A_298 : vector<16xi32>
    %lt3A_300 = arith.constant 0 : i32
    %lt3A_301 = arith.cmpi slt, %select_n3A_291, %lt3A_300 : i32
    %ne3A_302 = vector.broadcast %lt3A_301 : i1 to vector<16xi1>
    %ne3A_303 = vector.broadcast %ne3A_302 : vector<16xi1> to vector<16xi1>
    %ne3A_304 = arith.xori %lt3A_299, %ne3A_303 : vector<16xi1>
    %and3A_305 = arith.andi %ne3A_304, %ne3A_296 : vector<16xi1>
    %add3A_306 = vector.broadcast %select_n3A_291 : i32 to vector<16xi32>
    %add3A_307 = arith.addi %rem3A_293, %add3A_306 : vector<16xi32>
    %select_n3A_308 = arith.select %and3A_305, %add3A_307, %rem3A_293 : vector<16xi1>, vector<16xi32>
    %iota3A_309 = tpu.iota {dimensions = array<i32: 0>} : vector<16xi32>
    %add3A_310 = arith.constant 80 : i32
    %add3A_311 = vector.broadcast %add3A_310 : i32 to vector<16xi32>
    %add3A_312 = arith.addi %iota3A_309, %add3A_311 : vector<16xi32>
    %jit3A_313 = arith.constant 26 : i32
    %div3A_314 = vector.broadcast %jit3A_313 : i32 to vector<16xi32>
    %div3A_315 = arith.divsi %add3A_312, %div3A_314 : vector<16xi32>
    %sign3A_316 = arith.constant 0 : i32
    %sign3A_317 = vector.broadcast %sign3A_316 : i32 to vector<16xi32>
    %sign3A_318 = arith.cmpi sgt, %add3A_312, %sign3A_317 : vector<16xi32>
    %sign3A_319 = arith.extui %sign3A_318 : vector<16xi1> to vector<16xi32>
    %sign3A_320 = arith.constant 0 : i32
    %sign3A_321 = vector.broadcast %sign3A_320 : i32 to vector<16xi32>
    %sign3A_322 = arith.cmpi slt, %add3A_312, %sign3A_321 : vector<16xi32>
    %sign3A_323 = arith.extui %sign3A_322 : vector<16xi1> to vector<16xi32>
    %sign3A_324 = arith.subi %sign3A_319, %sign3A_323 : vector<16xi32>
    %sign3A_325 = arith.constant 0 : i32
    %sign3A_326 = arith.cmpi sgt, %jit3A_313, %sign3A_325 : i32
    %sign3A_327 = arith.extui %sign3A_326 : i1 to i32
    %sign3A_328 = arith.constant 0 : i32
    %sign3A_329 = arith.cmpi slt, %jit3A_313, %sign3A_328 : i32
    %sign3A_330 = arith.extui %sign3A_329 : i1 to i32
    %sign3A_331 = arith.subi %sign3A_327, %sign3A_330 : i32
    %ne3A_332 = vector.broadcast %sign3A_331 : i32 to vector<16xi32>
    %ne3A_333 = arith.cmpi ne, %sign3A_324, %ne3A_332 : vector<16xi32>
    %rem3A_334 = vector.broadcast %jit3A_313 : i32 to vector<16xi32>
    %rem3A_335 = arith.remsi %add3A_312, %rem3A_334 : vector<16xi32>
    %ne3A_336 = arith.constant 0 : i32
    %ne3A_337 = vector.broadcast %ne3A_336 : i32 to vector<16xi32>
    %ne3A_338 = arith.cmpi ne, %rem3A_335, %ne3A_337 : vector<16xi32>
    %and3A_339 = arith.andi %ne3A_333, %ne3A_338 : vector<16xi1>
    %sub3A_340 = arith.constant 1 : i32
    %sub3A_341 = vector.broadcast %sub3A_340 : i32 to vector<16xi32>
    %sub3A_342 = arith.subi %div3A_315, %sub3A_341 : vector<16xi32>
    %select_n3A_343 = arith.select %and3A_339, %sub3A_342, %div3A_315 : vector<16xi1>, vector<16xi32>
    %jit3A_344 = arith.constant 26 : i32
    %eq3A_345 = arith.constant 0 : i32
    %eq3A_346 = arith.cmpi eq, %jit3A_344, %eq3A_345 : i32
    %jit3A_347 = arith.constant 1 : i32
    %select_n3A_348 = arith.select %eq3A_346, %jit3A_347, %jit3A_344 : i32
    %rem3A_349 = vector.broadcast %select_n3A_348 : i32 to vector<16xi32>
    %rem3A_350 = arith.remsi %add3A_312, %rem3A_349 : vector<16xi32>
    %ne3A_351 = arith.constant 0 : i32
    %ne3A_352 = vector.broadcast %ne3A_351 : i32 to vector<16xi32>
    %ne3A_353 = arith.cmpi ne, %rem3A_350, %ne3A_352 : vector<16xi32>
    %lt3A_354 = arith.constant 0 : i32
    %lt3A_355 = vector.broadcast %lt3A_354 : i32 to vector<16xi32>
    %lt3A_356 = arith.cmpi slt, %rem3A_350, %lt3A_355 : vector<16xi32>
    %lt3A_357 = arith.constant 0 : i32
    %lt3A_358 = arith.cmpi slt, %select_n3A_348, %lt3A_357 : i32
    %ne3A_359 = vector.broadcast %lt3A_358 : i1 to vector<16xi1>
    %ne3A_360 = vector.broadcast %ne3A_359 : vector<16xi1> to vector<16xi1>
    %ne3A_361 = arith.xori %lt3A_356, %ne3A_360 : vector<16xi1>
    %and3A_362 = arith.andi %ne3A_361, %ne3A_353 : vector<16xi1>
    %add3A_363 = vector.broadcast %select_n3A_348 : i32 to vector<16xi32>
    %add3A_364 = arith.addi %rem3A_350, %add3A_363 : vector<16xi32>
    %select_n3A_365 = arith.select %and3A_362, %add3A_364, %rem3A_350 : vector<16xi1>, vector<16xi32>
    %iota3A_366 = tpu.iota {dimensions = array<i32: 0>} : vector<16xi32>
    %add3A_367 = arith.constant 96 : i32
    %add3A_368 = vector.broadcast %add3A_367 : i32 to vector<16xi32>
    %add3A_369 = arith.addi %iota3A_366, %add3A_368 : vector<16xi32>
    %jit3A_370 = arith.constant 26 : i32
    %div3A_371 = vector.broadcast %jit3A_370 : i32 to vector<16xi32>
    %div3A_372 = arith.divsi %add3A_369, %div3A_371 : vector<16xi32>
    %sign3A_373 = arith.constant 0 : i32
    %sign3A_374 = vector.broadcast %sign3A_373 : i32 to vector<16xi32>
    %sign3A_375 = arith.cmpi sgt, %add3A_369, %sign3A_374 : vector<16xi32>
    %sign3A_376 = arith.extui %sign3A_375 : vector<16xi1> to vector<16xi32>
    %sign3A_377 = arith.constant 0 : i32
    %sign3A_378 = vector.broadcast %sign3A_377 : i32 to vector<16xi32>
    %sign3A_379 = arith.cmpi slt, %add3A_369, %sign3A_378 : vector<16xi32>
    %sign3A_380 = arith.extui %sign3A_379 : vector<16xi1> to vector<16xi32>
    %sign3A_381 = arith.subi %sign3A_376, %sign3A_380 : vector<16xi32>
    %sign3A_382 = arith.constant 0 : i32
    %sign3A_383 = arith.cmpi sgt, %jit3A_370, %sign3A_382 : i32
    %sign3A_384 = arith.extui %sign3A_383 : i1 to i32
    %sign3A_385 = arith.constant 0 : i32
    %sign3A_386 = arith.cmpi slt, %jit3A_370, %sign3A_385 : i32
    %sign3A_387 = arith.extui %sign3A_386 : i1 to i32
    %sign3A_388 = arith.subi %sign3A_384, %sign3A_387 : i32
    %ne3A_389 = vector.broadcast %sign3A_388 : i32 to vector<16xi32>
    %ne3A_390 = arith.cmpi ne, %sign3A_381, %ne3A_389 : vector<16xi32>
    %rem3A_391 = vector.broadcast %jit3A_370 : i32 to vector<16xi32>
    %rem3A_392 = arith.remsi %add3A_369, %rem3A_391 : vector<16xi32>
    %ne3A_393 = arith.constant 0 : i32
    %ne3A_394 = vector.broadcast %ne3A_393 : i32 to vector<16xi32>
    %ne3A_395 = arith.cmpi ne, %rem3A_392, %ne3A_394 : vector<16xi32>
    %and3A_396 = arith.andi %ne3A_390, %ne3A_395 : vector<16xi1>
    %sub3A_397 = arith.constant 1 : i32
    %sub3A_398 = vector.broadcast %sub3A_397 : i32 to vector<16xi32>
    %sub3A_399 = arith.subi %div3A_372, %sub3A_398 : vector<16xi32>
    %select_n3A_400 = arith.select %and3A_396, %sub3A_399, %div3A_372 : vector<16xi1>, vector<16xi32>
    %jit3A_401 = arith.constant 26 : i32
    %eq3A_402 = arith.constant 0 : i32
    %eq3A_403 = arith.cmpi eq, %jit3A_401, %eq3A_402 : i32
    %jit3A_404 = arith.constant 1 : i32
    %select_n3A_405 = arith.select %eq3A_403, %jit3A_404, %jit3A_401 : i32
    %rem3A_406 = vector.broadcast %select_n3A_405 : i32 to vector<16xi32>
    %rem3A_407 = arith.remsi %add3A_369, %rem3A_406 : vector<16xi32>
    %ne3A_408 = arith.constant 0 : i32
    %ne3A_409 = vector.broadcast %ne3A_408 : i32 to vector<16xi32>
    %ne3A_410 = arith.cmpi ne, %rem3A_407, %ne3A_409 : vector<16xi32>
    %lt3A_411 = arith.constant 0 : i32
    %lt3A_412 = vector.broadcast %lt3A_411 : i32 to vector<16xi32>
    %lt3A_413 = arith.cmpi slt, %rem3A_407, %lt3A_412 : vector<16xi32>
    %lt3A_414 = arith.constant 0 : i32
    %lt3A_415 = arith.cmpi slt, %select_n3A_405, %lt3A_414 : i32
    %ne3A_416 = vector.broadcast %lt3A_415 : i1 to vector<16xi1>
    %ne3A_417 = vector.broadcast %ne3A_416 : vector<16xi1> to vector<16xi1>
    %ne3A_418 = arith.xori %lt3A_413, %ne3A_417 : vector<16xi1>
    %and3A_419 = arith.andi %ne3A_418, %ne3A_410 : vector<16xi1>
    %add3A_420 = vector.broadcast %select_n3A_405 : i32 to vector<16xi32>
    %add3A_421 = arith.addi %rem3A_407, %add3A_420 : vector<16xi32>
    %select_n3A_422 = arith.select %and3A_419, %add3A_421, %rem3A_407 : vector<16xi1>, vector<16xi32>
    %scan3A = arith.constant 0 : i32
    %scan3A_423 = arith.constant 0 : i32
    %scan3A_424 = arith.constant 32 : i32
    %scan3A_425 = arith.addi %scan3A_423, %scan3A_424 : i32
    %scan3A_426 = arith.constant 1 : i32
    scf.for %scan3A_478 = %scan3A_423 to %scan3A_425 step %scan3A_426  : i32 {
      %mul3A_479 = arith.constant 4 : i32
      %mul3A_480 = arith.muli %scan3A_478, %mul3A_479 : i32
      %add3A_481 = vector.broadcast %mul3A_480 : i32 to vector<16xi32>
      %add3A_482 = arith.addi %add3A_481, %select_n3A : vector<16xi32>
      %min3A = arith.constant 127 : i32
      %min3A_483 = vector.broadcast %min3A : i32 to vector<16xi32>
      %min3A_484 = arith.minsi %add3A_482, %min3A_483 : vector<16xi32>
      %gather3A = tpu.vector_load_idx %arg8[%min3A_484, %select_n3A_80] : memref<128x128xi32, #tpu.memory_space<vmem>>[vector<16xi32>, vector<16xi32>], vector<16xi32>,
      %swap3A = arith.index_cast %scan3A_478 : i32 to index
      %swap3A_485 = arith.constant 0 : index
      %swap3A_486 = tpu.vector_load %arg10[%swap3A, %swap3A_485] {strides = array<i32>} : memref<32x128xi32, #tpu.memory_space<vmem>>, vector<16xi32>,
      tpu.vector_store %arg10[%swap3A, %swap3A_485], %gather3A {strides = array<i32>} : memref<32x128xi32, #tpu.memory_space<vmem>>, vector<16xi32>,
      %gather3A_487 = tpu.vector_load_idx %arg9[%min3A_484, %select_n3A_80] : memref<128x128xi32, #tpu.memory_space<vmem>>[vector<16xi32>, vector<16xi32>], vector<16xi32>,
      %swap3A_488 = arith.index_cast %scan3A_478 : i32 to index
      %swap3A_489 = arith.constant 0 : index
      %swap3A_490 = tpu.vector_load %arg11[%swap3A_488, %swap3A_489] {strides = array<i32>} : memref<32x128xi32, #tpu.memory_space<vmem>>, vector<16xi32>,
      tpu.vector_store %arg11[%swap3A_488, %swap3A_489], %gather3A_487 {strides = array<i32>} : memref<32x128xi32, #tpu.memory_space<vmem>>, vector<16xi32>,
      %add3A_491 = vector.broadcast %mul3A_480 : i32 to vector<16xi32>
      %add3A_492 = arith.addi %add3A_491, %select_n3A_115 : vector<16xi32>
      %min3A_493 = arith.constant 127 : i32
      %min3A_494 = vector.broadcast %min3A_493 : i32 to vector<16xi32>
      %min3A_495 = arith.minsi %add3A_492, %min3A_494 : vector<16xi32>
      %gather3A_496 = tpu.vector_load_idx %arg8[%min3A_495, %select_n3A_137] : memref<128x128xi32, #tpu.memory_space<vmem>>[vector<16xi32>, vector<16xi32>], vector<16xi32>,
      %swap3A_497 = arith.index_cast %scan3A_478 : i32 to index
      %swap3A_498 = arith.constant 16 : index
      %swap3A_499 = tpu.vector_load %arg10[%swap3A_497, %swap3A_498] {strides = array<i32>} : memref<32x128xi32, #tpu.memory_space<vmem>>, vector<16xi32>,
      tpu.vector_store %arg10[%swap3A_497, %swap3A_498], %gather3A_496 {strides = array<i32>} : memref<32x128xi32, #tpu.memory_space<vmem>>, vector<16xi32>,
      %gather3A_500 = tpu.vector_load_idx %arg9[%min3A_495, %select_n3A_137] : memref<128x128xi32, #tpu.memory_space<vmem>>[vector<16xi32>, vector<16xi32>], vector<16xi32>,
      %swap3A_501 = arith.index_cast %scan3A_478 : i32 to index
      %swap3A_502 = arith.constant 16 : index
      %swap3A_503 = tpu.vector_load %arg11[%swap3A_501, %swap3A_502] {strides = array<i32>} : memref<32x128xi32, #tpu.memory_space<vmem>>, vector<16xi32>,
      tpu.vector_store %arg11[%swap3A_501, %swap3A_502], %gather3A_500 {strides = array<i32>} : memref<32x128xi32, #tpu.memory_space<vmem>>, vector<16xi32>,
      %add3A_504 = vector.broadcast %mul3A_480 : i32 to vector<16xi32>
      %add3A_505 = arith.addi %add3A_504, %select_n3A_172 : vector<16xi32>
      %min3A_506 = arith.constant 127 : i32
      %min3A_507 = vector.broadcast %min3A_506 : i32 to vector<16xi32>
      %min3A_508 = arith.minsi %add3A_505, %min3A_507 : vector<16xi32>
      %gather3A_509 = tpu.vector_load_idx %arg8[%min3A_508, %select_n3A_194] : memref<128x128xi32, #tpu.memory_space<vmem>>[vector<16xi32>, vector<16xi32>], vector<16xi32>,
      %swap3A_510 = arith.index_cast %scan3A_478 : i32 to index
      %swap3A_511 = arith.constant 32 : index
      %swap3A_512 = tpu.vector_load %arg10[%swap3A_510, %swap3A_511] {strides = array<i32>} : memref<32x128xi32, #tpu.memory_space<vmem>>, vector<16xi32>,
      tpu.vector_store %arg10[%swap3A_510, %swap3A_511], %gather3A_509 {strides = array<i32>} : memref<32x128xi32, #tpu.memory_space<vmem>>, vector<16xi32>,
      %gather3A_513 = tpu.vector_load_idx %arg9[%min3A_508, %select_n3A_194] : memref<128x128xi32, #tpu.memory_space<vmem>>[vector<16xi32>, vector<16xi32>], vector<16xi32>,
      %swap3A_514 = arith.index_cast %scan3A_478 : i32 to index
      %swap3A_515 = arith.constant 32 : index
      %swap3A_516 = tpu.vector_load %arg11[%swap3A_514, %swap3A_515] {strides = array<i32>} : memref<32x128xi32, #tpu.memory_space<vmem>>, vector<16xi32>,
      tpu.vector_store %arg11[%swap3A_514, %swap3A_515], %gather3A_513 {strides = array<i32>} : memref<32x128xi32, #tpu.memory_space<vmem>>, vector<16xi32>,
      %add3A_517 = vector.broadcast %mul3A_480 : i32 to vector<16xi32>
      %add3A_518 = arith.addi %add3A_517, %select_n3A_229 : vector<16xi32>
      %min3A_519 = arith.constant 127 : i32
      %min3A_520 = vector.broadcast %min3A_519 : i32 to vector<16xi32>
      %min3A_521 = arith.minsi %add3A_518, %min3A_520 : vector<16xi32>
      %gather3A_522 = tpu.vector_load_idx %arg8[%min3A_521, %select_n3A_251] : memref<128x128xi32, #tpu.memory_space<vmem>>[vector<16xi32>, vector<16xi32>], vector<16xi32>,
      %swap3A_523 = arith.index_cast %scan3A_478 : i32 to index
      %swap3A_524 = arith.constant 48 : index
      %swap3A_525 = tpu.vector_load %arg10[%swap3A_523, %swap3A_524] {strides = array<i32>} : memref<32x128xi32, #tpu.memory_space<vmem>>, vector<16xi32>,
      tpu.vector_store %arg10[%swap3A_523, %swap3A_524], %gather3A_522 {strides = array<i32>} : memref<32x128xi32, #tpu.memory_space<vmem>>, vector<16xi32>,
      %gather3A_526 = tpu.vector_load_idx %arg9[%min3A_521, %select_n3A_251] : memref<128x128xi32, #tpu.memory_space<vmem>>[vector<16xi32>, vector<16xi32>], vector<16xi32>,
      %swap3A_527 = arith.index_cast %scan3A_478 : i32 to index
      %swap3A_528 = arith.constant 48 : index
      %swap3A_529 = tpu.vector_load %arg11[%swap3A_527, %swap3A_528] {strides = array<i32>} : memref<32x128xi32, #tpu.memory_space<vmem>>, vector<16xi32>,
      tpu.vector_store %arg11[%swap3A_527, %swap3A_528], %gather3A_526 {strides = array<i32>} : memref<32x128xi32, #tpu.memory_space<vmem>>, vector<16xi32>,
      %add3A_530 = vector.broadcast %mul3A_480 : i32 to vector<16xi32>
      %add3A_531 = arith.addi %add3A_530, %select_n3A_286 : vector<16xi32>
      %min3A_532 = arith.constant 127 : i32
      %min3A_533 = vector.broadcast %min3A_532 : i32 to vector<16xi32>
      %min3A_534 = arith.minsi %add3A_531, %min3A_533 : vector<16xi32>
      %gather3A_535 = tpu.vector_load_idx %arg8[%min3A_534, %select_n3A_308] : memref<128x128xi32, #tpu.memory_space<vmem>>[vector<16xi32>, vector<16xi32>], vector<16xi32>,
      %swap3A_536 = arith.index_cast %scan3A_478 : i32 to index
      %swap3A_537 = arith.constant 64 : index
      %swap3A_538 = tpu.vector_load %arg10[%swap3A_536, %swap3A_537] {strides = array<i32>} : memref<32x128xi32, #tpu.memory_space<vmem>>, vector<16xi32>,
      tpu.vector_store %arg10[%swap3A_536, %swap3A_537], %gather3A_535 {strides = array<i32>} : memref<32x128xi32, #tpu.memory_space<vmem>>, vector<16xi32>,
      %gather3A_539 = tpu.vector_load_idx %arg9[%min3A_534, %select_n3A_308] : memref<128x128xi32, #tpu.memory_space<vmem>>[vector<16xi32>, vector<16xi32>], vector<16xi32>,
      %swap3A_540 = arith.index_cast %scan3A_478 : i32 to index
      %swap3A_541 = arith.constant 64 : index
      %swap3A_542 = tpu.vector_load %arg11[%swap3A_540, %swap3A_541] {strides = array<i32>} : memref<32x128xi32, #tpu.memory_space<vmem>>, vector<16xi32>,
      tpu.vector_store %arg11[%swap3A_540, %swap3A_541], %gather3A_539 {strides = array<i32>} : memref<32x128xi32, #tpu.memory_space<vmem>>, vector<16xi32>,
      %add3A_543 = vector.broadcast %mul3A_480 : i32 to vector<16xi32>
      %add3A_544 = arith.addi %add3A_543, %select_n3A_343 : vector<16xi32>
      %min3A_545 = arith.constant 127 : i32
      %min3A_546 = vector.broadcast %min3A_545 : i32 to vector<16xi32>
      %min3A_547 = arith.minsi %add3A_544, %min3A_546 : vector<16xi32>
      %gather3A_548 = tpu.vector_load_idx %arg8[%min3A_547, %select_n3A_365] : memref<128x128xi32, #tpu.memory_space<vmem>>[vector<16xi32>, vector<16xi32>], vector<16xi32>,
      %swap3A_549 = arith.index_cast %scan3A_478 : i32 to index
      %swap3A_550 = arith.constant 80 : index
      %swap3A_551 = tpu.vector_load %arg10[%swap3A_549, %swap3A_550] {strides = array<i32>} : memref<32x128xi32, #tpu.memory_space<vmem>>, vector<16xi32>,
      tpu.vector_store %arg10[%swap3A_549, %swap3A_550], %gather3A_548 {strides = array<i32>} : memref<32x128xi32, #tpu.memory_space<vmem>>, vector<16xi32>,
      %gather3A_552 = tpu.vector_load_idx %arg9[%min3A_547, %select_n3A_365] : memref<128x128xi32, #tpu.memory_space<vmem>>[vector<16xi32>, vector<16xi32>], vector<16xi32>,
      %swap3A_553 = arith.index_cast %scan3A_478 : i32 to index
      %swap3A_554 = arith.constant 80 : index
      %swap3A_555 = tpu.vector_load %arg11[%swap3A_553, %swap3A_554] {strides = array<i32>} : memref<32x128xi32, #tpu.memory_space<vmem>>, vector<16xi32>,
      tpu.vector_store %arg11[%swap3A_553, %swap3A_554], %gather3A_552 {strides = array<i32>} : memref<32x128xi32, #tpu.memory_space<vmem>>, vector<16xi32>,
      %add3A_556 = vector.broadcast %mul3A_480 : i32 to vector<16xi32>
      %add3A_557 = arith.addi %add3A_556, %select_n3A_400 : vector<16xi32>
      %min3A_558 = arith.constant 127 : i32
      %min3A_559 = vector.broadcast %min3A_558 : i32 to vector<16xi32>
      %min3A_560 = arith.minsi %add3A_557, %min3A_559 : vector<16xi32>
      %gather3A_561 = tpu.vector_load_idx %arg8[%min3A_560, %select_n3A_422] : memref<128x128xi32, #tpu.memory_space<vmem>>[vector<16xi32>, vector<16xi32>], vector<16xi32>,
      %swap3A_562 = arith.index_cast %scan3A_478 : i32 to index
      %swap3A_563 = arith.constant 96 : index
      %swap3A_564 = tpu.vector_load %arg10[%swap3A_562, %swap3A_563] {strides = array<i32>} : memref<32x128xi32, #tpu.memory_space<vmem>>, vector<16xi32>,
      tpu.vector_store %arg10[%swap3A_562, %swap3A_563], %gather3A_561 {strides = array<i32>} : memref<32x128xi32, #tpu.memory_space<vmem>>, vector<16xi32>,
      %gather3A_565 = tpu.vector_load_idx %arg9[%min3A_560, %select_n3A_422] : memref<128x128xi32, #tpu.memory_space<vmem>>[vector<16xi32>, vector<16xi32>], vector<16xi32>,
      %swap3A_566 = arith.index_cast %scan3A_478 : i32 to index
      %swap3A_567 = arith.constant 96 : index
      %swap3A_568 = tpu.vector_load %arg11[%swap3A_566, %swap3A_567] {strides = array<i32>} : memref<32x128xi32, #tpu.memory_space<vmem>>, vector<16xi32>,
      tpu.vector_store %arg11[%swap3A_566, %swap3A_567], %gather3A_565 {strides = array<i32>} : memref<32x128xi32, #tpu.memory_space<vmem>>, vector<16xi32>,
    }
    %scan3A_427 = arith.constant 32 : i32
    %dma_start3A = arith.constant 0 : i32
    %dma_start3A_428 = arith.constant 0 : i32
    %dma_start3A_429 = tpu.memref_slice %arg10[%dma_start3A, %dma_start3A_428] : memref<32x128xi32, #tpu.memory_space<vmem>> -> memref<1x104xi32, #tpu.memory_space<vmem>>
    %dma_start3A_430 = tpu.memref_squeeze %dma_start3A_429 : memref<1x104xi32, #tpu.memory_space<vmem>> -> memref<104xi32, #tpu.memory_space<vmem>>
    %dma_start3A_431 = arith.constant 0 : i32
    %dma_start3A_432 = arith.constant 0 : i32
    %dma_start3A_433 = tpu.memref_slice %arg4[%dma_start3A_431, %dma_start3A_432] : memref<106496x128xf32, #tpu.memory_space<hbm>> -> memref<106496x128xf32, #tpu.memory_space<hbm>>
    tpu.enqueue_indirect_dma source(%dma_start3A_433 : memref<106496x128xf32, #tpu.memory_space<hbm>>) target(%arg13 : memref<104x128xf32, #tpu.memory_space<vmem>>) offsets(%dma_start3A_430 : memref<104xi32, #tpu.memory_space<vmem>>) semaphore(%arg19 : memref<!tpu.dma_semaphore, #tpu.memory_space<semaphore_mem>>)
    %dma_start3A_434 = arith.constant 0 : i32
    %dma_start3A_435 = arith.constant 0 : i32
    %dma_start3A_436 = tpu.memref_slice %arg11[%dma_start3A_434, %dma_start3A_435] : memref<32x128xi32, #tpu.memory_space<vmem>> -> memref<1x104xi32, #tpu.memory_space<vmem>>
    %dma_start3A_437 = tpu.memref_squeeze %dma_start3A_436 : memref<1x104xi32, #tpu.memory_space<vmem>> -> memref<104xi32, #tpu.memory_space<vmem>>
    %dma_start3A_438 = arith.constant 0 : i32
    %dma_start3A_439 = arith.constant 0 : i32
    %dma_start3A_440 = tpu.memref_slice %arg4[%dma_start3A_438, %dma_start3A_439] : memref<106496x128xf32, #tpu.memory_space<hbm>> -> memref<106496x128xf32, #tpu.memory_space<hbm>>
    tpu.enqueue_indirect_dma source(%dma_start3A_440 : memref<106496x128xf32, #tpu.memory_space<hbm>>) target(%arg14 : memref<104x128xf32, #tpu.memory_space<vmem>>) offsets(%dma_start3A_437 : memref<104xi32, #tpu.memory_space<vmem>>) semaphore(%arg19 : memref<!tpu.dma_semaphore, #tpu.memory_space<semaphore_mem>>)
    %add3A_441 = arith.constant 0 : i32
    %add3A_442 = arith.addi %mul3A_2, %add3A_441 : i32
    %dma_start3A_443 = arith.constant 0 : i32
    %dma_start3A_444 = arith.constant 0 : i32
    %dma_start3A_445 = tpu.memref_slice %arg7[%add3A_442, %dma_start3A_443, %dma_start3A_444] : memref<4096x32x128xf32, #tpu.memory_space<hbm>> -> memref<4x26x64xf32, #tpu.memory_space<hbm>>
    %dma_start3A_446 = arith.constant 0 : i32
    %dma_start3A_447 = arith.constant 0 : i32
    %dma_start3A_448 = tpu.memref_slice %arg7[%add3A_442, %dma_start3A_446, %dma_start3A_447] : memref<4096x32x128xf32, #tpu.memory_space<hbm>> -> memref<4x26x64xf32, #tpu.memory_space<hbm>>
    tpu.enqueue_dma source(%arg17 : memref<4x26x64xf32, #tpu.memory_space<vmem>>) target(%dma_start3A_448 : memref<4x26x64xf32, #tpu.memory_space<hbm>>) target_semaphore(%arg21 : memref<!tpu.dma_semaphore, #tpu.memory_space<semaphore_mem>>)
    %add3A_449 = arith.constant 4 : i32
    %add3A_450 = arith.addi %mul3A_2, %add3A_449 : i32
    %dma_start3A_451 = arith.constant 0 : i32
    %dma_start3A_452 = arith.constant 0 : i32
    %dma_start3A_453 = tpu.memref_slice %arg7[%add3A_450, %dma_start3A_451, %dma_start3A_452] : memref<4096x32x128xf32, #tpu.memory_space<hbm>> -> memref<4x26x64xf32, #tpu.memory_space<hbm>>
    %dma_start3A_454 = arith.constant 0 : i32
    %dma_start3A_455 = arith.constant 0 : i32
    %dma_start3A_456 = tpu.memref_slice %arg7[%add3A_450, %dma_start3A_454, %dma_start3A_455] : memref<4096x32x128xf32, #tpu.memory_space<hbm>> -> memref<4x26x64xf32, #tpu.memory_space<hbm>>
    tpu.enqueue_dma source(%arg18 : memref<4x26x64xf32, #tpu.memory_space<vmem>>) target(%dma_start3A_456 : memref<4x26x64xf32, #tpu.memory_space<hbm>>) target_semaphore(%arg22 : memref<!tpu.dma_semaphore, #tpu.memory_space<semaphore_mem>>)
    %scan3A_457 = arith.constant 0 : i32
    %scan3A_458 = arith.constant 0 : i32
    %scan3A_459 = arith.constant 16 : i32
    %scan3A_460 = arith.addi %scan3A_458, %scan3A_459 : i32
    %scan3A_461 = arith.constant 1 : i32
    scf.for %scan3A_478 = %scan3A_458 to %scan3A_460 step %scan3A_461  : i32 {
      %mul3A_479 = arith.constant 2 : i32
      %mul3A_480 = arith.muli %mul3A_479, %scan3A_478 : i32
      %dma_wait3A_481 = arith.constant 0 : i32
      %dma_wait3A_482 = arith.constant 0 : i32
      %dma_wait3A_483 = tpu.memref_slice %arg10[%dma_wait3A_481, %dma_wait3A_482] : memref<32x128xi32, #tpu.memory_space<vmem>> -> memref<1x104xi32, #tpu.memory_space<vmem>>
      %dma_wait3A_484 = tpu.memref_squeeze %dma_wait3A_483 : memref<1x104xi32, #tpu.memory_space<vmem>> -> memref<104xi32, #tpu.memory_space<vmem>>
      %dma_wait3A_485 = arith.constant 0 : i32
      %dma_wait3A_486 = arith.constant 0 : i32
      %dma_wait3A_487 = tpu.memref_slice %arg4[%dma_wait3A_485, %dma_wait3A_486] : memref<106496x128xf32, #tpu.memory_space<hbm>> -> memref<106496x128xf32, #tpu.memory_space<hbm>>
      tpu.wait_indirect_dma semaphore(%arg19 : memref<!tpu.dma_semaphore, #tpu.memory_space<semaphore_mem>>) src(%dma_wait3A_487 : memref<106496x128xf32, #tpu.memory_space<hbm>>) dst(%arg13 : memref<104x128xf32, #tpu.memory_space<vmem>>)
      %dma_wait3A_488 = arith.constant 0 : i32
      %dma_wait3A_489 = arith.constant 0 : i32
      %dma_wait3A_490 = tpu.memref_slice %arg11[%dma_wait3A_488, %dma_wait3A_489] : memref<32x128xi32, #tpu.memory_space<vmem>> -> memref<1x104xi32, #tpu.memory_space<vmem>>
      %dma_wait3A_491 = tpu.memref_squeeze %dma_wait3A_490 : memref<1x104xi32, #tpu.memory_space<vmem>> -> memref<104xi32, #tpu.memory_space<vmem>>
      %dma_wait3A_492 = arith.constant 0 : i32
      %dma_wait3A_493 = arith.constant 0 : i32
      %dma_wait3A_494 = tpu.memref_slice %arg4[%dma_wait3A_492, %dma_wait3A_493] : memref<106496x128xf32, #tpu.memory_space<hbm>> -> memref<106496x128xf32, #tpu.memory_space<hbm>>
      tpu.wait_indirect_dma semaphore(%arg19 : memref<!tpu.dma_semaphore, #tpu.memory_space<semaphore_mem>>) src(%dma_wait3A_494 : memref<106496x128xf32, #tpu.memory_space<hbm>>) dst(%arg14 : memref<104x128xf32, #tpu.memory_space<vmem>>)
      %add3A_495 = arith.constant 1 : i32
      %add3A_496 = arith.addi %mul3A_480, %add3A_495 : i32
      %dma_start3A_497 = arith.constant 0 : i32
      %dma_start3A_498 = tpu.memref_slice %arg10[%add3A_496, %dma_start3A_497] : memref<32x128xi32, #tpu.memory_space<vmem>> -> memref<1x104xi32, #tpu.memory_space<vmem>>
      %dma_start3A_499 = tpu.memref_squeeze %dma_start3A_498 : memref<1x104xi32, #tpu.memory_space<vmem>> -> memref<104xi32, #tpu.memory_space<vmem>>
      %dma_start3A_500 = arith.constant 0 : i32
      %dma_start3A_501 = arith.constant 0 : i32
      %dma_start3A_502 = tpu.memref_slice %arg4[%dma_start3A_500, %dma_start3A_501] : memref<106496x128xf32, #tpu.memory_space<hbm>> -> memref<106496x128xf32, #tpu.memory_space<hbm>>
      tpu.enqueue_indirect_dma source(%dma_start3A_502 : memref<106496x128xf32, #tpu.memory_space<hbm>>) target(%arg15 : memref<104x128xf32, #tpu.memory_space<vmem>>) offsets(%dma_start3A_499 : memref<104xi32, #tpu.memory_space<vmem>>) semaphore(%arg20 : memref<!tpu.dma_semaphore, #tpu.memory_space<semaphore_mem>>)
      %dma_start3A_503 = arith.constant 0 : i32
      %dma_start3A_504 = tpu.memref_slice %arg11[%add3A_496, %dma_start3A_503] : memref<32x128xi32, #tpu.memory_space<vmem>> -> memref<1x104xi32, #tpu.memory_space<vmem>>
      %dma_start3A_505 = tpu.memref_squeeze %dma_start3A_504 : memref<1x104xi32, #tpu.memory_space<vmem>> -> memref<104xi32, #tpu.memory_space<vmem>>
      %dma_start3A_506 = arith.constant 0 : i32
      %dma_start3A_507 = arith.constant 0 : i32
      %dma_start3A_508 = tpu.memref_slice %arg4[%dma_start3A_506, %dma_start3A_507] : memref<106496x128xf32, #tpu.memory_space<hbm>> -> memref<106496x128xf32, #tpu.memory_space<hbm>>
      tpu.enqueue_indirect_dma source(%dma_start3A_508 : memref<106496x128xf32, #tpu.memory_space<hbm>>) target(%arg16 : memref<104x128xf32, #tpu.memory_space<vmem>>) offsets(%dma_start3A_505 : memref<104xi32, #tpu.memory_space<vmem>>) semaphore(%arg20 : memref<!tpu.dma_semaphore, #tpu.memory_space<semaphore_mem>>)
      %add3A_509 = arith.constant 0 : i32
      %add3A_510 = arith.addi %mul3A_2, %add3A_509 : i32
      %dma_wait3A_511 = arith.constant 0 : i32
      %dma_wait3A_512 = arith.constant 0 : i32
      %dma_wait3A_513 = tpu.memref_slice %arg7[%add3A_510, %dma_wait3A_511, %dma_wait3A_512] : memref<4096x32x128xf32, #tpu.memory_space<hbm>> -> memref<4x26x64xf32, #tpu.memory_space<hbm>>
      %dma_wait3A_514 = arith.constant 0 : i32
      %dma_wait3A_515 = arith.constant 0 : i32
      %dma_wait3A_516 = tpu.memref_slice %arg7[%add3A_510, %dma_wait3A_514, %dma_wait3A_515] : memref<4096x32x128xf32, #tpu.memory_space<hbm>> -> memref<4x26x64xf32, #tpu.memory_space<hbm>>
      tpu.wait_dma2 semaphore(%arg21 : memref<!tpu.dma_semaphore, #tpu.memory_space<semaphore_mem>>) src(%arg17 : memref<4x26x64xf32, #tpu.memory_space<vmem>>) dst(%dma_wait3A_516 : memref<4x26x64xf32, #tpu.memory_space<hbm>>)
      %parallel_loop3A = arith.constant 0 : i32
      %parallel_loop3A_517 = arith.constant 104 : i32
      %parallel_loop3A_518 = arith.constant 1 : i32
      scf.for %parallel_loop3A_567 = %parallel_loop3A to %parallel_loop3A_517 step %parallel_loop3A_518  : i32 {
        %parallel_loop3A_568 = arith.constant 26 : i32
        %parallel_loop3A_569 = arith.divsi %parallel_loop3A_567, %parallel_loop3A_568 : i32
        %parallel_loop3A_570 = arith.constant 0 : i32
        %parallel_loop3A_571 = arith.cmpi sgt, %parallel_loop3A_567, %parallel_loop3A_570 : i32
        %parallel_loop3A_572 = arith.extui %parallel_loop3A_571 : i1 to i32
        %parallel_loop3A_573 = arith.constant 0 : i32
        %parallel_loop3A_574 = arith.cmpi slt, %parallel_loop3A_567, %parallel_loop3A_573 : i32
        %parallel_loop3A_575 = arith.extui %parallel_loop3A_574 : i1 to i32
        %parallel_loop3A_576 = arith.subi %parallel_loop3A_572, %parallel_loop3A_575 : i32
        %parallel_loop3A_577 = arith.constant 0 : i32
        %parallel_loop3A_578 = arith.cmpi sgt, %parallel_loop3A_568, %parallel_loop3A_577 : i32
        %parallel_loop3A_579 = arith.extui %parallel_loop3A_578 : i1 to i32
        %parallel_loop3A_580 = arith.constant 0 : i32
        %parallel_loop3A_581 = arith.cmpi slt, %parallel_loop3A_568, %parallel_loop3A_580 : i32
        %parallel_loop3A_582 = arith.extui %parallel_loop3A_581 : i1 to i32
        %parallel_loop3A_583 = arith.subi %parallel_loop3A_579, %parallel_loop3A_582 : i32
        %parallel_loop3A_584 = arith.cmpi ne, %parallel_loop3A_576, %parallel_loop3A_583 : i32
        %parallel_loop3A_585 = arith.remsi %parallel_loop3A_567, %parallel_loop3A_568 : i32
        %parallel_loop3A_586 = arith.constant 0 : i32
        %parallel_loop3A_587 = arith.cmpi ne, %parallel_loop3A_585, %parallel_loop3A_586 : i32
        %parallel_loop3A_588 = arith.andi %parallel_loop3A_584, %parallel_loop3A_587 : i1
        %parallel_loop3A_589 = arith.constant 1 : i32
        %parallel_loop3A_590 = arith.subi %parallel_loop3A_569, %parallel_loop3A_589 : i32
        %parallel_loop3A_591 = arith.select %parallel_loop3A_588, %parallel_loop3A_590, %parallel_loop3A_569 : i32
        %parallel_loop3A_592 = arith.constant 26 : i32
        %parallel_loop3A_593 = arith.muli %parallel_loop3A_591, %parallel_loop3A_592 : i32
        %parallel_loop3A_594 = arith.subi %parallel_loop3A_567, %parallel_loop3A_593 : i32
        %parallel_loop3A_595 = arith.index_cast %parallel_loop3A_567 : i32 to index
        %parallel_loop3A_596 = arith.constant 0 : index
        %parallel_loop3A_597 = tpu.vector_load %arg13[%parallel_loop3A_595, %parallel_loop3A_596] {strides = array<i32>} : memref<104x128xf32, #tpu.memory_space<vmem>>, vector<16xf32>,
        %parallel_loop3A_598 = arith.index_cast %parallel_loop3A_567 : i32 to index
        %parallel_loop3A_599 = arith.constant 64 : index
        %parallel_loop3A_600 = tpu.vector_load %arg14[%parallel_loop3A_598, %parallel_loop3A_599] {strides = array<i32>} : memref<104x128xf32, #tpu.memory_space<vmem>>, vector<16xf32>,
        %parallel_loop3A_601 = arith.addf %parallel_loop3A_597, %parallel_loop3A_600 : vector<16xf32>
        %parallel_loop3A_602 = arith.index_cast %parallel_loop3A_567 : i32 to index
        %parallel_loop3A_603 = arith.constant 16 : index
        %parallel_loop3A_604 = tpu.vector_load %arg13[%parallel_loop3A_602, %parallel_loop3A_603] {strides = array<i32>} : memref<104x128xf32, #tpu.memory_space<vmem>>, vector<16xf32>,
        %parallel_loop3A_605 = arith.index_cast %parallel_loop3A_567 : i32 to index
        %parallel_loop3A_606 = arith.constant 80 : index
        %parallel_loop3A_607 = tpu.vector_load %arg14[%parallel_loop3A_605, %parallel_loop3A_606] {strides = array<i32>} : memref<104x128xf32, #tpu.memory_space<vmem>>, vector<16xf32>,
        %parallel_loop3A_608 = arith.addf %parallel_loop3A_604, %parallel_loop3A_607 : vector<16xf32>
        %parallel_loop3A_609 = arith.index_cast %parallel_loop3A_567 : i32 to index
        %parallel_loop3A_610 = arith.constant 32 : index
        %parallel_loop3A_611 = tpu.vector_load %arg13[%parallel_loop3A_609, %parallel_loop3A_610] {strides = array<i32>} : memref<104x128xf32, #tpu.memory_space<vmem>>, vector<16xf32>,
        %parallel_loop3A_612 = arith.index_cast %parallel_loop3A_567 : i32 to index
        %parallel_loop3A_613 = arith.constant 96 : index
        %parallel_loop3A_614 = tpu.vector_load %arg14[%parallel_loop3A_612, %parallel_loop3A_613] {strides = array<i32>} : memref<104x128xf32, #tpu.memory_space<vmem>>, vector<16xf32>,
        %parallel_loop3A_615 = arith.addf %parallel_loop3A_611, %parallel_loop3A_614 : vector<16xf32>
        %parallel_loop3A_616 = arith.index_cast %parallel_loop3A_567 : i32 to index
        %parallel_loop3A_617 = arith.constant 48 : index
        %parallel_loop3A_618 = tpu.vector_load %arg13[%parallel_loop3A_616, %parallel_loop3A_617] {strides = array<i32>} : memref<104x128xf32, #tpu.memory_space<vmem>>, vector<16xf32>,
        %parallel_loop3A_619 = arith.index_cast %parallel_loop3A_567 : i32 to index
        %parallel_loop3A_620 = arith.constant 112 : index
        %parallel_loop3A_621 = tpu.vector_load %arg14[%parallel_loop3A_619, %parallel_loop3A_620] {strides = array<i32>} : memref<104x128xf32, #tpu.memory_space<vmem>>, vector<16xf32>,
        %parallel_loop3A_622 = arith.addf %parallel_loop3A_618, %parallel_loop3A_621 : vector<16xf32>
        %parallel_loop3A_623 = arith.addf %parallel_loop3A_601, %parallel_loop3A_608 : vector<16xf32>
        %parallel_loop3A_624 = arith.addf %parallel_loop3A_615, %parallel_loop3A_622 : vector<16xf32>
        %parallel_loop3A_625 = arith.addf %parallel_loop3A_623, %parallel_loop3A_624 : vector<16xf32>
        %parallel_loop3A_626 = arith.constant true
        %parallel_loop3A_627 = vector.broadcast %parallel_loop3A_626 : i1 to vector<16xi1>
        %parallel_loop3A_628 = tpu.scan <sum>, %parallel_loop3A_625 masked %parallel_loop3A_627 : vector<16xf32>, vector<16xi1> -> vector<16xf32>
        %parallel_loop3A_629 = vector.extract %parallel_loop3A_628[15] : f32 from vector<16xf32>
        %parallel_loop3A_630 = arith.mulf %parallel_loop3A_601, %parallel_loop3A_601 : vector<16xf32>
        %parallel_loop3A_631 = arith.mulf %parallel_loop3A_608, %parallel_loop3A_608 : vector<16xf32>
        %parallel_loop3A_632 = arith.addf %parallel_loop3A_630, %parallel_loop3A_631 : vector<16xf32>
        %parallel_loop3A_633 = arith.mulf %parallel_loop3A_615, %parallel_loop3A_615 : vector<16xf32>
        %parallel_loop3A_634 = arith.mulf %parallel_loop3A_622, %parallel_loop3A_622 : vector<16xf32>
        %parallel_loop3A_635 = arith.addf %parallel_loop3A_633, %parallel_loop3A_634 : vector<16xf32>
        %parallel_loop3A_636 = arith.addf %parallel_loop3A_632, %parallel_loop3A_635 : vector<16xf32>
        %parallel_loop3A_637 = arith.constant true
        %parallel_loop3A_638 = vector.broadcast %parallel_loop3A_637 : i1 to vector<16xi1>
        %parallel_loop3A_639 = tpu.scan <sum>, %parallel_loop3A_636 masked %parallel_loop3A_638 : vector<16xf32>, vector<16xi1> -> vector<16xf32>
        %parallel_loop3A_640 = vector.extract %parallel_loop3A_639[15] : f32 from vector<16xf32>
        %parallel_loop3A_641 = arith.constant 1.562500e-02 : f32
        %parallel_loop3A_642 = arith.mulf %parallel_loop3A_629, %parallel_loop3A_641 : f32
        %parallel_loop3A_643 = arith.constant 1.562500e-02 : f32
        %parallel_loop3A_644 = arith.mulf %parallel_loop3A_640, %parallel_loop3A_643 : f32
        %parallel_loop3A_645 = arith.mulf %parallel_loop3A_642, %parallel_loop3A_642 : f32
        %parallel_loop3A_646 = arith.subf %parallel_loop3A_644, %parallel_loop3A_645 : f32
        %parallel_loop3A_647 = arith.constant 9.99999974E-6 : f32
        %parallel_loop3A_648 = arith.addf %parallel_loop3A_646, %parallel_loop3A_647 : f32
        %parallel_loop3A_649 = arith.bitcast %parallel_loop3A_648 : f32 to i32
        %parallel_loop3A_650 = arith.constant 1 : i32
        %parallel_loop3A_651 = arith.shrsi %parallel_loop3A_649, %parallel_loop3A_650 : i32
        %parallel_loop3A_652 = arith.constant 1597463007 : i32
        %parallel_loop3A_653 = arith.subi %parallel_loop3A_652, %parallel_loop3A_651 : i32
        %parallel_loop3A_654 = arith.bitcast %parallel_loop3A_653 : i32 to f32
        %parallel_loop3A_655 = arith.constant 5.000000e-01 : f32
        %parallel_loop3A_656 = arith.mulf %parallel_loop3A_655, %parallel_loop3A_648 : f32
        %parallel_loop3A_657 = arith.mulf %parallel_loop3A_656, %parallel_loop3A_654 : f32
        %parallel_loop3A_658 = arith.mulf %parallel_loop3A_657, %parallel_loop3A_654 : f32
        %parallel_loop3A_659 = arith.constant 1.500000e+00 : f32
        %parallel_loop3A_660 = arith.subf %parallel_loop3A_659, %parallel_loop3A_658 : f32
        %parallel_loop3A_661 = arith.mulf %parallel_loop3A_654, %parallel_loop3A_660 : f32
        %parallel_loop3A_662 = arith.constant 5.000000e-01 : f32
        %parallel_loop3A_663 = arith.mulf %parallel_loop3A_662, %parallel_loop3A_648 : f32
        %parallel_loop3A_664 = arith.mulf %parallel_loop3A_663, %parallel_loop3A_661 : f32
        %parallel_loop3A_665 = arith.mulf %parallel_loop3A_664, %parallel_loop3A_661 : f32
        %parallel_loop3A_666 = arith.constant 1.500000e+00 : f32
        %parallel_loop3A_667 = arith.subf %parallel_loop3A_666, %parallel_loop3A_665 : f32
        %parallel_loop3A_668 = arith.mulf %parallel_loop3A_661, %parallel_loop3A_667 : f32
        %parallel_loop3A_669 = arith.constant 5.000000e-01 : f32
        %parallel_loop3A_670 = arith.mulf %parallel_loop3A_669, %parallel_loop3A_648 : f32
        %parallel_loop3A_671 = arith.mulf %parallel_loop3A_670, %parallel_loop3A_668 : f32
        %parallel_loop3A_672 = arith.mulf %parallel_loop3A_671, %parallel_loop3A_668 : f32
        %parallel_loop3A_673 = arith.constant 1.500000e+00 : f32
        %parallel_loop3A_674 = arith.subf %parallel_loop3A_673, %parallel_loop3A_672 : f32
        %parallel_loop3A_675 = arith.mulf %parallel_loop3A_668, %parallel_loop3A_674 : f32
        %parallel_loop3A_676 = vector.broadcast %parallel_loop3A_642 : f32 to vector<16xf32>
        %parallel_loop3A_677 = arith.subf %parallel_loop3A_601, %parallel_loop3A_676 : vector<16xf32>
        %parallel_loop3A_678 = vector.broadcast %parallel_loop3A_675 : f32 to vector<16xf32>
        %parallel_loop3A_679 = arith.mulf %parallel_loop3A_678, %get3A_6 : vector<16xf32>
        %parallel_loop3A_680 = arith.mulf %parallel_loop3A_677, %parallel_loop3A_679 : vector<16xf32>
        %parallel_loop3A_681 = arith.addf %parallel_loop3A_680, %get3A_22 : vector<16xf32>
        %parallel_loop3A_682 = arith.index_cast %parallel_loop3A_591 : i32 to index
        %parallel_loop3A_683 = arith.index_cast %parallel_loop3A_594 : i32 to index
        %parallel_loop3A_684 = arith.constant 0 : index
        %parallel_loop3A_685 = tpu.vector_load %arg17[%parallel_loop3A_682, %parallel_loop3A_683, %parallel_loop3A_684] {strides = array<i32>} : memref<4x26x64xf32, #tpu.memory_space<vmem>>, vector<16xf32>,
        tpu.vector_store %arg17[%parallel_loop3A_682, %parallel_loop3A_683, %parallel_loop3A_684], %parallel_loop3A_681 {strides = array<i32>} : memref<4x26x64xf32, #tpu.memory_space<vmem>>, vector<16xf32>,
        %parallel_loop3A_686 = vector.broadcast %parallel_loop3A_642 : f32 to vector<16xf32>
        %parallel_loop3A_687 = arith.subf %parallel_loop3A_608, %parallel_loop3A_686 : vector<16xf32>
        %parallel_loop3A_688 = vector.broadcast %parallel_loop3A_675 : f32 to vector<16xf32>
        %parallel_loop3A_689 = arith.mulf %parallel_loop3A_688, %get3A_10 : vector<16xf32>
        %parallel_loop3A_690 = arith.mulf %parallel_loop3A_687, %parallel_loop3A_689 : vector<16xf32>
        %parallel_loop3A_691 = arith.addf %parallel_loop3A_690, %get3A_26 : vector<16xf32>
        %parallel_loop3A_692 = arith.index_cast %parallel_loop3A_591 : i32 to index
        %parallel_loop3A_693 = arith.index_cast %parallel_loop3A_594 : i32 to index
        %parallel_loop3A_694 = arith.constant 16 : index
        %parallel_loop3A_695 = tpu.vector_load %arg17[%parallel_loop3A_692, %parallel_loop3A_693, %parallel_loop3A_694] {strides = array<i32>} : memref<4x26x64xf32, #tpu.memory_space<vmem>>, vector<16xf32>,
        tpu.vector_store %arg17[%parallel_loop3A_692, %parallel_loop3A_693, %parallel_loop3A_694], %parallel_loop3A_691 {strides = array<i32>} : memref<4x26x64xf32, #tpu.memory_space<vmem>>, vector<16xf32>,
        %parallel_loop3A_696 = vector.broadcast %parallel_loop3A_642 : f32 to vector<16xf32>
        %parallel_loop3A_697 = arith.subf %parallel_loop3A_615, %parallel_loop3A_696 : vector<16xf32>
        %parallel_loop3A_698 = vector.broadcast %parallel_loop3A_675 : f32 to vector<16xf32>
        %parallel_loop3A_699 = arith.mulf %parallel_loop3A_698, %get3A_14 : vector<16xf32>
        %parallel_loop3A_700 = arith.mulf %parallel_loop3A_697, %parallel_loop3A_699 : vector<16xf32>
        %parallel_loop3A_701 = arith.addf %parallel_loop3A_700, %get3A_30 : vector<16xf32>
        %parallel_loop3A_702 = arith.index_cast %parallel_loop3A_591 : i32 to index
        %parallel_loop3A_703 = arith.index_cast %parallel_loop3A_594 : i32 to index
        %parallel_loop3A_704 = arith.constant 32 : index
        %parallel_loop3A_705 = tpu.vector_load %arg17[%parallel_loop3A_702, %parallel_loop3A_703, %parallel_loop3A_704] {strides = array<i32>} : memref<4x26x64xf32, #tpu.memory_space<vmem>>, vector<16xf32>,
        tpu.vector_store %arg17[%parallel_loop3A_702, %parallel_loop3A_703, %parallel_loop3A_704], %parallel_loop3A_701 {strides = array<i32>} : memref<4x26x64xf32, #tpu.memory_space<vmem>>, vector<16xf32>,
        %parallel_loop3A_706 = vector.broadcast %parallel_loop3A_642 : f32 to vector<16xf32>
        %parallel_loop3A_707 = arith.subf %parallel_loop3A_622, %parallel_loop3A_706 : vector<16xf32>
        %parallel_loop3A_708 = vector.broadcast %parallel_loop3A_675 : f32 to vector<16xf32>
        %parallel_loop3A_709 = arith.mulf %parallel_loop3A_708, %get3A_18 : vector<16xf32>
        %parallel_loop3A_710 = arith.mulf %parallel_loop3A_707, %parallel_loop3A_709 : vector<16xf32>
        %parallel_loop3A_711 = arith.addf %parallel_loop3A_710, %get3A_34 : vector<16xf32>
        %parallel_loop3A_712 = arith.index_cast %parallel_loop3A_591 : i32 to index
        %parallel_loop3A_713 = arith.index_cast %parallel_loop3A_594 : i32 to index
        %parallel_loop3A_714 = arith.constant 48 : index
        %parallel_loop3A_715 = tpu.vector_load %arg17[%parallel_loop3A_712, %parallel_loop3A_713, %parallel_loop3A_714] {strides = array<i32>} : memref<4x26x64xf32, #tpu.memory_space<vmem>>, vector<16xf32>,
        tpu.vector_store %arg17[%parallel_loop3A_712, %parallel_loop3A_713, %parallel_loop3A_714], %parallel_loop3A_711 {strides = array<i32>} : memref<4x26x64xf32, #tpu.memory_space<vmem>>, vector<16xf32>,
      } {sc.loop_unroll_factor = 8 : i64, sc.parallel_access}
      %mul3A_519 = arith.constant 4 : i32
      %mul3A_520 = arith.muli %mul3A_480, %mul3A_519 : i32
      %add3A_521 = arith.addi %mul3A_2, %mul3A_520 : i32
      %dma_start3A_522 = arith.constant 0 : i32
      %dma_start3A_523 = arith.constant 0 : i32
      %dma_start3A_524 = tpu.memref_slice %arg7[%add3A_521, %dma_start3A_522, %dma_start3A_523] : memref<4096x32x128xf32, #tpu.memory_space<hbm>> -> memref<4x26x64xf32, #tpu.memory_space<hbm>>
      %dma_start3A_525 = arith.constant 0 : i32
      %dma_start3A_526 = arith.constant 0 : i32
      %dma_start3A_527 = tpu.memref_slice %arg7[%add3A_521, %dma_start3A_525, %dma_start3A_526] : memref<4096x32x128xf32, #tpu.memory_space<hbm>> -> memref<4x26x64xf32, #tpu.memory_space<hbm>>
      tpu.enqueue_dma source(%arg17 : memref<4x26x64xf32, #tpu.memory_space<vmem>>) target(%dma_start3A_527 : memref<4x26x64xf32, #tpu.memory_space<hbm>>) target_semaphore(%arg21 : memref<!tpu.dma_semaphore, #tpu.memory_space<semaphore_mem>>)
      %dma_wait3A_528 = arith.constant 0 : i32
      %dma_wait3A_529 = arith.constant 0 : i32
      %dma_wait3A_530 = tpu.memref_slice %arg10[%dma_wait3A_528, %dma_wait3A_529] : memref<32x128xi32, #tpu.memory_space<vmem>> -> memref<1x104xi32, #tpu.memory_space<vmem>>
      %dma_wait3A_531 = tpu.memref_squeeze %dma_wait3A_530 : memref<1x104xi32, #tpu.memory_space<vmem>> -> memref<104xi32, #tpu.memory_space<vmem>>
      %dma_wait3A_532 = arith.constant 0 : i32
      %dma_wait3A_533 = arith.constant 0 : i32
      %dma_wait3A_534 = tpu.memref_slice %arg4[%dma_wait3A_532, %dma_wait3A_533] : memref<106496x128xf32, #tpu.memory_space<hbm>> -> memref<106496x128xf32, #tpu.memory_space<hbm>>
      tpu.wait_indirect_dma semaphore(%arg20 : memref<!tpu.dma_semaphore, #tpu.memory_space<semaphore_mem>>) src(%dma_wait3A_534 : memref<106496x128xf32, #tpu.memory_space<hbm>>) dst(%arg15 : memref<104x128xf32, #tpu.memory_space<vmem>>)
      %dma_wait3A_535 = arith.constant 0 : i32
      %dma_wait3A_536 = arith.constant 0 : i32
      %dma_wait3A_537 = tpu.memref_slice %arg11[%dma_wait3A_535, %dma_wait3A_536] : memref<32x128xi32, #tpu.memory_space<vmem>> -> memref<1x104xi32, #tpu.memory_space<vmem>>
      %dma_wait3A_538 = tpu.memref_squeeze %dma_wait3A_537 : memref<1x104xi32, #tpu.memory_space<vmem>> -> memref<104xi32, #tpu.memory_space<vmem>>
      %dma_wait3A_539 = arith.constant 0 : i32
      %dma_wait3A_540 = arith.constant 0 : i32
      %dma_wait3A_541 = tpu.memref_slice %arg4[%dma_wait3A_539, %dma_wait3A_540] : memref<106496x128xf32, #tpu.memory_space<hbm>> -> memref<106496x128xf32, #tpu.memory_space<hbm>>
      tpu.wait_indirect_dma semaphore(%arg20 : memref<!tpu.dma_semaphore, #tpu.memory_space<semaphore_mem>>) src(%dma_wait3A_541 : memref<106496x128xf32, #tpu.memory_space<hbm>>) dst(%arg16 : memref<104x128xf32, #tpu.memory_space<vmem>>)
      %lt3A_542 = arith.constant 15 : i32
      %lt3A_543 = arith.cmpi slt, %scan3A_478, %lt3A_542 : i32
      %convert_element_type3A = arith.extui %lt3A_543 : i1 to i32
      %cond3A = arith.constant 0 : i32
      %cond3A_544 = arith.cmpi ne, %convert_element_type3A, %cond3A : i32
      scf.if %cond3A_544 {
        %add3A_567 = arith.constant 2 : i32
        %add3A_568 = arith.addi %mul3A_480, %add3A_567 : i32
        %dma_start3A_569 = arith.constant 0 : i32
        %dma_start3A_570 = tpu.memref_slice %arg10[%add3A_568, %dma_start3A_569] : memref<32x128xi32, #tpu.memory_space<vmem>> -> memref<1x104xi32, #tpu.memory_space<vmem>>
        %dma_start3A_571 = tpu.memref_squeeze %dma_start3A_570 : memref<1x104xi32, #tpu.memory_space<vmem>> -> memref<104xi32, #tpu.memory_space<vmem>>
        %dma_start3A_572 = arith.constant 0 : i32
        %dma_start3A_573 = arith.constant 0 : i32
        %dma_start3A_574 = tpu.memref_slice %arg4[%dma_start3A_572, %dma_start3A_573] : memref<106496x128xf32, #tpu.memory_space<hbm>> -> memref<106496x128xf32, #tpu.memory_space<hbm>>
        tpu.enqueue_indirect_dma source(%dma_start3A_574 : memref<106496x128xf32, #tpu.memory_space<hbm>>) target(%arg13 : memref<104x128xf32, #tpu.memory_space<vmem>>) offsets(%dma_start3A_571 : memref<104xi32, #tpu.memory_space<vmem>>) semaphore(%arg19 : memref<!tpu.dma_semaphore, #tpu.memory_space<semaphore_mem>>)
        %dma_start3A_575 = arith.constant 0 : i32
        %dma_start3A_576 = tpu.memref_slice %arg11[%add3A_568, %dma_start3A_575] : memref<32x128xi32, #tpu.memory_space<vmem>> -> memref<1x104xi32, #tpu.memory_space<vmem>>
        %dma_start3A_577 = tpu.memref_squeeze %dma_start3A_576 : memref<1x104xi32, #tpu.memory_space<vmem>> -> memref<104xi32, #tpu.memory_space<vmem>>
        %dma_start3A_578 = arith.constant 0 : i32
        %dma_start3A_579 = arith.constant 0 : i32
        %dma_start3A_580 = tpu.memref_slice %arg4[%dma_start3A_578, %dma_start3A_579] : memref<106496x128xf32, #tpu.memory_space<hbm>> -> memref<106496x128xf32, #tpu.memory_space<hbm>>
        tpu.enqueue_indirect_dma source(%dma_start3A_580 : memref<106496x128xf32, #tpu.memory_space<hbm>>) target(%arg14 : memref<104x128xf32, #tpu.memory_space<vmem>>) offsets(%dma_start3A_577 : memref<104xi32, #tpu.memory_space<vmem>>) semaphore(%arg19 : memref<!tpu.dma_semaphore, #tpu.memory_space<semaphore_mem>>)
      } else {
      }
      %add3A_545 = arith.constant 0 : i32
      %add3A_546 = arith.addi %mul3A_2, %add3A_545 : i32
      %dma_wait3A_547 = arith.constant 0 : i32
      %dma_wait3A_548 = arith.constant 0 : i32
      %dma_wait3A_549 = tpu.memref_slice %arg7[%add3A_546, %dma_wait3A_547, %dma_wait3A_548] : memref<4096x32x128xf32, #tpu.memory_space<hbm>> -> memref<4x26x64xf32, #tpu.memory_space<hbm>>
      %dma_wait3A_550 = arith.constant 0 : i32
      %dma_wait3A_551 = arith.constant 0 : i32
      %dma_wait3A_552 = tpu.memref_slice %arg7[%add3A_546, %dma_wait3A_550, %dma_wait3A_551] : memref<4096x32x128xf32, #tpu.memory_space<hbm>> -> memref<4x26x64xf32, #tpu.memory_space<hbm>>
      tpu.wait_dma2 semaphore(%arg22 : memref<!tpu.dma_semaphore, #tpu.memory_space<semaphore_mem>>) src(%arg18 : memref<4x26x64xf32, #tpu.memory_space<vmem>>) dst(%dma_wait3A_552 : memref<4x26x64xf32, #tpu.memory_space<hbm>>)
      %parallel_loop3A_553 = arith.constant 0 : i32
      %parallel_loop3A_554 = arith.constant 104 : i32
      %parallel_loop3A_555 = arith.constant 1 : i32
      scf.for %parallel_loop3A_567 = %parallel_loop3A_553 to %parallel_loop3A_554 step %parallel_loop3A_555  : i32 {
        %parallel_loop3A_568 = arith.constant 26 : i32
        %parallel_loop3A_569 = arith.divsi %parallel_loop3A_567, %parallel_loop3A_568 : i32
        %parallel_loop3A_570 = arith.constant 0 : i32
        %parallel_loop3A_571 = arith.cmpi sgt, %parallel_loop3A_567, %parallel_loop3A_570 : i32
        %parallel_loop3A_572 = arith.extui %parallel_loop3A_571 : i1 to i32
        %parallel_loop3A_573 = arith.constant 0 : i32
        %parallel_loop3A_574 = arith.cmpi slt, %parallel_loop3A_567, %parallel_loop3A_573 : i32
        %parallel_loop3A_575 = arith.extui %parallel_loop3A_574 : i1 to i32
        %parallel_loop3A_576 = arith.subi %parallel_loop3A_572, %parallel_loop3A_575 : i32
        %parallel_loop3A_577 = arith.constant 0 : i32
        %parallel_loop3A_578 = arith.cmpi sgt, %parallel_loop3A_568, %parallel_loop3A_577 : i32
        %parallel_loop3A_579 = arith.extui %parallel_loop3A_578 : i1 to i32
        %parallel_loop3A_580 = arith.constant 0 : i32
        %parallel_loop3A_581 = arith.cmpi slt, %parallel_loop3A_568, %parallel_loop3A_580 : i32
        %parallel_loop3A_582 = arith.extui %parallel_loop3A_581 : i1 to i32
        %parallel_loop3A_583 = arith.subi %parallel_loop3A_579, %parallel_loop3A_582 : i32
        %parallel_loop3A_584 = arith.cmpi ne, %parallel_loop3A_576, %parallel_loop3A_583 : i32
        %parallel_loop3A_585 = arith.remsi %parallel_loop3A_567, %parallel_loop3A_568 : i32
        %parallel_loop3A_586 = arith.constant 0 : i32
        %parallel_loop3A_587 = arith.cmpi ne, %parallel_loop3A_585, %parallel_loop3A_586 : i32
        %parallel_loop3A_588 = arith.andi %parallel_loop3A_584, %parallel_loop3A_587 : i1
        %parallel_loop3A_589 = arith.constant 1 : i32
        %parallel_loop3A_590 = arith.subi %parallel_loop3A_569, %parallel_loop3A_589 : i32
        %parallel_loop3A_591 = arith.select %parallel_loop3A_588, %parallel_loop3A_590, %parallel_loop3A_569 : i32
        %parallel_loop3A_592 = arith.constant 26 : i32
        %parallel_loop3A_593 = arith.muli %parallel_loop3A_591, %parallel_loop3A_592 : i32
        %parallel_loop3A_594 = arith.subi %parallel_loop3A_567, %parallel_loop3A_593 : i32
        %parallel_loop3A_595 = arith.index_cast %parallel_loop3A_567 : i32 to index
        %parallel_loop3A_596 = arith.constant 0 : index
        %parallel_loop3A_597 = tpu.vector_load %arg15[%parallel_loop3A_595, %parallel_loop3A_596] {strides = array<i32>} : memref<104x128xf32, #tpu.memory_space<vmem>>, vector<16xf32>,
        %parallel_loop3A_598 = arith.index_cast %parallel_loop3A_567 : i32 to index
        %parallel_loop3A_599 = arith.constant 64 : index
        %parallel_loop3A_600 = tpu.vector_load %arg16[%parallel_loop3A_598, %parallel_loop3A_599] {strides = array<i32>} : memref<104x128xf32, #tpu.memory_space<vmem>>, vector<16xf32>,
        %parallel_loop3A_601 = arith.addf %parallel_loop3A_597, %parallel_loop3A_600 : vector<16xf32>
        %parallel_loop3A_602 = arith.index_cast %parallel_loop3A_567 : i32 to index
        %parallel_loop3A_603 = arith.constant 16 : index
        %parallel_loop3A_604 = tpu.vector_load %arg15[%parallel_loop3A_602, %parallel_loop3A_603] {strides = array<i32>} : memref<104x128xf32, #tpu.memory_space<vmem>>, vector<16xf32>,
        %parallel_loop3A_605 = arith.index_cast %parallel_loop3A_567 : i32 to index
        %parallel_loop3A_606 = arith.constant 80 : index
        %parallel_loop3A_607 = tpu.vector_load %arg16[%parallel_loop3A_605, %parallel_loop3A_606] {strides = array<i32>} : memref<104x128xf32, #tpu.memory_space<vmem>>, vector<16xf32>,
        %parallel_loop3A_608 = arith.addf %parallel_loop3A_604, %parallel_loop3A_607 : vector<16xf32>
        %parallel_loop3A_609 = arith.index_cast %parallel_loop3A_567 : i32 to index
        %parallel_loop3A_610 = arith.constant 32 : index
        %parallel_loop3A_611 = tpu.vector_load %arg15[%parallel_loop3A_609, %parallel_loop3A_610] {strides = array<i32>} : memref<104x128xf32, #tpu.memory_space<vmem>>, vector<16xf32>,
        %parallel_loop3A_612 = arith.index_cast %parallel_loop3A_567 : i32 to index
        %parallel_loop3A_613 = arith.constant 96 : index
        %parallel_loop3A_614 = tpu.vector_load %arg16[%parallel_loop3A_612, %parallel_loop3A_613] {strides = array<i32>} : memref<104x128xf32, #tpu.memory_space<vmem>>, vector<16xf32>,
        %parallel_loop3A_615 = arith.addf %parallel_loop3A_611, %parallel_loop3A_614 : vector<16xf32>
        %parallel_loop3A_616 = arith.index_cast %parallel_loop3A_567 : i32 to index
        %parallel_loop3A_617 = arith.constant 48 : index
        %parallel_loop3A_618 = tpu.vector_load %arg15[%parallel_loop3A_616, %parallel_loop3A_617] {strides = array<i32>} : memref<104x128xf32, #tpu.memory_space<vmem>>, vector<16xf32>,
        %parallel_loop3A_619 = arith.index_cast %parallel_loop3A_567 : i32 to index
        %parallel_loop3A_620 = arith.constant 112 : index
        %parallel_loop3A_621 = tpu.vector_load %arg16[%parallel_loop3A_619, %parallel_loop3A_620] {strides = array<i32>} : memref<104x128xf32, #tpu.memory_space<vmem>>, vector<16xf32>,
        %parallel_loop3A_622 = arith.addf %parallel_loop3A_618, %parallel_loop3A_621 : vector<16xf32>
        %parallel_loop3A_623 = arith.addf %parallel_loop3A_601, %parallel_loop3A_608 : vector<16xf32>
        %parallel_loop3A_624 = arith.addf %parallel_loop3A_615, %parallel_loop3A_622 : vector<16xf32>
        %parallel_loop3A_625 = arith.addf %parallel_loop3A_623, %parallel_loop3A_624 : vector<16xf32>
        %parallel_loop3A_626 = arith.constant true
        %parallel_loop3A_627 = vector.broadcast %parallel_loop3A_626 : i1 to vector<16xi1>
        %parallel_loop3A_628 = tpu.scan <sum>, %parallel_loop3A_625 masked %parallel_loop3A_627 : vector<16xf32>, vector<16xi1> -> vector<16xf32>
        %parallel_loop3A_629 = vector.extract %parallel_loop3A_628[15] : f32 from vector<16xf32>
        %parallel_loop3A_630 = arith.mulf %parallel_loop3A_601, %parallel_loop3A_601 : vector<16xf32>
        %parallel_loop3A_631 = arith.mulf %parallel_loop3A_608, %parallel_loop3A_608 : vector<16xf32>
        %parallel_loop3A_632 = arith.addf %parallel_loop3A_630, %parallel_loop3A_631 : vector<16xf32>
        %parallel_loop3A_633 = arith.mulf %parallel_loop3A_615, %parallel_loop3A_615 : vector<16xf32>
        %parallel_loop3A_634 = arith.mulf %parallel_loop3A_622, %parallel_loop3A_622 : vector<16xf32>
        %parallel_loop3A_635 = arith.addf %parallel_loop3A_633, %parallel_loop3A_634 : vector<16xf32>
        %parallel_loop3A_636 = arith.addf %parallel_loop3A_632, %parallel_loop3A_635 : vector<16xf32>
        %parallel_loop3A_637 = arith.constant true
        %parallel_loop3A_638 = vector.broadcast %parallel_loop3A_637 : i1 to vector<16xi1>
        %parallel_loop3A_639 = tpu.scan <sum>, %parallel_loop3A_636 masked %parallel_loop3A_638 : vector<16xf32>, vector<16xi1> -> vector<16xf32>
        %parallel_loop3A_640 = vector.extract %parallel_loop3A_639[15] : f32 from vector<16xf32>
        %parallel_loop3A_641 = arith.constant 1.562500e-02 : f32
        %parallel_loop3A_642 = arith.mulf %parallel_loop3A_629, %parallel_loop3A_641 : f32
        %parallel_loop3A_643 = arith.constant 1.562500e-02 : f32
        %parallel_loop3A_644 = arith.mulf %parallel_loop3A_640, %parallel_loop3A_643 : f32
        %parallel_loop3A_645 = arith.mulf %parallel_loop3A_642, %parallel_loop3A_642 : f32
        %parallel_loop3A_646 = arith.subf %parallel_loop3A_644, %parallel_loop3A_645 : f32
        %parallel_loop3A_647 = arith.constant 9.99999974E-6 : f32
        %parallel_loop3A_648 = arith.addf %parallel_loop3A_646, %parallel_loop3A_647 : f32
        %parallel_loop3A_649 = arith.bitcast %parallel_loop3A_648 : f32 to i32
        %parallel_loop3A_650 = arith.constant 1 : i32
        %parallel_loop3A_651 = arith.shrsi %parallel_loop3A_649, %parallel_loop3A_650 : i32
        %parallel_loop3A_652 = arith.constant 1597463007 : i32
        %parallel_loop3A_653 = arith.subi %parallel_loop3A_652, %parallel_loop3A_651 : i32
        %parallel_loop3A_654 = arith.bitcast %parallel_loop3A_653 : i32 to f32
        %parallel_loop3A_655 = arith.constant 5.000000e-01 : f32
        %parallel_loop3A_656 = arith.mulf %parallel_loop3A_655, %parallel_loop3A_648 : f32
        %parallel_loop3A_657 = arith.mulf %parallel_loop3A_656, %parallel_loop3A_654 : f32
        %parallel_loop3A_658 = arith.mulf %parallel_loop3A_657, %parallel_loop3A_654 : f32
        %parallel_loop3A_659 = arith.constant 1.500000e+00 : f32
        %parallel_loop3A_660 = arith.subf %parallel_loop3A_659, %parallel_loop3A_658 : f32
        %parallel_loop3A_661 = arith.mulf %parallel_loop3A_654, %parallel_loop3A_660 : f32
        %parallel_loop3A_662 = arith.constant 5.000000e-01 : f32
        %parallel_loop3A_663 = arith.mulf %parallel_loop3A_662, %parallel_loop3A_648 : f32
        %parallel_loop3A_664 = arith.mulf %parallel_loop3A_663, %parallel_loop3A_661 : f32
        %parallel_loop3A_665 = arith.mulf %parallel_loop3A_664, %parallel_loop3A_661 : f32
        %parallel_loop3A_666 = arith.constant 1.500000e+00 : f32
        %parallel_loop3A_667 = arith.subf %parallel_loop3A_666, %parallel_loop3A_665 : f32
        %parallel_loop3A_668 = arith.mulf %parallel_loop3A_661, %parallel_loop3A_667 : f32
        %parallel_loop3A_669 = arith.constant 5.000000e-01 : f32
        %parallel_loop3A_670 = arith.mulf %parallel_loop3A_669, %parallel_loop3A_648 : f32
        %parallel_loop3A_671 = arith.mulf %parallel_loop3A_670, %parallel_loop3A_668 : f32
        %parallel_loop3A_672 = arith.mulf %parallel_loop3A_671, %parallel_loop3A_668 : f32
        %parallel_loop3A_673 = arith.constant 1.500000e+00 : f32
        %parallel_loop3A_674 = arith.subf %parallel_loop3A_673, %parallel_loop3A_672 : f32
        %parallel_loop3A_675 = arith.mulf %parallel_loop3A_668, %parallel_loop3A_674 : f32
        %parallel_loop3A_676 = vector.broadcast %parallel_loop3A_642 : f32 to vector<16xf32>
        %parallel_loop3A_677 = arith.subf %parallel_loop3A_601, %parallel_loop3A_676 : vector<16xf32>
        %parallel_loop3A_678 = vector.broadcast %parallel_loop3A_675 : f32 to vector<16xf32>
        %parallel_loop3A_679 = arith.mulf %parallel_loop3A_678, %get3A_6 : vector<16xf32>
        %parallel_loop3A_680 = arith.mulf %parallel_loop3A_677, %parallel_loop3A_679 : vector<16xf32>
        %parallel_loop3A_681 = arith.addf %parallel_loop3A_680, %get3A_22 : vector<16xf32>
        %parallel_loop3A_682 = arith.index_cast %parallel_loop3A_591 : i32 to index
        %parallel_loop3A_683 = arith.index_cast %parallel_loop3A_594 : i32 to index
        %parallel_loop3A_684 = arith.constant 0 : index
        %parallel_loop3A_685 = tpu.vector_load %arg18[%parallel_loop3A_682, %parallel_loop3A_683, %parallel_loop3A_684] {strides = array<i32>} : memref<4x26x64xf32, #tpu.memory_space<vmem>>, vector<16xf32>,
        tpu.vector_store %arg18[%parallel_loop3A_682, %parallel_loop3A_683, %parallel_loop3A_684], %parallel_loop3A_681 {strides = array<i32>} : memref<4x26x64xf32, #tpu.memory_space<vmem>>, vector<16xf32>,
        %parallel_loop3A_686 = vector.broadcast %parallel_loop3A_642 : f32 to vector<16xf32>
        %parallel_loop3A_687 = arith.subf %parallel_loop3A_608, %parallel_loop3A_686 : vector<16xf32>
        %parallel_loop3A_688 = vector.broadcast %parallel_loop3A_675 : f32 to vector<16xf32>
        %parallel_loop3A_689 = arith.mulf %parallel_loop3A_688, %get3A_10 : vector<16xf32>
        %parallel_loop3A_690 = arith.mulf %parallel_loop3A_687, %parallel_loop3A_689 : vector<16xf32>
        %parallel_loop3A_691 = arith.addf %parallel_loop3A_690, %get3A_26 : vector<16xf32>
        %parallel_loop3A_692 = arith.index_cast %parallel_loop3A_591 : i32 to index
        %parallel_loop3A_693 = arith.index_cast %parallel_loop3A_594 : i32 to index
        %parallel_loop3A_694 = arith.constant 16 : index
        %parallel_loop3A_695 = tpu.vector_load %arg18[%parallel_loop3A_692, %parallel_loop3A_693, %parallel_loop3A_694] {strides = array<i32>} : memref<4x26x64xf32, #tpu.memory_space<vmem>>, vector<16xf32>,
        tpu.vector_store %arg18[%parallel_loop3A_692, %parallel_loop3A_693, %parallel_loop3A_694], %parallel_loop3A_691 {strides = array<i32>} : memref<4x26x64xf32, #tpu.memory_space<vmem>>, vector<16xf32>,
        %parallel_loop3A_696 = vector.broadcast %parallel_loop3A_642 : f32 to vector<16xf32>
        %parallel_loop3A_697 = arith.subf %parallel_loop3A_615, %parallel_loop3A_696 : vector<16xf32>
        %parallel_loop3A_698 = vector.broadcast %parallel_loop3A_675 : f32 to vector<16xf32>
        %parallel_loop3A_699 = arith.mulf %parallel_loop3A_698, %get3A_14 : vector<16xf32>
        %parallel_loop3A_700 = arith.mulf %parallel_loop3A_697, %parallel_loop3A_699 : vector<16xf32>
        %parallel_loop3A_701 = arith.addf %parallel_loop3A_700, %get3A_30 : vector<16xf32>
        %parallel_loop3A_702 = arith.index_cast %parallel_loop3A_591 : i32 to index
        %parallel_loop3A_703 = arith.index_cast %parallel_loop3A_594 : i32 to index
        %parallel_loop3A_704 = arith.constant 32 : index
        %parallel_loop3A_705 = tpu.vector_load %arg18[%parallel_loop3A_702, %parallel_loop3A_703, %parallel_loop3A_704] {strides = array<i32>} : memref<4x26x64xf32, #tpu.memory_space<vmem>>, vector<16xf32>,
        tpu.vector_store %arg18[%parallel_loop3A_702, %parallel_loop3A_703, %parallel_loop3A_704], %parallel_loop3A_701 {strides = array<i32>} : memref<4x26x64xf32, #tpu.memory_space<vmem>>, vector<16xf32>,
        %parallel_loop3A_706 = vector.broadcast %parallel_loop3A_642 : f32 to vector<16xf32>
        %parallel_loop3A_707 = arith.subf %parallel_loop3A_622, %parallel_loop3A_706 : vector<16xf32>
        %parallel_loop3A_708 = vector.broadcast %parallel_loop3A_675 : f32 to vector<16xf32>
        %parallel_loop3A_709 = arith.mulf %parallel_loop3A_708, %get3A_18 : vector<16xf32>
        %parallel_loop3A_710 = arith.mulf %parallel_loop3A_707, %parallel_loop3A_709 : vector<16xf32>
        %parallel_loop3A_711 = arith.addf %parallel_loop3A_710, %get3A_34 : vector<16xf32>
        %parallel_loop3A_712 = arith.index_cast %parallel_loop3A_591 : i32 to index
        %parallel_loop3A_713 = arith.index_cast %parallel_loop3A_594 : i32 to index
        %parallel_loop3A_714 = arith.constant 48 : index
        %parallel_loop3A_715 = tpu.vector_load %arg18[%parallel_loop3A_712, %parallel_loop3A_713, %parallel_loop3A_714] {strides = array<i32>} : memref<4x26x64xf32, #tpu.memory_space<vmem>>, vector<16xf32>,
        tpu.vector_store %arg18[%parallel_loop3A_712, %parallel_loop3A_713, %parallel_loop3A_714], %parallel_loop3A_711 {strides = array<i32>} : memref<4x26x64xf32, #tpu.memory_space<vmem>>, vector<16xf32>,
      } {sc.loop_unroll_factor = 8 : i64, sc.parallel_access}
      %add3A_556 = arith.constant 1 : i32
      %add3A_557 = arith.addi %mul3A_480, %add3A_556 : i32
      %mul3A_558 = arith.constant 4 : i32
      %mul3A_559 = arith.muli %add3A_557, %mul3A_558 : i32
      %add3A_560 = arith.addi %mul3A_2, %mul3A_559 : i32
      %dma_start3A_561 = arith.constant 0 : i32
      %dma_start3A_562 = arith.constant 0 : i32
      %dma_start3A_563 = tpu.memref_slice %arg7[%add3A_560, %dma_start3A_561, %dma_start3A_562] : memref<4096x32x128xf32, #tpu.memory_space<hbm>> -> memref<4x26x64xf32, #tpu.memory_space<hbm>>
      %dma_start3A_564 = arith.constant 0 : i32
      %dma_start3A_565 = arith.constant 0 : i32
      %dma_start3A_566 = tpu.memref_slice %arg7[%add3A_560, %dma_start3A_564, %dma_start3A_565] : memref<4096x32x128xf32, #tpu.memory_space<hbm>> -> memref<4x26x64xf32, #tpu.memory_space<hbm>>
      tpu.enqueue_dma source(%arg18 : memref<4x26x64xf32, #tpu.memory_space<vmem>>) target(%dma_start3A_566 : memref<4x26x64xf32, #tpu.memory_space<hbm>>) target_semaphore(%arg22 : memref<!tpu.dma_semaphore, #tpu.memory_space<semaphore_mem>>)
    }
    %scan3A_462 = arith.constant 16 : i32
    %add3A_463 = arith.constant 0 : i32
    %add3A_464 = arith.addi %mul3A_2, %add3A_463 : i32
    %dma_wait3A = arith.constant 0 : i32
    %dma_wait3A_465 = arith.constant 0 : i32
    %dma_wait3A_466 = tpu.memref_slice %arg7[%add3A_464, %dma_wait3A, %dma_wait3A_465] : memref<4096x32x128xf32, #tpu.memory_space<hbm>> -> memref<4x26x64xf32, #tpu.memory_space<hbm>>
    %dma_wait3A_467 = arith.constant 0 : i32
    %dma_wait3A_468 = arith.constant 0 : i32
    %dma_wait3A_469 = tpu.memref_slice %arg7[%add3A_464, %dma_wait3A_467, %dma_wait3A_468] : memref<4096x32x128xf32, #tpu.memory_space<hbm>> -> memref<4x26x64xf32, #tpu.memory_space<hbm>>
    tpu.wait_dma2 semaphore(%arg21 : memref<!tpu.dma_semaphore, #tpu.memory_space<semaphore_mem>>) src(%arg17 : memref<4x26x64xf32, #tpu.memory_space<vmem>>) dst(%dma_wait3A_469 : memref<4x26x64xf32, #tpu.memory_space<hbm>>)
    %add3A_470 = arith.constant 0 : i32
    %add3A_471 = arith.addi %mul3A_2, %add3A_470 : i32
    %dma_wait3A_472 = arith.constant 0 : i32
    %dma_wait3A_473 = arith.constant 0 : i32
    %dma_wait3A_474 = tpu.memref_slice %arg7[%add3A_471, %dma_wait3A_472, %dma_wait3A_473] : memref<4096x32x128xf32, #tpu.memory_space<hbm>> -> memref<4x26x64xf32, #tpu.memory_space<hbm>>
    %dma_wait3A_475 = arith.constant 0 : i32
    %dma_wait3A_476 = arith.constant 0 : i32
    %dma_wait3A_477 = tpu.memref_slice %arg7[%add3A_471, %dma_wait3A_475, %dma_wait3A_476] : memref<4096x32x128xf32, #tpu.memory_space<hbm>> -> memref<4x26x64xf32, #tpu.memory_space<hbm>>
    tpu.wait_dma2 semaphore(%arg22 : memref<!tpu.dma_semaphore, #tpu.memory_space<semaphore_mem>>) src(%arg18 : memref<4x26x64xf32, #tpu.memory_space<vmem>>) dst(%dma_wait3A_477 : memref<4x26x64xf32, #tpu.memory_space<hbm>>)
    return
  }
}

module attributes {stable_mosaic.version = 14 : i64} {
  func.func @body(%arg0: i32, %arg1: memref<64x8192xf32, #tpu.memory_space<vmem>>, %arg2: memref<64x8192xf32, #tpu.memory_space<vmem>>, %arg3: memref<8192x128xf32, #tpu.memory_space<vmem>>) attributes {dimension_semantics = [#tpu.dimension_semantics<arbitrary>], iteration_bounds = array<i64: 13>, scalar_prefetch = 0 : i64, scratch_operands = 0 : i64, tpu.core_type = #tpu.core_type<tc>, window_params = [{transform_indices = @transform_0, window_bounds = array<i64: 64, 8192>}, {transform_indices = @transform_1, window_bounds = array<i64: 64, 8192>}, {transform_indices = @transform_2, window_bounds = array<i64: 8192, 128>}]} {
    %get3A = arith.constant 0 : index
    %get3A_0 = arith.constant 0 : index
    %get3A_1 = vector.load %arg1[%get3A, %get3A_0] : memref<64x8192xf32, #tpu.memory_space<vmem>>, vector<64x8192xf32>
    %transpose3A = tpu.transpose %get3A_1, [1, 0] : vector<64x8192xf32> -> vector<8192x64xf32>
    %get3A_2 = arith.constant 0 : index
    %get3A_3 = arith.constant 0 : index
    %get3A_4 = vector.load %arg2[%get3A_2, %get3A_3] : memref<64x8192xf32, #tpu.memory_space<vmem>>, vector<64x8192xf32>
    %transpose3A_5 = tpu.transpose %get3A_4, [1, 0] : vector<64x8192xf32> -> vector<8192x64xf32>
    %concatenate3A = tpu.concatenate %transpose3A, %transpose3A_5 in 1 : vector<8192x64xf32>, vector<8192x64xf32> -> vector<8192x128xf32>
    %swap3A = arith.constant 0 : index
    %swap3A_6 = arith.constant 0 : index
    %swap3A_7 = vector.load %arg3[%swap3A, %swap3A_6] : memref<8192x128xf32, #tpu.memory_space<vmem>>, vector<8192x128xf32>
    tpu.vector_store %arg3[%swap3A, %swap3A_6], %concatenate3A {strides = array<i32>} : memref<8192x128xf32, #tpu.memory_space<vmem>>, vector<8192x128xf32>,
    return
  }
  func.func @transform_0(%arg0: i32) -> (i32, i32) {
    %c0_i32 = arith.constant 0 : i32
    %c0_i32_0 = arith.constant 0 : i32
    return %c0_i32, %arg0 : i32, i32
  }
  func.func @transform_1(%arg0: i32) -> (i32, i32) {
    %c0_i32 = arith.constant 0 : i32
    %c0_i32_0 = arith.constant 0 : i32
    return %c0_i32, %arg0 : i32, i32
  }
  func.func @transform_2(%arg0: i32) -> (i32, i32) {
    %c0_i32 = arith.constant 0 : i32
    %c0_i32_0 = arith.constant 0 : i32
    return %arg0, %c0_i32 : i32, i32
  }
}

</mosaic_0001>

<sc_bundles>
// kernel: kernel.4.cloned.1.call-start
scs
__scs_entry_jumppad:
0x0: {  	(pc) =	sbr.rel $0x88, $3  }
0x1: {  	(tag) =	ssettag $0x0;
	lr =	simm.s32 $0x1  }
0x2: {  	[smem:$0x3F9B] =	sst lr;
	_ =	strace $0xD0000000  }
0x3: {  	_ = 	snop  }
0x4: {  	_ = 	snop  }
0x5: {  	_ = 	snop  }
0x6: {  	_ = 	snop  }
0x7: {  	_ = 	snop  }
__scs_overlays_trampoline_lowered:
0x8: {  	[smem:$0x3FAA] =	sst s0  }
0x9: {  	[smem:$0x3FAB] =	sst s1  }
0xa: {  	[smem:$0x3FAC] =	sst s2  }
0xb: {  	[smem:$0x3FAD] =	sst s3  }
0xc: {  	[smem:$0x3FAE] =	sst s4  }
0xd: {  	[smem:$0x3FAF] =	sst s5  }
0xe: {  	[smem:$0x3FB0] =	sst s6  }
0xf: {  	[smem:$0x3FB1] =	sst s7  }
0x10: {  	[smem:$0x3FB2] =	sst s8  }
0x11: {  	[smem:$0x3FB3] =	sst s9;
	s0 =	simm.s32 @!p0 $0x0  }
0x12: {  	s1 =	sld [smem:$0x3F99];
	s0 =	simm.s32 @p0 $0x1  }
0x13: {  	[smem:$0x3FB4] =	sst s0;
	s0 =	simm.s32 @!p1 $0x0  }
0x14: {  	s2 =	sld [smem:$0x3F98];
	s0 =	simm.s32 @p1 $0x1  }
0x15: {  	[smem:$0x3FB5] =	sst s0;
	s0 =	simm.s32 @!p2 $0x0  }
0x16: {  	s3 =	sld [smem:$0x3FDB];
	s0 =	simm.s32 @p2 $0x1  }
0x17: {  	s4 =	simm.s32 $0x1BF5;
	[smem:$0x3FB7] =	sst s0  }
0x18: {  	s0 =	sld [smem:$0x3F9A];
	_ =	swait.ge [sflag:s4], $0x0  }
0x19: {  	s7 =	sld [smem:$0x3F9B]  }
0x1a: {  	s8 =	sadd.s32 $0xFFFFE003, lr  }
0x1b: {  	s9 =	sadd.s32 $0xFFFFFEF7, lr;
	s5 =	simm.s32 $0xFFFFFFFF;
	p2 =	slt.u32 s8, $0xFFFFF086  }
0x1c: {  	p1 =	slt.u32 s9, $0xF7A;
	s5 =	simm.s32 @!p2 $0x0  }
0x1d: {  	s5 =	simm.s32 @p1 $0x1;
	p0 =	seq.s32 s7, s2  }
0x1e: {  	s7 =	smul.u32 @!p0 $0xF7A, s2;
	p2 =	seq.s32 @!p0 s5, $0x0  }
0x1f: {  	s9 =	smul.u32 $0xF7A, s1;
	s8 =	simm.s32 @!p0 $0x1BF5;
	p2 =	por !p2, p0  }
0x20: {  	[sflag:s8] =	ssyncset.s32 @!p0 $0xFFFFF086;
	s6 =	sadd.s32 @!p0 s3, s7;
	s7 =	simm.s32 @!p0 $0x108  }
0x21: {  	s3 =	sadd.s32 s3, s9;
	s6 =	sadd.s32 @!p0 $0x88, s6;
	s7 =	simm.s32 @p2 $0x1082  }
0x22: {  	[simem:s7], [sflag:s8] =	dma.local @!p0 [hbm:s6], $0xF7A  }
0x23: {  	s9 =	sor.u32 $0xD0000000, s2;
	s6 =	simm.s32 $0x108;
	_ =	swait.ge @!p0 [sflag:s8], $0x0  }
0x24: {  	s3 =	sadd.s32 $0x88, s3;
	s6 =	simm.s32 @!p1 $0x1082;
	[sflag:s4] =	ssyncset.s32 $0xFFFFF086  }
0x25: {  	[simem:s6], [sflag:s4] =	dma.local [hbm:s3], $0xF7A  }
0x26: {  	[smem:$0x3F9B] =	sst s1;
	(tag) =	ssettag s2;
	_ =	strace s9  }
0x27: {  	s1 =	sld [smem:$0x3FAB]  }
0x28: {  	s2 =	sld [smem:$0x3FAC]  }
0x29: {  	s4 =	sld [smem:$0x3FAE]  }
0x2a: {  	p0 =	seq.s32 s5, $0x0;
	s5 =	sld [smem:$0x3FAF]  }
0x2b: {  	s6 =	sld [smem:$0x3FB0]  }
0x2c: {  	s7 =	sld [smem:$0x3FB1]  }
0x2d: {  	s3 =	simm.s32 $0x108;
	s8 =	sld [smem:$0x3FB2]  }
0x2e: {  	s3 =	simm.s32 @!p0 $0x1082;
	s9 =	sld [smem:$0x3FB3]  }
0x2f: {  	lr =	sadd.s32 s0, s3;
	s0 =	sld [smem:$0x3FAA]  }
0x30: {  	s3 =	sld [smem:$0x3FAD]  }
0x31: {  	[smem:$0x3FB6] =	sst s10  }
0x32: {  	s10 =	sld [smem:$0x3FB4];
	_ =	sdelay $0x3  }
0x33: {  	p0 =	seq.s32 s10, $0x1;
	s10 =	sld [smem:$0x3FB6];
	_ =	sdelay $0x3  }
0x34: {  	[smem:$0x3FB6] =	sst s10  }
0x35: {  	s10 =	sld [smem:$0x3FB5];
	_ =	sdelay $0x3  }
0x36: {  	p1 =	seq.s32 s10, $0x1;
	s10 =	sld [smem:$0x3FB6];
	_ =	sdelay $0x3  }
0x37: {  	[smem:$0x3FB6] =	sst s10  }
0x38: {  	s10 =	sld [smem:$0x3FB7]  }
0x39: {  	_ = 	snop;
	(pc) =	sbr.ind lr, $3  }
0x3a: {  	_ = 	snop  }
0x3b: {  	_ = 	snop  }
0x3c: {  	p2 =	seq.s32 s10, $0x1;
	s10 =	sld [smem:$0x3FB6]  }
0x3d: {  	_ =	shalt  }
0x3e: {  	_ =	shalt  }
0x3f: {  	_ =	shalt  }
0x40: {  	_ =	shalt  }
0x41: {  	_ =	shalt  }
0x42: {  	_ =	shalt  }
0x43: {  	_ =	shalt  }
0x44: {  	_ =	shalt  }
0x45: {  	_ =	shalt  }
0x46: {  	_ =	shalt  }
0x47: {  	_ =	shalt  }
0x48: {  	_ =	shalt  }
0x49: {  	_ =	shalt  }
0x4a: {  	_ =	shalt  }
0x4b: {  	_ =	shalt  }
0x4c: {  	_ =	shalt  }
0x4d: {  	_ =	shalt  }
0x4e: {  	_ =	shalt  }
0x4f: {  	_ =	shalt  }
0x50: {  	_ =	shalt  }
0x51: {  	_ =	shalt  }
0x52: {  	_ =	shalt  }
0x53: {  	_ =	shalt  }
0x54: {  	_ =	shalt  }
0x55: {  	_ =	shalt  }
0x56: {  	_ =	shalt  }
0x57: {  	_ =	shalt  }
0x58: {  	_ =	shalt  }
0x59: {  	_ =	shalt  }
0x5a: {  	_ =	shalt  }
0x5b: {  	_ =	shalt  }
0x5c: {  	_ =	shalt  }
0x5d: {  	_ =	shalt  }
0x5e: {  	_ =	shalt  }
0x5f: {  	_ =	shalt  }
0x60: {  	_ =	shalt  }
0x61: {  	_ =	shalt  }
0x62: {  	_ =	shalt  }
0x63: {  	_ =	shalt  }
0x64: {  	_ =	shalt  }
0x65: {  	_ =	shalt  }
0x66: {  	_ =	shalt  }
0x67: {  	_ =	shalt  }
0x68: {  	_ =	shalt  }
0x69: {  	_ =	shalt  }
0x6a: {  	_ =	shalt  }
0x6b: {  	_ =	shalt  }
0x6c: {  	_ =	shalt  }
0x6d: {  	_ =	shalt  }
0x6e: {  	_ =	shalt  }
0x6f: {  	_ =	shalt  }
0x70: {  	_ =	shalt  }
0x71: {  	_ =	shalt  }
0x72: {  	_ =	shalt  }
0x73: {  	_ =	shalt  }
0x74: {  	_ =	shalt  }
0x75: {  	_ =	shalt  }
0x76: {  	_ =	shalt  }
0x77: {  	_ =	shalt  }
0x78: {  	_ =	shalt  }
0x79: {  	_ =	shalt  }
0x7a: {  	_ =	shalt  }
0x7b: {  	_ =	shalt  }
0x7c: {  	_ =	shalt  }
0x7d: {  	_ =	shalt  }
0x7e: {  	_ =	shalt  }
0x7f: {  	_ =	shalt  }
0x80: {  	_ =	shalt  }
0x81: {  	_ =	shalt  }
0x82: {  	_ =	shalt  }
0x83: {  	_ =	shalt  }
0x84: {  	_ =	shalt  }
0x85: {  	_ =	shalt  }
0x86: {  	_ =	shalt  }
0x87: {  	_ =	shalt  }
.Lfunc_end0:
.L_simem_size_0:
called_computation_lowered:
.L_overlay_start_0:
0x88: {  	s2 =	sld [smem:$0x3FD9]  }
0x89: {  	s3 =	sld [smem:$0x3FFE];
	_ =	sdelay $0x1  }
0x8a: {  	s1 =	srdreg.scid  }
0x8b: {  	s0 =	sand.u32 $0x1, s1  }
0x8c: {  	s17 =	sshll.u32 s0, $0xA;
	s2 =	sadd.s32 s3, s2  }
0x8d: {  	s2 =	sadd.s32 s2, s17  }
0x8e: {  	[smem:$0x3FC2] =	sst s2  }
0x8f: {  	_ = 	snop  }
0x90: {  	s2 =	sld [smem:$0x3FC5]  }
0x91: {  	s18 =	sld [smem:$0x3FC4]  }
0x92: {  	s4 =	sld [smem:$0x3FD0];
	(tm) =	ssettm $0x1  }
0x93: {  	s5 =	sld [smem:$0x3FFB];
	_ =	sdelay $0x3  }
0x94: {  	_ =	strace s5  }
0x95: {  	s5 =	sld [smem:$0x3FFC];
	_ =	sdelay $0x3  }
0x96: {  	_ =	strace s5  }
0x97: {  	s5 =	sld [smem:$0x3FFD];
	_ =	sdelay $0x3  }
0x98: {  	_ =	strace s5  }
0x99: {  	_ =	strace $0x8FFFFFFF  }
0x9a: {  	s19 =	sld [smem:$0x3FDB];
	_ =	sdelay $0x1  }
0x9b: {  	s6 =	simm.s32 $_scs_section_size  }
0x9c: {  	s7 =	simm.s32 $_size__tile_overlayer_lowered;
	s8 =	simm.s32 $_tile_overlayer_lowered  }
0x9d: {  	s22 =	simm.s32 $0x1BFF;
	s21 =	sshll.u32 s8, $0x1;
	s5 =	sadd.s32 s6, s19  }
0x9e: {  	s9 =	simm.s32 $0x0;
	s20 =	sshll.u32 s7, $0x1;
	s7 =	sadd.s32 s21, s5  }
0x9f: {  	[timem:s9], [sflag:s22] =	dma.local [hbm:s7], s20  }
0xa0: {  	_ =	swait.ge [sflag:s22], s20  }
0xa1: {  	s6 =	ssub.s32 $0x0, s20;
	[sflag:s22] =	ssyncset.done $0x0  }
0xa2: {  	[sflag:s22] =	ssyncadd.s32 s6;
	_ =	sdelay $0x1  }
0xa3: {  	s23 =	simm.s32 $0x1B8B  }
0xa4: {  	_ =	swait.ge [sflag:s23], $0x1  }
0xa5: {  	[sflag:s23] =	ssyncset.done $0x0  }
0xa6: {  	s25 =	simm.s32 $0x1B8E;
	s24 =	sld [smem:$0x3FFE];
	[sflag:s23] =	ssyncadd.s32 $0xFFFFFFFF  }
0xa7: {  	s26 =	simm.s32 $execute0_lowered;
	[smem:$0x3FD2] =	sst s25  }
0xa8: {  	s7 =	sshll.u32 s26, $0x1;
	_ =	strace $0x80000046;
	[dreg:$0x1] =	wrdreg $0xFFFFFFFF  }
0xa9: {  	s28 =	simm.s32 $_size_execute0_lowered;
	s5 =	sadd.s32 s5, s7;
	[dreg:$0x0] =	wrdreg $0x0  }
0xaa: {  	s7 =	sshll.u32 s28, $0x1;
	[dreg:$0x2] =	wrdreg s5  }
0xab: {  	[dreg:$0x3] =	wrdreg s7  }
0xac: {  	[dreg:$0x4] =	wrdreg $0xC0  }
0xad: {  	_ =	task [dreg:s9], $0x5FFFF  }
0xae: {  	[dreg:$0x1] =	wrdreg $0xFFFFFFFF  }
0xaf: {  	[dreg:$0x0] =	wrdreg $0x60  }
0xb0: {  	[dreg:$0x2] =	wrdreg s4  }
0xb1: {  	[dreg:$0x3] =	wrdreg s24  }
0xb2: {  	[dreg:$0x4] =	wrdreg s2  }
0xb3: {  	[dreg:$0x5] =	wrdreg s18  }
0xb4: {  	[dreg:$0x6] =	wrdreg $0x9  }
0xb5: {  	_ =	task.clear_ibuf [dreg:s9], $0x7FFFF;
	_ =	strace $0x90000046  }
0xb6: {  	s29 =	simm.s32 $0x9;
	_ =	strace $0x80000048  }
0xb7: {  	_ =	swait.ge [sflag:s29], $0x1  }
0xb8: {  	[sflag:s29] =	ssyncadd.s32 $0xFFFFFFFF  }
0xb9: {  	_ =	strace $0x90000048  }
0xba: {  	_ =	sfence  }
0xbb: {  	s30 =	sld [smem:$0x0];
	_ =	sdelay $0x2  }
0xbc: {  	s31 =	sshll.u32 s1, $0xD;
	s1 =	sshrl.u32 s1, $0x2  }
0xbd: {  	s3 =	sand.u32 $0x4000, s31;
	s1 =	sadd.s32 s1, s30  }
0xbe: {  	s0 =	sor.u32 s3, s0;
	s1 =	sshll.u32 s1, $0x11  }
0xbf: {  	s0 =	sor.u32 s1, s0  }
0xc0: {  	s0 =	sadd.s32 $0x8F2B, s0  }
0xc1: {  	[sflag:s0] =	ssyncadd.remote.s32 $0x1  }
0xc2: {  	_ =	sfence.sel $0xFFFF  }
0xc3: {  	[dreg:$0x0] =	wrdreg $0xFFFFFFFF;
	(pc) =	sbr.abs _section_cstart, $3  }
0xc4: {  	[dreg:$0x1] =	wrdreg $0xFFFFFFFF  }
0xc5: {  	_ =	task.clear_ibuf [dreg:s9], $0x2FFFF;
	_ =	strace $0x9FFFFFFF  }
0xc6: {  	(tm) =	ssettm $0x7FFFFFFF  }
0xc7: {  	_ =	shalt  }
tec
execute0_lowered:
.L_overlay_start_1:
0x0: {  	(tag) =	ssettag $0x1  }
0x1: {  	v0 =	vimm.s32 $0x180;
	vm0 =	vcmask $0x3700  }
0x2: {  	vm12 =	vcmask $0xF00;
	vm13 =	vcmask $0x2700;
	v1 =	vimm.s32 $0x1001918  }
0x3: {  	v2 =	vimm.s32 $0x32107654;
	v3 =	vimm.s32 $0x13121110;
	v4 =	vimm.s32 $0x17161514  }
0x4: {  	vm14 =	vcmask $0x1F10;
	v5 =	vimm.s32 $0x19181716;
	v7 =	vimm.s32 $0xB0A0908  }
0x5: {  	v8 =	vsel vm0, $0x100, v0;
	v0 =	vimm.s32 $0x100;
	v1 =	vunpack.c.0.s8.s32 v1  }
0x6: {  	v2 =	vunpack.c.l.s4.s8 v2;
	v9 =	vsel vm12, $0x80, v0;
	v0 =	vimm.s32 $0x80  }
0x7: {  	v3 =	vunpack.c.0.s8.s32 v3;
	v10 =	vsel vm13, $0x0, v0;
	v0 =	vimm.s32 $0x5040302  }
0x8: {  	s0 =	rddreg [dreg:$0x0];
	v4 =	vunpack.c.0.s8.s32 v4;
	v2 =	vunpack.c.0.s8.s32 v2;
	v0 =	vunpack.c.0.s8.s32 v0  }
0x9: {  	s1 =	rddreg [dreg:$0x1];
	s4 =	simm.s32 $0x0;
	vm1 =	vcmask $0x2F10;
	v5 =	vunpack.c.0.s8.s32 v5;
	v7 =	vunpack.c.0.s8.s32 v7  }
0xa: {  	s2 =	srdreg.scid;
	[smem:$0x7FF] =	sst s4;
	v6 =	vsel vm14, v4, v3;
	v2 =	vand.u32 $0xF, v2;
	v0 =	vsel vm14, v0, v1  }
0xb: {  	s3 =	stileid.u32;
	vm15 =	vcmask $0x3F30;
	s2 =	sand.u32 $0x1, s2;
	_ =	strace $0x80000047;
	[tilespmem:$0x1FF60] =	vst v8;
	v11 =	vcombine.low v6, v0;
	v0 =	vsel vm1, v2, v5  }
0xc: {  	s3 =	sshll.u32 s3, $0x8;
	s5 =	sshll.u32 s2, $0x7;
	[tilespmem:$0x1FF70] =	vst v9;
	v2 =	vimm.s32 $0x76543210;
	v7 =	vsel vm15, v7, v0;
	v0 =	vimm.s32 $0xF0E0D0C  }
0xd: {  	s26 =	sadd.s32 $0x10400, s1;
	s2 =	ssub.s32 $0x2, s2;
	s3 =	sor.u32 s5, s3;
	[tilespmem:$0x1FF80] =	vst v10;
	v6 =	vimm.s32 $0x15141312;
	v2 =	vunpack.c.l.s4.s8 v2;
	v0 =	vunpack.c.0.s8.s32 v0  }
0xe: {  	v12 =	vlaneseq.u32;
	[dreg:$0x5] =	wrdreg s26;
	s8 =	sshrl.u32 s2, $0x1;
	s6 =	sshll.u32 s3, $0x4;
	v1 =	vsel vm14, v1, v4;
	v4 =	vunpack.c.0.s8.s32 v6;
	[tilespmem:$0x1FF90] =	vst v11  }
0xf: {  	s3 =	sshll.u32 s3, $0x9;
	s2 =	ssub.s32 s2, s8;
	s0 =	sadd.s32 s0, s6;
	[tilespmem:$0x1FFA0] =	vst v7;
	v2 =	vunpack.c.0.s8.s32 v2;
	v0 =	vsel vm14, v3, v0;
	v3 =	vadd.s32 $0x86, v12  }
0x10: {  	s7 =	sadd.s32 s6, s1;
	s31 =	smax.u32 s2, $0x1;
	[dreg:$0x6] =	wrdreg s0;
	v6 =	vcombine.low v0, v1;
	v1 =	vsel vm14, v5, v4;
	v4 =	vadd.s32 $0x182, v12;
	[tilespmem:$0x1FFB0] =	vst v3  }
0x11: {  	s1 =	sadd.s32 s3, s1;
	s28 =	sadd.s32 $0x400, s7;
	[dreg:$0xa] =	wrdreg s31;
	v0 =	vshrl.u32 v12, $0x3;
	[tilespmem:$0x1FFD0] =	vst v4  }
0x12: {  	s12 =	simm.s32 $0x4000;
	s29 =	sadd.s32 $0x1B0400, s1;
	[dreg:$0x7] =	wrdreg s28;
	v5 =	vadd.s32 $0x3, v0;
	v13 =	vcombine.low v1, v2;
	[tilespmem:$0x1FFC0] =	vst v6  }
0x13: {  	s20 =	simm.s32 $0x40;
	s30 =	sadd.s32 $0x1B0C00, s1;
	[dreg:$0x8] =	wrdreg s29;
	[tilespmem:$0x1FFE0] =	vst v5  }
0x14: {  	s21 =	simm.s32 $0x80;
	s2 =	simm.s32 $0x0;
	[dreg:$0x9] =	wrdreg s30;
	[tilespmem:$0x1FFF0] =	vst v13  }
.LBB2_1:
0x15: {  	[dreg:$0xb] =	wrdreg s2  }
0x16: {  	s0 =	rddreg [dreg:$0x6];
	s1 =	simm.s32 $0x5  }
0x17: {  	[tilespmem:s4], [sflag:$0x5] =	stream.linear.gather [hbm4b:s0+s4], $0x4000, $0x38;
	[tilespmem:$0x1A480] =	vst v63  }
0x18: {  	_ =	swait.ge [sflag:s1], $0x4000  }
0x19: {  	[sflag:s1] =	ssyncset.done $0x0  }
0x1a: {  	s26 =	rddreg [dreg:$0x7];
	[sflag:s1] =	ssyncadd.s32 $0xFFFFC000  }
0x1b: {  	[tilespmem:s12], [sflag:$0x5] =	stream.linear.gather [hbm4b:s26+s4], $0x4000, $0x38;
	[tilespmem:$0x1A480] =	vst v63  }
0x1c: {  	_ =	swait.ge [sflag:s1], $0x4000  }
0x1d: {  	[sflag:s1] =	ssyncset.done $0x0  }
0x1e: {  	[sflag:s1] =	ssyncadd.s32 $0xFFFFC000  }
0x1f: {  	s29 =	simm.s32 $0xA000;
	s28 =	rddreg [dreg:$0x2]  }
0x20: {  	[tilespmem:s29], [sflag:$0x5] =	stream.linear.gather [hbm4b:s28+s4], $0x40, $0x38;
	[tilespmem:$0x1A480] =	vst v63  }
0x21: {  	_ =	swait.ge [sflag:s1], $0x40  }
0x22: {  	[sflag:s1] =	ssyncset.done $0x0  }
0x23: {  	[sflag:s1] =	ssyncadd.s32 $0xFFFFFFC0  }
0x24: {  	s31 =	simm.s32 $0xA040;
	s30 =	rddreg [dreg:$0x3]  }
0x25: {  	v0 =	vmov s4;
	[tilespmem:s31], [sflag:$0x5] =	stream.linear.gather [hbm4b:s30+s4], $0x40, $0x38;
	[tilespmem:$0x1A480] =	vst v63  }
0x26: {  	v0 =	vshll.u32 v0, $0x7;
	_ =	swait.ge [sflag:s1], $0x40  }
0x27: {  	v1 =	vor.u32 v12, v0;
	[sflag:s1] =	ssyncset.done $0x0  }
0x28: {  	[sflag:s1] =	ssyncadd.s32 $0xFFFFFFC0  }
0x29: {  	v53 =	vld [tilespmem:$0xA000]  }
0x2a: {  	v22 =	vld [tilespmem:$0xA010]  }
0x2b: {  	v15 =	vld [tilespmem:$0xA020]  }
0x2c: {  	v2 =	vld.idx.msk [tilespmem:v1+s4+$0x0], $0xffff  }
0x2d: {  	v21 =	vld [tilespmem:$0xA030]  }
0x2e: {  	v29 =	vld [tilespmem:$0xA040]  }
0x2f: {  	v31 =	vld [tilespmem:$0xA050]  }
0x30: {  	s0 =	simm.s32 $0x8030;
	v32 =	vld [tilespmem:$0xA060]  }
0x31: {  	v33 =	vld [tilespmem:$0xA070];
	[tilespmem:s0+$0xFFFFFFD0] =	vst v2  }
0x32: {  	v2 =	vor.u32 v10, v0;
	v1 =	vld.idx.msk [tilespmem:v1+s12+$0x0], $0xffff  }
0x33: {  	v2 =	vor.u32 v11, v2;
	_ =	sdelay $0x2  }
0x34: {  	s2 =	simm.s32 $0x9030  }
0x35: {  	[tilespmem:s2+$0xFFFFFFD0] =	vst v1  }
0x36: {  	v1 =	vld.idx.msk [tilespmem:v2+s4+$0x0], $0xffff;
	_ =	sdelay $0x4  }
0x37: {  	[tilespmem:s0+$0xFFFFFFE0] =	vst v1  }
0x38: {  	v1 =	vld.idx.msk [tilespmem:v2+s12+$0x0], $0xffff  }
0x39: {  	v2 =	vor.u32 v3, v0;
	_ =	sdelay $0x3  }
0x3a: {  	[tilespmem:s2+$0xFFFFFFE0] =	vst v1  }
0x3b: {  	v1 =	vld.idx.msk [tilespmem:v2+s4+$0x0], $0xffff;
	_ =	sdelay $0x4  }
0x3c: {  	[tilespmem:s0+$0xFFFFFFF0] =	vst v1  }
0x3d: {  	v1 =	vld.idx.msk [tilespmem:v2+s12+$0x0], $0xffff;
	v2 =	vor.u32 v9, v0  }
0x3e: {  	v2 =	vor.u32 v7, v2;
	_ =	sdelay $0x3  }
0x3f: {  	[tilespmem:s2+$0xFFFFFFF0] =	vst v1  }
0x40: {  	v1 =	vld.idx.msk [tilespmem:v2+s4+$0x0], $0xffff;
	_ =	sdelay $0x4  }
0x41: {  	[tilespmem:s0+$0x0] =	vst v1  }
0x42: {  	v1 =	vld.idx.msk [tilespmem:v2+s12+$0x0], $0xffff;
	v2 =	vor.u32 v8, v0  }
0x43: {  	v2 =	vor.u32 v6, v2;
	_ =	sdelay $0x3  }
0x44: {  	[tilespmem:s2+$0x0] =	vst v1  }
0x45: {  	v1 =	vld.idx.msk [tilespmem:v2+s4+$0x0], $0xffff;
	_ =	sdelay $0x4  }
0x46: {  	[tilespmem:s0+$0x10] =	vst v1  }
0x47: {  	v1 =	vld.idx.msk [tilespmem:v2+s12+$0x0], $0xffff  }
0x48: {  	v0 =	vor.u32 v4, v0;
	_ =	sdelay $0x3  }
0x49: {  	[tilespmem:s2+$0x10] =	vst v1  }
0x4a: {  	v1 =	vld.idx.msk [tilespmem:v0+s4+$0x0], $0xffff;
	_ =	sdelay $0x2  }
0x4b: {  	v2 =	vadd.s32 s4, v5  }
0x4c: {  	vm0 =	vlt.s32 v2, $0x7F  }
0x4d: {  	[tilespmem:s0+$0x20] =	vst v1;
	v1 =	vnsel vm0, $0x7F, v2  }
0x4e: {  	v0 =	vld.idx.msk [tilespmem:v0+s12+$0x0], $0xffff;
	v1 =	vshll.u32 v1, $0x7  }
0x4f: {  	v2 =	vor.u32 v13, v1;
	_ =	sdelay $0x3  }
0x50: {  	[tilespmem:s2+$0x20] =	vst v0  }
0x51: {  	v0 =	vld.idx.msk [tilespmem:v2+s4+$0x0], $0xffff;
	_ =	sdelay $0x4  }
0x52: {  	s6 =	simm.s32 $0x4;
	[tilespmem:s0+$0x30] =	vst v0  }
0x53: {  	s7 =	simm.s32 $0x8;
	v1 =	vmov s6;
	v0 =	vld.idx.msk [tilespmem:v2+s12+$0x0], $0xffff  }
.LBB2_2:
0x54: {  	p0 =	sne.s32 s7, $0x7C;
	v1 =	vshll.u32 v1, $0x7  }
0x55: {  	v2 =	vor.u32 v12, v1;
	_ =	sdelay $0x3  }
0x56: {  	[tilespmem:s2+$0x30] =	vst v0  }
0x57: {  	v0 =	vld.idx.msk [tilespmem:v2+s4+$0x0], $0xffff;
	_ =	sdelay $0x4  }
0x58: {  	s0 =	sadd.s32 $0x80, s0  }
0x59: {  	[tilespmem:s0+$0xFFFFFFD0] =	vst v0  }
0x5a: {  	v0 =	vld.idx.msk [tilespmem:v2+s12+$0x0], $0xffff  }
0x5b: {  	v2 =	vor.u32 v10, v1  }
0x5c: {  	v2 =	vor.u32 v11, v2;
	_ =	sdelay $0x2  }
0x5d: {  	s2 =	sadd.s32 $0x80, s2  }
0x5e: {  	[tilespmem:s2+$0xFFFFFFD0] =	vst v0  }
0x5f: {  	v0 =	vld.idx.msk [tilespmem:v2+s4+$0x0], $0xffff;
	_ =	sdelay $0x5  }
0x60: {  	[tilespmem:s0+$0xFFFFFFE0] =	vst v0  }
0x61: {  	v0 =	vld.idx.msk [tilespmem:v2+s12+$0x0], $0xffff;
	_ =	sdelay $0x1  }
0x62: {  	v2 =	vor.u32 v3, v1;
	_ =	sdelay $0x3  }
0x63: {  	[tilespmem:s2+$0xFFFFFFE0] =	vst v0  }
0x64: {  	v0 =	vld.idx.msk [tilespmem:v2+s4+$0x0], $0xffff;
	_ =	sdelay $0x5  }
0x65: {  	[tilespmem:s0+$0xFFFFFFF0] =	vst v0  }
0x66: {  	v0 =	vld.idx.msk [tilespmem:v2+s12+$0x0], $0xffff  }
0x67: {  	v2 =	vor.u32 v9, v1  }
0x68: {  	v2 =	vor.u32 v7, v2;
	_ =	sdelay $0x3  }
0x69: {  	[tilespmem:s2+$0xFFFFFFF0] =	vst v0  }
0x6a: {  	v0 =	vld.idx.msk [tilespmem:v2+s4+$0x0], $0xffff;
	_ =	sdelay $0x5  }
0x6b: {  	[tilespmem:s0+$0x0] =	vst v0  }
0x6c: {  	v0 =	vld.idx.msk [tilespmem:v2+s12+$0x0], $0xffff  }
0x6d: {  	v2 =	vor.u32 v8, v1  }
0x6e: {  	v2 =	vor.u32 v6, v2;
	_ =	sdelay $0x3  }
0x6f: {  	[tilespmem:s2+$0x0] =	vst v0  }
0x70: {  	v0 =	vld.idx.msk [tilespmem:v2+s4+$0x0], $0xffff;
	_ =	sdelay $0x5  }
0x71: {  	[tilespmem:s0+$0x10] =	vst v0  }
0x72: {  	v0 =	vld.idx.msk [tilespmem:v2+s12+$0x0], $0xffff;
	_ =	sdelay $0x1  }
0x73: {  	v1 =	vor.u32 v4, v1;
	_ =	sdelay $0x3  }
0x74: {  	[tilespmem:s2+$0x10] =	vst v0  }
0x75: {  	v0 =	vld.idx.msk [tilespmem:v1+s4+$0x0], $0xffff;
	_ =	sdelay $0x4  }
0x76: {  	v2 =	vadd.s32 s6, v5;
	s6 =	smov.u32 s7  }
0x77: {  	vm0 =	vlt.s32 v2, $0x7F;
	[tilespmem:s0+$0x20] =	vst v0  }
0x78: {  	v0 =	vld.idx.msk [tilespmem:v1+s12+$0x0], $0xffff;
	v1 =	vnsel vm0, $0x7F, v2  }
0x79: {  	v1 =	vshll.u32 v1, $0x7  }
0x7a: {  	v2 =	vor.u32 v13, v1;
	_ =	sdelay $0x3  }
0x7b: {  	[tilespmem:s2+$0x20] =	vst v0  }
0x7c: {  	v0 =	vld.idx.msk [tilespmem:v2+s4+$0x0], $0xffff;
	_ =	sdelay $0x2  }
.Ltmp0:
0x7d: {  	(pc) =	sbr.rel @p0 .LBB2_2-.Ltmp0, $3  }
0x7e: {  	_ =	sdelay $0x1  }
0x7f: {  	[tilespmem:s0+$0x30] =	vst v0  }
0x80: {  	s7 =	sadd.s32 $0x4, s7;
	v1 =	vmov s6;
	v0 =	vld.idx.msk [tilespmem:v2+s12+$0x0], $0xffff  }
0x81: {  	v1 =	vshll.u32 v1, $0x7  }
0x82: {  	v2 =	vor.u32 v12, v1;
	_ =	sdelay $0x3  }
0x83: {  	[tilespmem:s2+$0x30] =	vst v0  }
0x84: {  	v0 =	vld.idx.msk [tilespmem:v2+s4+$0x0], $0xffff;
	_ =	sdelay $0x3  }
0x85: {  	s0 =	sadd.s32 $0x80, s0  }
0x86: {  	[tilespmem:s0+$0xFFFFFFD0] =	vst v0  }
0x87: {  	v58 =	vor.u32 v10, v1;
	v0 =	vld.idx.msk [tilespmem:v2+s12+$0x0], $0xffff  }
0x88: {  	v2 =	vor.u32 v11, v58;
	_ =	sdelay $0x2  }
0x89: {  	s1 =	sadd.s32 $0x80, s2  }
0x8a: {  	[tilespmem:s1+$0xFFFFFFD0] =	vst v0  }
0x8b: {  	v0 =	vld.idx.msk [tilespmem:v2+s4+$0x0], $0xffff;
	_ =	sdelay $0x4  }
0x8c: {  	[tilespmem:s0+$0xFFFFFFE0] =	vst v0  }
0x8d: {  	v0 =	vld.idx.msk [tilespmem:v2+s12+$0x0], $0xffff  }
0x8e: {  	v59 =	vor.u32 v3, v1;
	_ =	sdelay $0x3  }
0x8f: {  	[tilespmem:s1+$0xFFFFFFE0] =	vst v0  }
0x90: {  	v0 =	vld.idx.msk [tilespmem:v59+s4+$0x0], $0xffff;
	_ =	sdelay $0x4  }
0x91: {  	[tilespmem:s0+$0xFFFFFFF0] =	vst v0  }
0x92: {  	v60 =	vor.u32 v9, v1;
	v0 =	vld.idx.msk [tilespmem:v59+s12+$0x0], $0xffff  }
0x93: {  	v2 =	vor.u32 v7, v60;
	_ =	sdelay $0x3  }
0x94: {  	[tilespmem:s1+$0xFFFFFFF0] =	vst v0  }
0x95: {  	v0 =	vld.idx.msk [tilespmem:v2+s4+$0x0], $0xffff;
	_ =	sdelay $0x4  }
0x96: {  	[tilespmem:s0+$0x0] =	vst v0  }
0x97: {  	v61 =	vor.u32 v8, v1;
	v0 =	vld.idx.msk [tilespmem:v2+s12+$0x0], $0xffff  }
0x98: {  	v2 =	vor.u32 v6, v61;
	_ =	sdelay $0x3  }
0x99: {  	[tilespmem:s1+$0x0] =	vst v0  }
0x9a: {  	v0 =	vld.idx.msk [tilespmem:v2+s4+$0x0], $0xffff;
	_ =	sdelay $0x4  }
0x9b: {  	[tilespmem:s0+$0x10] =	vst v0  }
0x9c: {  	v0 =	vld.idx.msk [tilespmem:v2+s12+$0x0], $0xffff  }
0x9d: {  	v1 =	vor.u32 v4, v1;
	_ =	sdelay $0x3  }
0x9e: {  	[tilespmem:s1+$0x10] =	vst v0  }
0x9f: {  	v0 =	vld.idx.msk [tilespmem:v1+s4+$0x0], $0xffff;
	_ =	sdelay $0x2  }
0xa0: {  	v62 =	vadd.s32 s6, v5  }
0xa1: {  	vm0 =	vlt.s32 v62, $0x7F  }
0xa2: {  	v63 =	vnsel vm0, $0x7F, v62;
	[tilespmem:s0+$0x20] =	vst v0  }
0xa3: {  	v0 =	vshll.u32 v63, $0x7;
	v1 =	vld.idx.msk [tilespmem:v1+s12+$0x0], $0xffff  }
0xa4: {  	v0 =	vor.u32 v13, v0;
	_ =	sdelay $0x3  }
0xa5: {  	[tilespmem:s1+$0x20] =	vst v1  }
0xa6: {  	v1 =	vld.idx.msk [tilespmem:v0+s4+$0x0], $0xffff;
	_ =	sdelay $0x4  }
0xa7: {  	[tilespmem:s0+$0x30] =	vst v1  }
0xa8: {  	v0 =	vld.idx.msk [tilespmem:v0+s12+$0x0], $0xffff;
	_ =	sdelay $0x3  }
0xa9: {  	s7 =	rddreg [dreg:$0x5]  }
0xaa: {  	s8 =	simm.s32 $0x68;
	s9 =	simm.s32 $0x8000;
	s3 =	simm.s32 $0xA080;
	[tilespmem:s1+$0x30] =	vst v0  }
0xab: {  	[tilespmem:s3], [sflag:$0x1] =	stream.indirect.gather [hbm4b:s7+s8], $0x80, s9, s8, $0xb8;
	[tilespmem:$0x1A480] =	vst v63  }
0xac: {  	s10 =	simm.s32 $0x9000;
	s11 =	simm.s32 $0xD480  }
0xad: {  	[tilespmem:s11], [sflag:$0x1] =	stream.indirect.gather [hbm4b:s7+s8], $0x80, s10, s8, $0xb8;
	[tilespmem:$0x1A480] =	vst v63  }
0xae: {  	s13 =	rddreg [dreg:$0x8];
	s14 =	simm.s32 $0x17080;
	[tilespmem:$0x1FEE0] =	vst v53  }
0xaf: {  	[hbm4b:s13+s20] =	stream.strided.scatter [tilespmem:s14], [sflag:$0x3], $0x680, s21, s20, $0x38;
	[tilespmem:$0x1A480] =	vst v63  }
0xb0: {  	s16 =	simm.s32 $0x17700;
	[tilespmem:$0x1FEF0] =	vst v15;
	s15 =	sadd.s32 $0x200, s13  }
0xb1: {  	[hbm4b:s15+s20] =	stream.strided.scatter [tilespmem:s16], [sflag:$0x3], $0x680, s21, s20, $0x38;
	[tilespmem:$0x1A480] =	vst v63  }
0xb2: {  	s18 =	simm.s32 $0x17D80;
	[tilespmem:$0x1FF00] =	vst v29;
	s17 =	sadd.s32 $0x400, s13  }
0xb3: {  	[hbm4b:s17+s20] =	stream.strided.scatter [tilespmem:s18], [sflag:$0x3], $0x680, s21, s20, $0x38;
	[tilespmem:$0x1A480] =	vst v63  }
0xb4: {  	s22 =	simm.s32 $0x18400;
	[tilespmem:$0x1FF10] =	vst v31;
	s19 =	sadd.s32 $0x600, s13  }
0xb5: {  	[hbm4b:s19+s20] =	stream.strided.scatter [tilespmem:s22], [sflag:$0x3], $0x680, s21, s20, $0x38;
	[tilespmem:$0x1A480] =	vst v63  }
0xb6: {  	s23 =	rddreg [dreg:$0x9];
	s24 =	simm.s32 $0x18A80;
	[tilespmem:$0x1FF20] =	vst v32  }
0xb7: {  	[hbm4b:s23+s20] =	stream.strided.scatter [tilespmem:s24], [sflag:$0x4], $0x680, s21, s20, $0x38;
	[tilespmem:$0x1A480] =	vst v63  }
0xb8: {  	s26 =	simm.s32 $0x19100;
	[tilespmem:$0x1FF30] =	vst v33;
	s25 =	sadd.s32 $0x200, s23  }
0xb9: {  	[hbm4b:s25+s20] =	stream.strided.scatter [tilespmem:s26], [sflag:$0x4], $0x680, s21, s20, $0x38;
	[tilespmem:$0x1A480] =	vst v63  }
0xba: {  	s29 =	simm.s32 $0x19780;
	[tilespmem:$0x1FF40] =	vst v21;
	s28 =	sadd.s32 $0x400, s23  }
0xbb: {  	[hbm4b:s28+s20] =	stream.strided.scatter [tilespmem:s29], [sflag:$0x4], $0x680, s21, s20, $0x38;
	[tilespmem:$0x1A480] =	vst v63  }
0xbc: {  	s31 =	simm.s32 $0x19E00;
	[tilespmem:$0x1FF50] =	vst v22;
	s30 =	sadd.s32 $0x600, s23;
	s16 =	simm.s32 $0x0  }
0xbd: {  	[hbm4b:s30+s20] =	stream.strided.scatter [tilespmem:s31], [sflag:$0x4], $0x680, s21, s20, $0x38;
	[tilespmem:$0x1A480] =	vst v63  }
.LBB2_4:
0xbe: {  	s1 =	simm.s32 $0x1  }
0xbf: {  	_ =	swait.ge [sflag:s1], $0x3400  }
0xc0: {  	[sflag:s1] =	ssyncset.done $0x0  }
0xc1: {  	s0 =	sshllo.u32 s16, $0x1;
	[sflag:s1] =	ssyncadd.s32 $0xFFFFCC00  }
0xc2: {  	s3 =	simm.s32 $0x68;
	s5 =	simm.s32 $0x10880;
	_ =	swait.ge [sflag:s1], $0x3400  }
0xc3: {  	[dreg:$0xc] =	wrdreg s0;
	s0 =	sshll.u32 s0, $0x7;
	[sflag:s1] =	ssyncset.done $0x0  }
0xc4: {  	s15 =	sadd.s32 $0x8000, s0;
	s2 =	rddreg [dreg:$0x5];
	[sflag:s1] =	ssyncadd.s32 $0xFFFFCC00  }
0xc5: {  	[tilespmem:s5], [sflag:$0x2] =	stream.indirect.gather [hbm4b:s2+s3], $0x80, s15, s3, $0xb8;
	[tilespmem:$0x1A480] =	vst v63  }
0xc6: {  	s17 =	simm.s32 $0x13C80;
	s18 =	simm.s32 $0x3;
	s0 =	sadd.s32 $0x9000, s0  }
0xc7: {  	[tilespmem:s17], [sflag:$0x2] =	stream.indirect.gather [hbm4b:s2+s3], $0x80, s0, s3, $0xb8;
	[tilespmem:$0x1A480] =	vst v63  }
0xc8: {  	_ =	swait.ge [sflag:s18], $0x1A00  }
0xc9: {  	[sflag:s18] =	ssyncset.done $0x0  }
0xca: {  	s19 =	simm.s32 $0xA280;
	[sflag:s18] =	ssyncadd.s32 $0xFFFFE600  }
0xcb: {  	s23 =	simm.s32 $0xD6C0;
	v0 =	vld [tilespmem:s19+$0x180]  }
0xcc: {  	v1 =	vld [tilespmem:s23+$0x180]  }
0xcd: {  	v2 =	vld [tilespmem:s19+$0x190]  }
0xce: {  	v3 =	vld [tilespmem:s23+$0x190]  }
0xcf: {  	v4 =	vld [tilespmem:s19+$0x1A0]  }
0xd0: {  	v5 =	vld [tilespmem:s23+$0x1A0]  }
0xd1: {  	v6 =	vld [tilespmem:s19+$0x1B0]  }
0xd2: {  	v7 =	vld [tilespmem:s23+$0x1B0]  }
0xd3: {  	v45 =	vld [tilespmem:s23+$0xFFFFFE00]  }
0xd4: {  	v23 =	vld [tilespmem:s19+$0xFFFFFE10]  }
0xd5: {  	v28 =	vld [tilespmem:s23+$0xFFFFFE10]  }
0xd6: {  	v8 =	vld [tilespmem:s19+$0xFFFFFE90];
	v48 =	vadd.f32 v1, v0;
	v20 =	vadd.f32 v3, v2  }
0xd7: {  	v9 =	vld [tilespmem:s23+$0xFFFFFEB0];
	v19 =	vadd.f32 v5, v4;
	v24 =	vadd.f32 v7, v6  }
0xd8: {  	v10 =	vld [tilespmem:s19+$0xFFFFFF00];
	v0 =	vmul.f32 v48, v48;
	v1 =	vmul.f32 v20, v20  }
0xd9: {  	v2 =	vld [tilespmem:s19+$0xFFFFFE80];
	v3 =	vmul.f32 v19, v19;
	v4 =	vmul.f32 v24, v24  }
0xda: {  	v7 =	vld [tilespmem:s23+$0xFFFFFE80];
	v5 =	vadd.f32 v20, v48;
	v6 =	vadd.f32 v24, v19  }
0xdb: {  	v0 =	vadd.f32 v1, v0;
	v1 =	vadd.f32 v4, v3;
	v4 =	vld [tilespmem:s23+$0xFFFFFE90]  }
0xdc: {  	v3 =	vadd.f32 v6, v5;
	v5 =	vld [tilespmem:s19+$0xFFFFFEA0]  }
0xdd: {  	v6 =	vld [tilespmem:s19+$0xFFFFFEB0];
	v0 =	vadd.f32 v1, v0  }
0xde: {  	(xrf2) =	vadd.scan.msk.f32 $0xffff, v3;
	v3 =	vld [tilespmem:s23+$0xFFFFFEA0]  }
0xdf: {  	v11 =	vld [tilespmem:s23+$0xFFFFFF00];
	(xrf2) =	vadd.scan.msk.f32 $0xffff, v0  }
0xe0: {  	v12 =	vld [tilespmem:s19+$0xFFFFFF10]  }
0xe1: {  	v13 =	vld [tilespmem:s23+$0xFFFFFF10]  }
0xe2: {  	v15 =	vld [tilespmem:s23+$0xFFFFFF30];
	v1 =	vadd.f32 v7, v2;
	v2 =	vadd.f32 v4, v8  }
0xe3: {  	v0 =	vadd.f32 v3, v5;
	v5 =	vadd.f32 v9, v6;
	v6 =	vld [tilespmem:s19+$0xFFFFFF30]  }
0xe4: {  	v14 =	vld [tilespmem:s19+$0xFFFFFF20]  }
0xe5: {  	v17 =	vld [tilespmem:s19+$0xFFFFFF80];
	v3 =	vmul.f32 v1, v1;
	v8 =	vmul.f32 v2, v2  }
0xe6: {  	v4 =	vld [tilespmem:s23+$0xFFFFFF20];
	v7 =	vadd.f32 v2, v1;
	v16 =	vadd.f32 v5, v0  }
0xe7: {  	v8 =	vadd.f32 v8, v3;
	v3 =	vadd.f32 v13, v12;
	v12 =	vld [tilespmem:s23+$0xFFFFFFA0]  }
0xe8: {  	v9, _, _ =	vpop (xrf2);
	v25 =	vadd.f32 v15, v6;
	v6 =	vld [tilespmem:s19+$0xFFFFFFA0]  }
0xe9: {  	v13 =	vld [tilespmem:s19+$0xFFFFFFB0];
	v7 =	vadd.f32 v16, v7;
	(v2sf) =	vpush v9, $0xF;
	v9, _, _ =	vpop (xrf2)  }
0xea: {  	v18 =	vmul.f32 v0, v0;
	v16 =	vld [tilespmem:s23+$0xFFFFFFB0];
	(v2sf) =	vpush v9, $0xF;
	v9 =	vmul.f32 v5, v5  }
0xeb: {  	v29 =	vld [tilespmem:s23+$0xFFFFFF80];
	v26 =	vadd.f32 v11, v10;
	(xrf2) =	vadd.scan.msk.f32 $0xffff, v7  }
0xec: {  	v10 =	vld [tilespmem:s19+$0xFFFFFF90];
	v4 =	vadd.f32 v4, v14;
	v9 =	vadd.f32 v9, v18  }
0xed: {  	v11 =	vld [tilespmem:s23+$0xFFFFFF90];
	v14 =	vmul.f32 v26, v26;
	v7 =	vadd.f32 v3, v26;
	v36 =	vadd.f32 v12, v6  }
0xee: {  	v15 =	vmul.f32 v3, v3;
	v12 =	vld [tilespmem:s19+$0x20];
	v8 =	vadd.f32 v9, v8;
	v9 =	vadd.f32 v25, v4  }
0xef: {  	v30 =	vmul.f32 v25, v25;
	v18 =	vmul.f32 v4, v4;
	v6 =	vadd.f32 v16, v13;
	v13 =	vld [tilespmem:s23+$0x20]  }
0xf0: {  	v27 =	vld [tilespmem:s19+$0xFFFFFE20];
	v14 =	vadd.f32 v15, v14;
	(xrf2) =	vadd.scan.msk.f32 $0xffff, v8;
	v8 =	vadd.f32 v9, v7  }
0xf1: {  	v31 =	vld [tilespmem:s23+$0x30];
	v7 =	vadd.f32 v29, v17;
	v17 =	vadd.f32 v30, v18  }
0xf2: {  	v15 =	vld [tilespmem:s23+$0x0]  }
0xf3: {  	v9 =	vld [tilespmem:s19+$0x0];
	(xrf2) =	vadd.scan.msk.f32 $0xffff, v8;
	v8 =	vadd.f32 v11, v10;
	v11 =	vadd.f32 v17, v14  }
0xf4: {  	v18 =	vld [tilespmem:s19+$0x10];
	v37 =	vadd.f32 v13, v12  }
0xf5: {  	v13 =	vld [tilespmem:s19+$0xA0];
	v16, _, _ =	vpop (xrf2);
	v14 =	vadd.f32 v8, v7;
	(xrf2) =	vadd.scan.msk.f32 $0xffff, v11;
	v11 =	vadd.f32 v6, v36  }
0xf6: {  	v32 =	vmul.f32 v6, v6;
	v10 =	vld [tilespmem:s23+$0x10];
	v29 =	vmul.f32 v7, v7;
	(v2sf) =	vpush v16, $0xF  }
0xf7: {  	v17 =	vld [tilespmem:s19+$0x30];
	v16 =	vmul.f32 v36, v36;
	v30 =	vmul.f32 v8, v8;
	v11 =	vadd.f32 v11, v14  }
0xf8: {  	v9 =	vadd.f32 v15, v9;
	v15 =	vld [tilespmem:s23+$0x80]  }
0xf9: {  	v16 =	vadd.f32 v32, v16;
	v14 =	vld [tilespmem:s19+$0x80];
	v29 =	vadd.f32 v30, v29;
	s24 =	spop (v2sf);
	(xrf2) =	vadd.scan.msk.f32 $0xffff, v11  }
0xfa: {  	v30 =	vld [tilespmem:s19+$0x90];
	s14 =	smul.f32 $1.562500000e-02, s24;
	s25 =	spop (v2sf)  }
0xfb: {  	v11 =	vld [tilespmem:s23+$0x90];
	v12 =	vadd.f32 v16, v29;
	s1 =	smul.f32 $1.562500000e-02, s25  }
0xfc: {  	v10 =	vadd.f32 v10, v18;
	v38 =	vadd.f32 v31, v17;
	v29 =	vld [tilespmem:s23+$0xB0];
	v18, _, _ =	vpop (xrf2);
	s6 =	smul.f32 s14, s14  }
0xfd: {  	(xrf2) =	vadd.scan.msk.f32 $0xffff, v12;
	(v2sf) =	vpush v18, $0xF;
	v18 =	vld [tilespmem:s19+$0xB0]  }
0xfe: {  	v17 =	vld [tilespmem:s23+$0xA0];
	v12 =	vadd.f32 v38, v37;
	s1 =	ssub.f32 s1, s6;
	v16, _, _ =	vpop (xrf2)  }
0xff: {  	v57 =	vld [tilespmem:s23+$0xFFFFFE30];
	(v2sf) =	vpush v16, $0xF;
	v16 =	vadd.f32 v10, v9  }
0x100: {  	v59 =	vld [tilespmem:s19+$0x120];
	v35 =	vmul.f32 v37, v37;
	v56 =	vmul.f32 v9, v9;
	v39 =	vadd.f32 v15, v14;
	s1 =	sadd.f32 $9.999999740e-06, s1  }
0x101: {  	v44 =	vld [tilespmem:s19+$0xFFFFFE00];
	v41 =	vmul.f32 v38, v38;
	v40 =	vadd.f32 v11, v30;
	v34, _, _ =	vpop (xrf2);
	v12 =	vadd.f32 v12, v16  }
0x102: {  	v31 =	vld [tilespmem:s23+$0xFFFFFE20];
	v33 =	vmul.f32 v10, v10;
	(v2sf) =	vpush v34, $0xF;
	s26 =	sshra.s32 s1, $0x1;
	s1 =	smul.f32 $5.000000000e-01, s1;
	v42 =	vadd.f32 v29, v18  }
0x103: {  	v14 =	vld [tilespmem:s23+$0x100];
	v18 =	vmul.f32 v40, v40;
	s6 =	ssub.s32 $0x5F3759DF, s26;
	(xrf2) =	vadd.scan.msk.f32 $0xffff, v12;
	v12 =	vadd.f32 v41, v35;
	v41 =	vadd.f32 v17, v13;
	v13, _, _ =	vpop (xrf2)  }
0x104: {  	v32 =	vadd.f32 v33, v56;
	v11 =	vld [tilespmem:s19+$0x100];
	s7 =	smul.f32 s6, s1;
	(v2sf) =	vpush v13, $0xF  }
0x105: {  	v15 =	vmul.f32 v39, v39;
	v16 =	vld [tilespmem:s19+$0xFFFFFE30];
	v13 =	vadd.f32 v40, v39;
	v30 =	vadd.f32 v42, v41  }
0x106: {  	v29 =	vld [tilespmem:s23+$0x110];
	v12 =	vadd.f32 v12, v32;
	s7 =	smul.f32 s6, s7  }
0x107: {  	v15 =	vadd.f32 v18, v15;
	v18, _, _ =	vpop (xrf2);
	v13 =	vadd.f32 v30, v13;
	v30 =	vld [tilespmem:s23+$0x120]  }
0x108: {  	s8 =	spop (v2sf);
	v58 =	vmul.f32 v41, v41;
	(xrf2) =	vadd.scan.msk.f32 $0xffff, v12;
	v12 =	vmul.f32 v42, v42;
	(v2sf) =	vpush v18, $0xF;
	v18 =	vld [tilespmem:s19+$0x130];
	s7 =	ssub.f32 $1.500000000e+00, s7  }
0x109: {  	v23 =	vadd.f32 v28, v23;
	s22 =	smul.f32 $1.562500000e-02, s8;
	(xrf2) =	vadd.scan.msk.f32 $0xffff, v13;
	v13 =	vld [tilespmem:s23+$0x130]  }
0x10a: {  	v28 =	vadd.f32 v45, v44;
	v17 =	vld [tilespmem:s19+$0x110];
	v12 =	vadd.f32 v12, v58;
	s6 =	smul.f32 s6, s7  }
0x10b: {  	v33 =	vadd.f32 v31, v27;
	v44 =	vadd.f32 v14, v11;
	s29 =	smul.f32 s22, s22  }
0x10c: {  	v43 =	vadd.f32 v57, v16;
	v12 =	vadd.f32 v12, v15;
	s30 =	smul.f32 s6, s1;
	s31 =	spop (v2sf)  }
0x10d: {  	v14 =	vadd.f32 v23, v28;
	v46 =	vadd.f32 v30, v59;
	s3 =	smul.f32 $1.562500000e-02, s31  }
0x10e: {  	v15, _, _ =	vpop (xrf2);
	(xrf2) =	vadd.scan.msk.f32 $0xffff, v12;
	v12 =	vadd.f32 v43, v33;
	s2 =	smul.f32 s30, s6;
	s5 =	spop (v2sf);
	v47 =	vadd.f32 v13, v18  }
0x10f: {  	v11 =	vmul.f32 v23, v23;
	v34 =	vadd.f32 v29, v17;
	(v2sf) =	vpush v15, $0xF;
	s15 =	smul.f32 $1.562500000e-02, s5;
	s0 =	ssub.f32 s3, s29  }
0x110: {  	v15 =	vmul.f32 v33, v33;
	v12 =	vadd.f32 v12, v14;
	s2 =	ssub.f32 $1.500000000e+00, s2;
	v14 =	vadd.f32 v47, v46  }
0x111: {  	v13 =	vmul.f32 v43, v43;
	v18 =	vmul.f32 v28, v28;
	s10 =	spop (v2sf);
	s8 =	smul.f32 s15, s15  }
0x112: {  	v16 =	vadd.f32 v34, v44;
	s0 =	sadd.f32 $9.999999740e-06, s0;
	s11 =	smul.f32 $1.562500000e-02, s10  }
0x113: {  	v13 =	vadd.f32 v13, v15;
	v11 =	vadd.f32 v11, v18;
	v15 =	vmul.f32 v44, v44;
	v17, _, _ =	vpop (xrf2);
	s6 =	smul.f32 s2, s6  }
0x114: {  	(xrf2) =	vadd.scan.msk.f32 $0xffff, v12;
	(v2sf) =	vpush v17, $0xF;
	v12 =	vadd.f32 v14, v16;
	v16 =	vmul.f32 v34, v34;
	s2 =	smul.f32 $5.000000000e-01, s0;
	s0 =	sshra.s32 s0, $0x1;
	v14, _, _ =	vpop (xrf2)  }
0x115: {  	v17 =	vmul.f32 v47, v47;
	s17 =	ssub.f32 s11, s8;
	s1 =	smul.f32 s6, s1;
	s10 =	ssub.s32 $0x5F3759DF, s0;
	(v2sf) =	vpush v14, $0xF;
	v14 =	vmul.f32 v46, v46  }
0x116: {  	v11 =	vadd.f32 v13, v11;
	s13 =	spop (v2sf);
	s18 =	smul.f32 s10, s2  }
0x117: {  	(xrf2) =	vadd.scan.msk.f32 $0xffff, v12;
	v12 =	vadd.f32 v16, v15;
	s24 =	sadd.f32 $9.999999740e-06, s17;
	s9 =	smul.f32 s1, s6;
	v14 =	vadd.f32 v17, v14  }
0x118: {  	s1 =	smul.f32 $1.562500000e-02, s13  }
0x119: {  	(xrf2) =	vadd.scan.msk.f32 $0xffff, v11;
	s7 =	smul.f32 $5.000000000e-01, s24;
	s23 =	ssub.f32 $1.500000000e+00, s9;
	v11 =	vadd.f32 v14, v12  }
0x11a: {  	s11 =	smul.f32 s1, s1  }
0x11b: {  	s25 =	spop (v2sf);
	v13, _, _ =	vpop (xrf2);
	s0 =	smul.f32 s23, s6;
	(xrf2) =	vadd.scan.msk.f32 $0xffff, v11  }
0x11c: {  	s6 =	smul.f32 $1.562500000e-02, s25  }
0x11d: {  	s13 =	sshra.s32 s24, $0x1;
	s8 =	smul.f32 s10, s18  }
0x11e: {  	s18 =	simm.s32 $0xDAC0;
	s19 =	ssub.s32 $0x5F3759DF, s13;
	s6 =	ssub.f32 s6, s11  }
0x11f: {  	(v2sf) =	vpush v13, $0xF;
	v13 =	vld [tilespmem:s18+$0x180];
	s9 =	smul.f32 s19, s7  }
0x120: {  	v17 =	vld [tilespmem:s18+$0x1A0];
	s6 =	sadd.f32 $9.999999740e-06, s6  }
0x121: {  	v18 =	vld [tilespmem:s18+$0x1B0];
	s29 =	smul.f32 s19, s9;
	v11, _, _ =	vpop (xrf2)  }
0x122: {  	v14 =	vld [tilespmem:s18+$0x190];
	(v2sf) =	vpush v11, $0xF;
	v11, _, _ =	vpop (xrf2);
	s25 =	sshra.s32 s6, $0x1;
	s9 =	smul.f32 $5.000000000e-01, s6;
	s6 =	simm.s32 $0xA680  }
0x123: {  	(v2sf) =	vpush v11, $0xF;
	v12, _, _ =	vpop (xrf2);
	v11 =	vld [tilespmem:s6+$0x180]  }
0x124: {  	s26 =	spop (v2sf);
	(v2sf) =	vpush v12, $0xF;
	v12 =	vld [tilespmem:s6+$0x190]  }
0x125: {  	v15 =	vld [tilespmem:s6+$0x1A0];
	v16, _, _ =	vpop (xrf2)  }
0x126: {  	s30 =	spop (v2sf);
	(v2sf) =	vpush v16, $0xF;
	v16 =	vld [tilespmem:s6+$0x1B0];
	_ =	sdelay $0x3  }
0x127: {  	v45 =	vadd.f32 v13, v11;
	v49 =	vadd.f32 v14, v12  }
0x128: {  	v35 =	vadd.f32 v17, v15;
	v29 =	vadd.f32 v18, v16  }
0x129: {  	s8 =	ssub.f32 $1.500000000e+00, s8;
	v11 =	vmul.f32 v45, v45;
	v12 =	vmul.f32 v49, v49  }
0x12a: {  	s13 =	smul.f32 $1.562500000e-02, s26;
	v13 =	vmul.f32 v35, v35;
	v14 =	vmul.f32 v29, v29  }
0x12b: {  	s23 =	smul.f32 s10, s8;
	v17 =	vld [tilespmem:s6+$0xFFFFFE10];
	v15 =	vadd.f32 v49, v45;
	v16 =	vadd.f32 v29, v35  }
0x12c: {  	s24 =	smul.f32 s13, s13;
	v11 =	vadd.f32 v12, v11;
	v12 =	vadd.f32 v14, v13;
	v13 =	vld [tilespmem:s18+$0xFFFFFE10]  }
0x12d: {  	s26 =	ssub.s32 $0x5F3759DF, s25;
	s8 =	smul.f32 $1.562500000e-02, s30;
	v14 =	vadd.f32 v16, v15;
	v15 =	vld [tilespmem:s6+$0xFFFFFE20]  }
0x12e: {  	s31 =	smul.f32 s26, s9;
	v16 =	vld [tilespmem:s6+$0xFFFFFE30]  }
0x12f: {  	s8 =	ssub.f32 s8, s24;
	s3 =	spop (v2sf);
	v11 =	vadd.f32 v12, v11;
	v12 =	vld [tilespmem:s18+$0xFFFFFE20];
	(xrf2) =	vadd.scan.msk.f32 $0xffff, v14;
	v14 =	vmov s22  }
0x130: {  	s25 =	smul.f32 $1.562500000e-02, s3;
	v51 =	vsub.f32 v1, v14;
	v55 =	vsub.f32 v2, v14;
	v1 =	vld [tilespmem:s18+$0xFFFFFE30]  }
0x131: {  	s10 =	smul.f32 s26, s31;
	s8 =	sadd.f32 $9.999999740e-06, s8;
	v54 =	vsub.f32 v0, v14;
	v56 =	vsub.f32 v5, v14;
	v2 =	vld [tilespmem:s6+$0xFFFFFE80];
	v14 =	vmov s1  }
0x132: {  	s28 =	smul.f32 s25, s25;
	s5 =	spop (v2sf);
	v5 =	vld [tilespmem:s18+$0xFFFFFE80];
	(xrf2) =	vadd.scan.msk.f32 $0xffff, v11;
	v11 =	vmov s15;
	v57 =	vsub.f32 v7, v14;
	v7 =	vsub.f32 v8, v14  }
0x133: {  	s11 =	ssub.f32 $1.500000000e+00, s29;
	s29 =	smul.f32 $1.562500000e-02, s5;
	v59 =	vsub.f32 v3, v11;
	v3 =	vld [tilespmem:s6+$0xFFFFFE90]  }
0x134: {  	s30 =	ssub.f32 $1.500000000e+00, s10;
	s17 =	sshra.s32 s8, $0x1;
	s10 =	smul.f32 $5.000000000e-01, s8;
	v61 =	vsub.f32 v4, v11;
	v4 =	vld [tilespmem:s18+$0xFFFFFE90];
	[tilespmem:$0x1FE00] =	vst v7;
	v7 =	vsub.f32 v36, v14  }
0x135: {  	s24 =	smul.f32 s19, s11;
	s31 =	ssub.s32 $0x5F3759DF, s17;
	s29 =	ssub.f32 s29, s28;
	v6 =	vsub.f32 v6, v14  }
0x136: {  	s3 =	smul.f32 s31, s10;
	[tilespmem:$0x1FE10] =	vst v7;
	v7 =	vmov s13  }
0x137: {  	s19 =	smul.f32 s26, s30;
	s5 =	sadd.f32 $9.999999740e-06, s29;
	v8 =	vld [tilespmem:s6+$0xFFFFFEA0];
	[tilespmem:$0x1FE20] =	vst v6;
	v6 =	vsub.f32 v9, v7  }
0x138: {  	s28 =	smul.f32 s31, s3;
	s11 =	spop (v2sf);
	v9 =	vsub.f32 v10, v7  }
0x139: {  	s8 =	smul.f32 $1.562500000e-02, s11;
	[tilespmem:$0x1FE30] =	vst v6  }
0x13a: {  	s11 =	smul.f32 $5.000000000e-01, s5;
	s26 =	sshra.s32 s5, $0x1;
	s17 =	spop (v2sf);
	v6 =	vld [tilespmem:s18+$0xFFFFFEA0];
	[tilespmem:$0x1FE40] =	vst v9;
	v9 =	vsub.f32 v37, v7  }
0x13b: {  	s3 =	ssub.s32 $0x5F3759DF, s26;
	s26 =	smul.f32 $1.562500000e-02, s17;
	v0 =	vmov s14;
	v7 =	vsub.f32 v38, v7  }
0x13c: {  	s29 =	smul.f32 s8, s8;
	v50 =	vsub.f32 v24, v0;
	v27 =	vsub.f32 v48, v0;
	[tilespmem:$0x1FE50] =	vst v9  }
0x13d: {  	s17 =	spop (v2sf);
	s30 =	smul.f32 s3, s11;
	v30 =	vsub.f32 v20, v0;
	v31 =	vsub.f32 v19, v0;
	v0 =	vmov s25;
	v10 =	vld [tilespmem:s6+$0xFFFFFEB0];
	[tilespmem:$0x1FE60] =	vst v7  }
0x13e: {  	s17 =	smul.f32 $1.562500000e-02, s17;
	v9 =	vsub.f32 v39, v0;
	v7 =	vld [tilespmem:s18+$0xFFFFFEB0]  }
0x13f: {  	s5 =	smul.f32 s26, s26;
	s22 =	ssub.f32 $1.500000000e+00, s28;
	v14 =	vld [tilespmem:s6+$0xFFFFFF00]  }
0x140: {  	s28 =	smul.f32 s3, s30;
	v18 =	vld [tilespmem:s18+$0xFFFFFF00];
	[tilespmem:$0x1FE70] =	vst v9;
	v9 =	vsub.f32 v40, v0  }
0x141: {  	s29 =	ssub.f32 s17, s29;
	s14 =	smul.f32 s31, s22;
	v52 =	vsub.f32 v26, v11;
	v58 =	vsub.f32 v25, v11  }
0x142: {  	s28 =	ssub.f32 $1.500000000e+00, s28;
	s30 =	spop (v2sf);
	v11, _, _ =	vpop (xrf2);
	[tilespmem:$0x1FE80] =	vst v9;
	v9 =	vsub.f32 v41, v0;
	v0 =	vsub.f32 v42, v0  }
0x143: {  	s29 =	sadd.f32 $9.999999740e-06, s29;
	s17 =	smul.f32 $1.562500000e-02, s30;
	(v2sf) =	vpush v11, $0xF;
	v11, _, _ =	vpop (xrf2)  }
0x144: {  	s15 =	smul.f32 s3, s28;
	(v2sf) =	vpush v11, $0xF;
	v11 =	vld [tilespmem:s6+$0xFFFFFF10];
	[tilespmem:$0x1FEA0] =	vst v0;
	v0 =	vmov s8  }
0x145: {  	s22 =	sshra.s32 s29, $0x1;
	s30 =	smul.f32 $5.000000000e-01, s29;
	v28 =	vsub.f32 v28, v0;
	v39 =	vsub.f32 v23, v0  }
0x146: {  	s28 =	smul.f32 s23, s2;
	s3 =	ssub.s32 $0x5F3759DF, s22;
	[tilespmem:$0x1FE90] =	vst v9;
	v32 =	vsub.f32 v33, v0;
	v40 =	vsub.f32 v43, v0;
	v0 =	vmov s26  }
0x147: {  	s17 =	ssub.f32 s17, s5;
	s29 =	smul.f32 s3, s30;
	v60 =	vld [tilespmem:s18+$0xFFFFFF10];
	v9 =	vsub.f32 v34, v0  }
0x148: {  	s5 =	smul.f32 s14, s10;
	v62 =	vld [tilespmem:s6+$0xFFFFFF20]  }
0x149: {  	s1 =	sadd.f32 $9.999999740e-06, s17;
	s17 =	smul.f32 s3, s29;
	v63 =	vld [tilespmem:s18+$0xFFFFFF20];
	[tilespmem:$0x1FEB0] =	vst v9;
	v9 =	vsub.f32 v46, v0  }
0x14a: {  	s5 =	smul.f32 s5, s14;
	v42 =	vsub.f32 v44, v0;
	v0 =	vsub.f32 v47, v0  }
0x14b: {  	s31 =	sshra.s32 s1, $0x1;
	s22 =	smul.f32 $5.000000000e-01, s1;
	v43 =	vld [tilespmem:s6+$0xFFFFFF30];
	[tilespmem:$0x1FEC0] =	vst v9  }
0x14c: {  	s1 =	ssub.f32 $1.500000000e+00, s17;
	s29 =	ssub.s32 $0x5F3759DF, s31;
	s31 =	smul.f32 s24, s7;
	[tilespmem:$0x1FED0] =	vst v0  }
0x14d: {  	s13 =	smul.f32 s29, s22;
	v0 =	vld [tilespmem:s18+$0xFFFFFF30]  }
0x14e: {  	v48 =	vadd.f32 v1, v16;
	s3 =	smul.f32 s3, s1;
	v1 =	vld [tilespmem:s6+$0xFFFFFF80]  }
0x14f: {  	v20 =	vadd.f32 v5, v2;
	v24 =	vadd.f32 v4, v3;
	s13 =	smul.f32 s29, s13;
	v5 =	vld [tilespmem:s18+$0xFFFFFF80]  }
0x150: {  	s17 =	smul.f32 s31, s24;
	v19 =	vadd.f32 v6, v8;
	v10 =	vadd.f32 v7, v10;
	v6 =	vld [tilespmem:s6+$0xFFFFFF90]  }
0x151: {  	v8 =	vadd.f32 v24, v20;
	s25 =	ssub.f32 $1.500000000e+00, s13;
	s13 =	smul.f32 s15, s11;
	v34 =	vadd.f32 v12, v15;
	v7 =	vld [tilespmem:s18+$0xFFFFFF90]  }
0x152: {  	v3 =	vmul.f32 v48, v48;
	s8 =	smul.f32 s19, s9;
	v12 =	vadd.f32 v10, v19;
	v47 =	vadd.f32 v13, v17;
	v13 =	vld [tilespmem:s6+$0xFFFFFFA0]  }
0x153: {  	v16 =	vmul.f32 v19, v19;
	s26 =	smul.f32 s3, s30;
	v2 =	vmul.f32 v34, v34;
	v15 =	vld [tilespmem:s18+$0xFFFFFFA0]  }
0x154: {  	s1 =	smul.f32 s29, s25;
	v25 =	vadd.f32 v18, v14;
	v17 =	vmul.f32 v10, v10;
	v8 =	vadd.f32 v12, v8;
	v12 =	vld [tilespmem:s6+$0xFFFFFFB0]  }
0x155: {  	s25 =	smul.f32 s26, s3;
	v23 =	vadd.f32 v3, v2;
	v2 =	vmul.f32 v20, v20;
	v3 =	vmul.f32 v24, v24;
	v14 =	vld [tilespmem:s18+$0xFFFFFFB0]  }
0x156: {  	s29 =	smul.f32 s28, s23;
	v26 =	vadd.f32 v60, v11;
	(xrf2) =	vadd.scan.msk.f32 $0xffff, v8;
	v8 =	vld [tilespmem:s6+$0x0]  }
0x157: {  	s8 =	smul.f32 s8, s19;
	s25 =	ssub.f32 $1.500000000e+00, s25;
	v11 =	vadd.f32 v17, v16;
	v16 =	vld [tilespmem:s18+$0x0];
	v44 =	vadd.f32 v3, v2  }
0x158: {  	s28 =	smul.f32 s1, s22;
	s31 =	ssub.f32 $1.500000000e+00, s29;
	v4 =	vadd.f32 v63, v62;
	v18 =	vld [tilespmem:s6+$0x10];
	v17 =	vadd.f32 v26, v25  }
0x159: {  	s17 =	ssub.f32 $1.500000000e+00, s17;
	s26 =	smul.f32 s25, s3;
	v37 =	vld [tilespmem:s6+$0x20];
	v11 =	vadd.f32 v11, v44;
	v9 =	vadd.f32 v0, v43  }
0x15a: {  	s25 =	smul.f32 s31, s23;
	v63 =	vld [tilespmem:s6+$0x30];
	v46 =	vmul.f32 v26, v26;
	v0 =	vmul.f32 v25, v25;
	v41 =	vadd.f32 v5, v1  }
0x15b: {  	s23 =	smul.f32 s17, s24;
	v33 =	vld [tilespmem:s6+$0xB0];
	s31 =	spop (v2sf);
	v60 =	vadd.f32 v7, v6;
	v1 =	vmul.f32 v4, v4;
	(xrf2) =	vadd.scan.msk.f32 $0xffff, v11;
	v6 =	vmul.f32 v9, v9  }
0x15c: {  	s24 =	smul.f32 $1.562500000e-02, s31;
	s17 =	spop (v2sf);
	v44 =	vld [tilespmem:s18+$0xB0];
	v3 =	vadd.f32 v15, v13;
	v36 =	vadd.f32 v9, v4  }
0x15d: {  	s3 =	smul.f32 $1.562500000e-02, s17;
	v5 =	vld [tilespmem:s18+$0x10];
	v7 =	vadd.f32 v46, v0;
	v6 =	vadd.f32 v6, v1  }
0x15e: {  	s5 =	ssub.f32 $1.500000000e+00, s5;
	s29 =	smul.f32 s24, s24;
	v11 =	vld [tilespmem:s18+$0x20];
	v2 =	vadd.f32 v14, v12;
	v62 =	vmul.f32 v60, v60;
	v46 =	vadd.f32 v16, v8  }
0x15f: {  	s8 =	ssub.f32 $1.500000000e+00, s8;
	s31 =	smul.f32 s28, s1;
	v12 =	vld [tilespmem:s18+$0x30];
	v0 =	vadd.f32 v36, v17;
	v17 =	vmul.f32 v41, v41;
	v13 =	vadd.f32 v6, v7  }
0x160: {  	s13 =	smul.f32 s13, s15;
	v38 =	vld [tilespmem:s6+$0x90];
	s3 =	ssub.f32 s3, s29;
	v8 =	vmul.f32 v3, v3;
	v6 =	vadd.f32 v60, v41;
	v7 =	vadd.f32 v2, v3  }
0x161: {  	v15 =	vld [tilespmem:s6+$0x80];
	s29 =	smul.f32 s5, s14;
	s14 =	ssub.f32 $1.500000000e+00, s31;
	v33 =	vadd.f32 v44, v33;
	v16, _, _ =	vpop (xrf2);
	(xrf2) =	vadd.scan.msk.f32 $0xffff, v0;
	v14 =	vadd.f32 v62, v17;
	v62 =	vmul.f32 v2, v2  }
0x162: {  	s28 =	smul.f32 s8, s19;
	s17 =	sadd.f32 $9.999999740e-06, s3;
	v17 =	vld [tilespmem:s18+$0x80];
	(v2sf) =	vpush v16, $0xF;
	v16 =	vadd.f32 v7, v6  }
0x163: {  	s13 =	ssub.f32 $1.500000000e+00, s13;
	v43 =	vld [tilespmem:s18+$0x90];
	s14 =	smul.f32 s14, s1;
	v7 =	vadd.f32 v5, v18;
	v8 =	vadd.f32 v62, v8  }
0x164: {  	v44 =	vld [tilespmem:s6+$0x130];
	s8 =	sshra.s32 s17, $0x1;
	s1 =	smul.f32 $5.000000000e-01, s17;
	v5 =	vadd.f32 v11, v37;
	v6 =	vadd.f32 v12, v63;
	v12 =	vmul.f32 v46, v46;
	(xrf2) =	vadd.scan.msk.f32 $0xffff, v13  }
0x165: {  	s19 =	smul.f32 s13, s15;
	s5 =	ssub.s32 $0x5F3759DF, s8;
	v18 =	vld [tilespmem:s6+$0xA0];
	v8 =	vadd.f32 v8, v14;
	v14 =	vmul.f32 v7, v7;
	v13, _, _ =	vpop (xrf2);
	v63 =	vadd.f32 v7, v46  }
0x166: {  	s13 =	smul.f32 s5, s1;
	v11 =	vld [tilespmem:s18+$0xA0];
	v37 =	vadd.f32 v6, v5;
	(xrf2) =	vadd.scan.msk.f32 $0xffff, v16;
	(v2sf) =	vpush v13, $0xF  }
0x167: {  	v1 =	vld [tilespmem:s6+$0xFFFFFE00];
	v36 =	vmul.f32 v6, v6;
	v62 =	vadd.f32 v17, v15;
	v12 =	vadd.f32 v14, v12  }
0x168: {  	s8 =	smul.f32 s5, s13;
	v13 =	vld [tilespmem:s6+$0x100];
	(xrf2) =	vadd.scan.msk.f32 $0xffff, v8;
	v8 =	vadd.f32 v37, v63;
	v14 =	vmul.f32 v5, v5;
	v63 =	vadd.f32 v43, v38  }
0x169: {  	v37 =	vld [tilespmem:s18+$0x100]  }
0x16a: {  	s2 =	smul.f32 s25, s2;
	s8 =	ssub.f32 $1.500000000e+00, s8;
	v15 =	vld [tilespmem:s6+$0x110];
	v17 =	vmul.f32 v62, v62;
	v14 =	vadd.f32 v36, v14;
	v36 =	vmul.f32 v63, v63  }
0x16b: {  	s7 =	smul.f32 s23, s7;
	v16, _, _ =	vpop (xrf2);
	(xrf2) =	vadd.scan.msk.f32 $0xffff, v8;
	v8 =	vadd.f32 v11, v18;
	v11 =	vld [tilespmem:s6+$0x120]  }
0x16c: {  	s5 =	smul.f32 s5, s8;
	v12 =	vadd.f32 v14, v12;
	v14 =	vadd.f32 v36, v17;
	v17 =	vld [tilespmem:s18+$0x120]  }
0x16d: {  	s9 =	smul.f32 s28, s9;
	v0 =	vmul.f32 v33, v33;
	v18 =	vadd.f32 v63, v62;
	(v2sf) =	vpush v16, $0xF;
	v16 =	vld [tilespmem:s18+$0x110]  }
0x16e: {  	s17 =	smul.f32 s5, s1;
	v36 =	vld [tilespmem:s18+$0x130];
	v37 =	vadd.f32 v37, v13;
	v38 =	vmul.f32 v8, v8;
	v43 =	vadd.f32 v33, v8;
	v13, _, _ =	vpop (xrf2)  }
0x16f: {  	s15 =	smul.f32 s14, s22;
	(xrf2) =	vadd.scan.msk.f32 $0xffff, v12;
	v12 =	vld [tilespmem:s18+$0xFFFFFE00];
	(v2sf) =	vpush v13, $0xF  }
0x170: {  	s22 =	smul.f32 s17, s5;
	v18 =	vadd.f32 v43, v18;
	v0 =	vadd.f32 v0, v38;
	v13, _, _ =	vpop (xrf2)  }
0x171: {  	s11 =	smul.f32 s19, s11;
	(v2sf) =	vpush v13, $0xF  }
0x172: {  	s7 =	smul.f32 s7, s23;
	s6 =	ssub.f32 $1.500000000e+00, s22;
	v16 =	vadd.f32 v16, v15;
	(xrf2) =	vadd.scan.msk.f32 $0xffff, v18;
	v0 =	vadd.f32 v0, v14  }
0x173: {  	s31 =	smul.f32 s26, s30;
	v17 =	vadd.f32 v17, v11;
	v13, _, _ =	vpop (xrf2);
	v14 =	vmul.f32 v37, v37;
	v18 =	vadd.f32 v36, v44  }
0x174: {  	s5 =	smul.f32 s6, s5;
	(v2sf) =	vpush v13, $0xF;
	v36 =	vadd.f32 v12, v1;
	v15 =	vmul.f32 v16, v16;
	(xrf2) =	vadd.scan.msk.f32 $0xffff, v0  }
0x175: {  	s3 =	smul.f32 s31, s26;
	v1 =	vmul.f32 v47, v47;
	[tilespmem:$0x1FD20] =	vst v16;
	v12 =	vadd.f32 v16, v37;
	v16 =	vadd.f32 v48, v34  }
0x176: {  	s1 =	smul.f32 s5, s1;
	v0 =	vmul.f32 s0, v21;
	v11 =	vadd.f32 v15, v14;
	v13, _, _ =	vpop (xrf2);
	v14 =	vadd.f32 v18, v17  }
0x177: {  	s31 =	smul.f32 s11, s19;
	v43 =	vld [tilespmem:$0x1FEF0];
	v15 =	vmul.f32 v18, v18;
	(v2sf) =	vpush v13, $0xF;
	v13 =	vmul.f32 v17, v17  }
0x178: {  	s3 =	ssub.f32 $1.500000000e+00, s3;
	[tilespmem:$0x1FD30] =	vst v17;
	s1 =	smul.f32 s1, s5;
	v50 =	vmul.f32 v0, v50;
	v0 =	vmul.f32 s0, v53;
	v17 =	vadd.f32 v47, v36  }
0x179: {  	s11 =	smul.f32 s15, s14;
	s17 =	ssub.f32 $1.500000000e+00, s7;
	[tilespmem:$0x1FD40] =	vst v18;
	v18 =	vmul.f32 v36, v36;
	v14 =	vadd.f32 v14, v12;
	v12 =	vadd.f32 v15, v13  }
0x17a: {  	s3 =	smul.f32 s3, s26;
	s15 =	ssub.f32 $1.500000000e+00, s1;
	v13 =	vmul.f32 s0, v22;
	v15 =	vmul.f32 v0, v27;
	v0 =	vadd.f32 v16, v17;
	v16, _, _ =	vpop (xrf2)  }
0x17b: {  	s8 =	smul.f32 s17, s23;
	v1 =	vadd.f32 v1, v18;
	(v2sf) =	vpush v16, $0xF  }
0x17c: {  	s23 =	spop (v2sf);
	s7 =	smul.f32 s15, s5;
	v18 =	vmul.f32 v13, v30;
	v44 =	vadd.f32 v12, v11;
	(xrf2) =	vadd.scan.msk.f32 $0xffff, v0;
	v0 =	vmul.f32 s0, v43;
	v11, _, _ =	vpop (xrf2)  }
0x17d: {  	s5 =	smul.f32 $1.562500000e-02, s23;
	v13 =	vmul.f32 s3, v53;
	(v2sf) =	vpush v11, $0xF;
	v11 =	vmov s24  }
0x17e: {  	s2 =	smul.f32 s2, s25;
	v17 =	vmul.f32 s7, v21;
	v12 =	vsub.f32 v29, v11;
	v16, _, _ =	vpop (xrf2);
	v29 =	vmul.f32 v0, v31  }
0x17f: {  	s10 =	smul.f32 s29, s10;
	v0 =	vadd.f32 v23, v1;
	v1 =	vmov s5;
	(v2sf) =	vpush v16, $0xF  }
0x180: {  	s9 =	smul.f32 s9, s28;
	s2 =	ssub.f32 $1.500000000e+00, s2;
	v16 =	vmul.f32 v17, v12;
	v12 =	vmul.f32 v13, v28;
	v13 =	vsub.f32 v20, v1  }
0x181: {  	s30 =	smul.f32 s10, s29  }
0x182: {  	s26 =	spop (v2sf);
	s1 =	smul.f32 s2, s25;
	[tilespmem:$0x1FD50] =	vst v13;
	v13 =	vsub.f32 v24, v1  }
0x183: {  	s25 =	ssub.f32 $1.500000000e+00, s30;
	s30 =	spop (v2sf);
	(xrf2) =	vadd.scan.msk.f32 $0xffff, v14;
	v14 =	vsub.f32 v19, v1;
	v1 =	vsub.f32 v10, v1  }
0x184: {  	s22 =	ssub.f32 $1.500000000e+00, s9;
	s9 =	smul.f32 $1.562500000e-02, s30;
	[tilespmem:$0x1FD60] =	vst v13  }
0x185: {  	v13 =	vmul.f32 s3, v22;
	[tilespmem:$0x1FD80] =	vst v1;
	v1 =	vmul.f32 s1, v53  }
0x186: {  	v10 =	vmov s9  }
0x187: {  	v20 =	vmul.f32 v13, v39;
	v13 =	vmul.f32 v1, v51;
	v1 =	vsub.f32 v25, v10;
	_ =	sdelay $0x1  }
0x188: {  	s10 =	ssub.f32 $1.500000000e+00, s31;
	[tilespmem:$0x1FD90] =	vst v1;
	v1 =	vsub.f32 v26, v10  }
0x189: {  	s31 =	spop (v2sf)  }
0x18a: {  	s2 =	smul.f32 s10, s19;
	s17 =	spop (v2sf);
	[tilespmem:$0x1FDA0] =	vst v1;
	v1 =	vsub.f32 v4, v10  }
0x18b: {  	s10 =	smul.f32 $1.562500000e-02, s17  }
0x18c: {  	[tilespmem:$0x1FDB0] =	vst v1;
	v1 =	vmul.f32 s1, v22  }
0x18d: {  	(xrf2) =	vadd.scan.msk.f32 $0xffff, v0;
	v0 =	vmov s10  }
0x18e: {  	[tilespmem:$0x1FD10] =	vst v37;
	v37 =	vmul.f32 v1, v55;
	v1 =	vsub.f32 v41, v0;
	_ =	sdelay $0x1  }
0x18f: {  	v19 =	vmul.f32 s3, v21;
	[tilespmem:$0x1FDD0] =	vst v1;
	v1 =	vsub.f32 v60, v0  }
0x190: {  	[tilespmem:$0x1FD70] =	vst v14;
	v14 =	vmul.f32 s3, v43;
	v9 =	vsub.f32 v9, v10  }
0x191: {  	v3 =	vsub.f32 v3, v0;
	[tilespmem:$0x1FDE0] =	vst v1;
	v1 =	vmul.f32 s8, v22  }
0x192: {  	v17 =	vmul.f32 v14, v32;
	[tilespmem:$0x1FDC0] =	vst v9;
	v9 =	vmul.f32 s1, v21  }
0x193: {  	s6 =	smul.f32 s22, s28;
	s19 =	spop (v2sf);
	v14 =	vmul.f32 v19, v40;
	v19, _, _ =	vpop (xrf2);
	[tilespmem:$0x1FDF0] =	vst v3;
	v3 =	vmul.f32 s8, v43  }
0x194: {  	(v2sf) =	vpush v19, $0xF;
	s23 =	spop (v2sf);
	v23 =	vmul.f32 v9, v56;
	v4 =	vmul.f32 s1, v43  }
0x195: {  	v51 =	vsub.f32 v2, v0;
	s24 =	smul.f32 $1.562500000e-02, s23;
	v9 =	vmul.f32 s6, v53;
	v0 =	vmul.f32 v1, v59;
	v1, _, _ =	vpop (xrf2)  }
0x196: {  	v38 =	vmul.f32 v4, v54;
	v4 =	vmul.f32 s8, v21;
	(v2sf) =	vpush v1, $0xF  }
0x197: {  	v1 =	vmul.f32 v3, v61;
	v3 =	vmul.f32 v9, v57;
	v9 =	vmov s24  }
0x198: {  	v10 =	vmul.f32 s8, v53;
	v2 =	vmul.f32 v4, v58;
	v58 =	vsub.f32 v5, v9;
	v5 =	vld [tilespmem:$0x1FE10]  }
0x199: {  	v30 =	vld [tilespmem:$0x1FF00]  }
0x19a: {  	v31 =	vld [tilespmem:$0x1FF10];
	s10 =	smul.f32 s10, s10;
	v25 =	vsub.f32 v49, v11;
	v24 =	vmul.f32 v10, v52;
	v57 =	vsub.f32 v6, v9  }
0x19b: {  	s22 =	smul.f32 $1.562500000e-02, s19;
	v10 =	vmul.f32 s6, v43;
	v6 =	vsub.f32 v45, v11;
	v11 =	vsub.f32 v35, v11;
	v35 =	vld [tilespmem:$0x1FF30]  }
0x19c: {  	(xrf2) =	vadd.scan.msk.f32 $0xffff, v44;
	v44 =	vsub.f32 v46, v9;
	v46 =	vld [tilespmem:$0x1FE40]  }
0x19d: {  	s10 =	ssub.f32 s22, s10;
	v52 =	vsub.f32 v7, v9;
	v7 =	vmul.f32 v10, v5;
	v5 =	vld [tilespmem:$0x1FE20]  }
0x19e: {  	s0 =	smul.f32 s25, s29;
	v32 =	vld [tilespmem:$0x1FF20];
	v19 =	vmul.f32 s6, v21  }
0x19f: {  	v49 =	vld [tilespmem:$0x1FE50];
	s30 =	sadd.f32 $9.999999740e-06, s10  }
0x1a0: {  	s15 =	smul.f32 $1.562500000e-02, s26;
	v54 =	vld [tilespmem:$0x1FE60];
	v10 =	vmul.f32 s0, v22  }
0x1a1: {  	s3 =	smul.f32 $1.562500000e-02, s31;
	v4 =	vmul.f32 s6, v22;
	v41 =	vld [tilespmem:$0x1FE00];
	s6 =	sshra.s32 s30, $0x1;
	v55 =	vadd.f32 v50, v35  }
0x1a2: {  	v15 =	vadd.f32 v15, v30;
	s31 =	smul.f32 s24, s24;
	s24 =	ssub.s32 $0x5F3759DF, s6;
	s6 =	simm.s32 $0x17180;
	v10 =	vmul.f32 v10, v46;
	v46 =	vld [tilespmem:$0x1FE70];
	v5 =	vmul.f32 v19, v5;
	v19, _, _ =	vpop (xrf2)  }
0x1a3: {  	s5 =	smul.f32 s5, s5;
	v18 =	vadd.f32 v18, v31;
	s19 =	spop (v2sf);
	(v2sf) =	vpush v19, $0xF;
	v19 =	vld [tilespmem:$0x1FE30];
	[tilespmem:s6+$0xF0] =	vst v55  }
0x1a4: {  	s22 =	spop (v2sf);
	[tilespmem:s6+$0xC0] =	vst v15  }
0x1a5: {  	s5 =	ssub.f32 s15, s5;
	s17 =	smul.f32 $1.562500000e-02, s22;
	[tilespmem:s6+$0xD0] =	vst v18  }
0x1a6: {  	v45 =	vmul.f32 s0, v43;
	v18 =	vld [tilespmem:$0x1FE80]  }
0x1a7: {  	s9 =	smul.f32 s9, s9;
	s5 =	sadd.f32 $9.999999740e-06, s5;
	v28 =	vmov s17  }
0x1a8: {  	v4 =	vmul.f32 v4, v41;
	v41 =	vmul.f32 v45, v49;
	v49 =	vadd.f32 v29, v32  }
0x1a9: {  	s3 =	ssub.f32 s3, s9;
	s9 =	smul.f32 $5.000000000e-01, s5;
	s5 =	sshra.s32 s5, $0x1;
	v56 =	vsub.f32 v8, v28;
	v8 =	vmul.f32 s2, v22  }
0x1aa: {  	s5 =	ssub.s32 $0x5F3759DF, s5;
	[tilespmem:s6+$0xE0] =	vst v49  }
0x1ab: {  	s11 =	ssub.f32 $1.500000000e+00, s11;
	s26 =	smul.f32 s5, s9;
	v59 =	vsub.f32 v62, v28;
	v62 =	vmul.f32 v8, v18;
	v18 =	vld [tilespmem:$0x1FE90]  }
0x1ac: {  	s3 =	sadd.f32 $9.999999740e-06, s3;
	s15 =	smul.f32 $1.562500000e-02, s19  }
0x1ad: {  	s1 =	smul.f32 s11, s14  }
0x1ae: {  	s25 =	sshra.s32 s3, $0x1;
	s11 =	smul.f32 $5.000000000e-01, s3;
	v16 =	vadd.f32 v16, v35;
	v15 =	vmul.f32 s2, v43  }
0x1af: {  	v12 =	vadd.f32 v12, v30;
	s19 =	simm.s32 $0x17380;
	s3 =	smul.f32 s5, s26;
	s8 =	ssub.s32 $0x5F3759DF, s25  }
0x1b0: {  	s29 =	smul.f32 s8, s11;
	v55 =	vsub.f32 v63, v28;
	[tilespmem:s19+$0xF0] =	vst v16;
	v63 =	vmul.f32 v15, v18;
	v18 =	vadd.f32 v20, v31  }
0x1b1: {  	s14 =	smul.f32 $5.000000000e-01, s30;
	v16 =	vld [tilespmem:$0x1FEA0];
	[tilespmem:s6+$0xFFFFFF00] =	vst v12  }
0x1b2: {  	s13 =	ssub.f32 s15, s31;
	s10 =	smul.f32 s8, s29;
	[tilespmem:s6+$0xFFFFFF10] =	vst v18  }
0x1b3: {  	s30 =	spop (v2sf);
	s29 =	smul.f32 s17, s17;
	v12 =	vadd.f32 v17, v32;
	v17 =	vld [tilespmem:$0x1FEB0]  }
0x1b4: {  	s13 =	sadd.f32 $9.999999740e-06, s13;
	s17 =	smul.f32 $1.562500000e-02, s30  }
0x1b5: {  	s25 =	smul.f32 s24, s14;
	v45 =	vmul.f32 s2, v53  }
0x1b6: {  	s31 =	sshra.s32 s13, $0x1;
	v50 =	vmul.f32 s2, v21;
	s2 =	smul.f32 $5.000000000e-01, s13;
	v15 =	vmul.f32 s1, v22  }
0x1b7: {  	v9 =	vmul.f32 s0, v53;
	s26 =	smul.f32 s24, s25;
	s25 =	ssub.s32 $0x5F3759DF, s31  }
0x1b8: {  	s23 =	ssub.f32 $1.500000000e+00, s3;
	v60 =	vmul.f32 v45, v46;
	s22 =	smul.f32 s25, s2;
	v46 =	vmul.f32 v15, v17;
	v15 =	vld [tilespmem:$0x1FEC0];
	[tilespmem:s6+$0xFFFFFF20] =	vst v12  }
0x1b9: {  	s10 =	ssub.f32 $1.500000000e+00, s10;
	v19 =	vmul.f32 v9, v19;
	v9 =	vmul.f32 s0, v21;
	v12 =	vld [tilespmem:$0x1FED0]  }
0x1ba: {  	s17 =	ssub.f32 s17, s29;
	v27, _, _ =	vpop (xrf2);
	s29 =	smul.f32 s25, s22;
	v8 =	vmul.f32 s1, v53  }
0x1bb: {  	v14 =	vadd.f32 v14, v35;
	(v2sf) =	vpush v27, $0xF;
	s0 =	smul.f32 s5, s23;
	s5 =	ssub.f32 $1.500000000e+00, s26;
	v9 =	vmul.f32 v9, v54  }
0x1bc: {  	s30 =	spop (v2sf);
	s23 =	smul.f32 s8, s10;
	v54 =	vsub.f32 v33, v28;
	v61 =	vmul.f32 v8, v42;
	v8 =	vmul.f32 s1, v21  }
0x1bd: {  	s26 =	sadd.f32 $9.999999740e-06, s17;
	s24 =	smul.f32 s24, s5;
	v45 =	vmul.f32 v50, v16;
	v16 =	vmul.f32 s1, v43;
	[tilespmem:s6+$0xFFFFFF30] =	vst v14;
	v14 =	vadd.f32 v37, v31  }
0x1be: {  	s5 =	smul.f32 $1.562500000e-02, s30;
	v42 =	vmul.f32 v8, v12;
	v8 =	vmul.f32 s7, v53;
	v12 =	vadd.f32 v13, v30  }
0x1bf: {  	s22 =	smul.f32 $5.000000000e-01, s26;
	v39 =	vmul.f32 v16, v15;
	v15 =	vadd.f32 v38, v32;
	v13 =	vmul.f32 s7, v22  }
0x1c0: {  	s31 =	spop (v2sf);
	s13 =	smul.f32 s5, s5;
	s1 =	sshra.s32 s26, $0x1;
	[tilespmem:s6+$0xFFFFFF40] =	vst v12;
	v12 =	vadd.f32 v23, v35;
	v40 =	vmul.f32 v8, v6;
	v6 =	vmov s5  }
0x1c1: {  	s1 =	ssub.s32 $0x5F3759DF, s1;
	[tilespmem:s6+$0xFFFFFF50] =	vst v14;
	v14 =	vmul.f32 s7, v43;
	s5 =	smul.f32 $1.562500000e-02, s31;
	v18 =	vsub.f32 v36, v6;
	v17 =	vsub.f32 v47, v6  }
0x1c2: {  	s10 =	simm.s32 $0xAA80;
	s8 =	ssub.f32 $1.500000000e+00, s29;
	s26 =	smul.f32 s1, s22;
	[tilespmem:s6+$0xFFFFFF60] =	vst v15;
	v8 =	vmul.f32 v13, v25;
	v16 =	vsub.f32 v34, v6;
	v15 =	vsub.f32 v48, v6  }
0x1c3: {  	s28 =	spop (v2sf);
	s7 =	simm.s32 $0x8;
	v6 =	vmul.f32 v14, v11;
	v11 =	vadd.f32 v24, v30;
	[tilespmem:s6+$0xFFFFFF70] =	vst v12;
	s15 =	smul.f32 s5, s5;
	v13 =	vmov s5  }
.LBB2_5:
0x1c4: {  	[tilespmem:$0x1FBE0] =	vst v17;
	v14 =	vld [tilespmem:$0x1FD10]  }
0x1c5: {  	[tilespmem:$0x1FBF0] =	vst v16;
	v20 =	vld [tilespmem:$0x1FD30]  }
0x1c6: {  	[tilespmem:$0x1FBD0] =	vst v18  }
0x1c7: {  	v17 =	vmov v58;
	[tilespmem:$0x1FC00] =	vst v15  }
0x1c8: {  	v16 =	vmov v57;
	[tilespmem:$0x1FC40] =	vst v17  }
0x1c9: {  	v12 =	vld [tilespmem:s10+$0x180];
	[tilespmem:$0x1FC50] =	vst v16;
	v14 =	vsub.f32 v14, v13  }
0x1ca: {  	v23 =	vld [tilespmem:s10+$0xFFFFFE20];
	[tilespmem:s6+$0xFFFFFF80] =	vst v11;
	v20 =	vsub.f32 v20, v13  }
0x1cb: {  	[tilespmem:$0x1FCA0] =	vst v14;
	v14 =	vld [tilespmem:$0x1FD20]  }
0x1cc: {  	s3 =	smul.f32 $1.562500000e-02, s28;
	s18 =	sadd.s32 $0x400, s18;
	v15 =	vmov v55;
	[tilespmem:$0x1FCC0] =	vst v20;
	v20 =	vld [tilespmem:$0x1FD40]  }
0x1cd: {  	v0 =	vadd.f32 v0, v31;
	s5 =	smul.f32 s1, s26;
	v11 =	vmov v56;
	v17 =	vld [tilespmem:s18+$0x1B0];
	[tilespmem:$0x1FC70] =	vst v15  }
0x1ce: {  	s31 =	spop (v2sf);
	v1 =	vadd.f32 v1, v32;
	[tilespmem:$0x1FC80] =	vst v11;
	v11 =	vld [tilespmem:s10+$0x190];
	s3 =	ssub.f32 s3, s13  }
0x1cf: {  	s28 =	smul.f32 s25, s8;
	v15 =	vld [tilespmem:s10+$0x1A0];
	[tilespmem:s6+$0xFFFFFF90] =	vst v0;
	v0 =	vadd.f32 v4, v31;
	s5 =	ssub.f32 $1.500000000e+00, s5  }
0x1d0: {  	s13 =	smul.f32 $1.562500000e-02, s31;
	v4 =	vadd.f32 v7, v32;
	v7 =	vld [tilespmem:s18+$0x1A0];
	[tilespmem:s6+$0xFFFFFFA0] =	vst v1;
	v18 =	vsub.f32 v14, v13;
	v14 =	vmov v59  }
0x1d1: {  	s3 =	sadd.f32 $9.999999740e-06, s3;
	s29 =	smul.f32 s1, s5;
	v16 =	vsub.f32 v20, v13;
	v13 =	vmov v54;
	[tilespmem:$0x1FC60] =	vst v14;
	v14 =	vld [tilespmem:s18+$0x180]  }
0x1d2: {  	v3 =	vadd.f32 v3, v30;
	s8 =	ssub.f32 s13, s15;
	s1 =	smul.f32 s0, s9;
	[tilespmem:$0x1FC90] =	vst v13;
	v13 =	vld [tilespmem:s18+$0x190]  }
0x1d3: {  	v2 =	vadd.f32 v2, v35;
	s13 =	sshra.s32 s3, $0x1;
	s26 =	smul.f32 $5.000000000e-01, s3;
	[tilespmem:$0x1FCD0] =	vst v16;
	v16 =	vld [tilespmem:s10+$0x1B0]  }
0x1d4: {  	v38 =	vld [tilespmem:$0x1FF50];
	v1 =	vadd.f32 v5, v35;
	[tilespmem:s6+$0xFFFFFFC0] =	vst v3;
	s5 =	sadd.f32 $9.999999740e-06, s8;
	s3 =	ssub.s32 $0x5F3759DF, s13;
	s1 =	smul.f32 s1, s0  }
0x1d5: {  	v36 =	vld [tilespmem:$0x1FF40];
	v5 =	vadd.f32 v19, v30;
	v3 =	vadd.f32 v9, v35;
	[tilespmem:s6+$0xFFFFFFB0] =	vst v2;
	s15 =	smul.f32 s3, s26  }
0x1d6: {  	v58 =	vld [tilespmem:s18+$0xFFFFFE00];
	v9 =	vadd.f32 v60, v30;
	v2 =	vadd.f32 v10, v31;
	[tilespmem:s6+$0xFFFFFFD0] =	vst v0;
	s17 =	sshra.s32 s5, $0x1;
	s25 =	smul.f32 $5.000000000e-01, s5  }
0x1d7: {  	v21 =	vld [tilespmem:s18+$0xFFFFFE10];
	[tilespmem:s6+$0x0] =	vst v5;
	s31 =	ssub.s32 $0x5F3759DF, s17;
	s30 =	smul.f32 s3, s15;
	v14 =	vadd.f32 v14, v12;
	v24 =	vadd.f32 v13, v11  }
0x1d8: {  	v19 =	vld [tilespmem:s10+$0xFFFFFE10];
	[tilespmem:s6+$0x30] =	vst v3;
	v15 =	vadd.f32 v7, v15;
	s1 =	ssub.f32 $1.500000000e+00, s1;
	s13 =	smul.f32 s31, s25;
	v57 =	vadd.f32 v17, v16  }
0x1d9: {  	v5 =	vld [tilespmem:s18+$0xFFFFFE20];
	s15 =	smul.f32 s23, s11;
	[tilespmem:$0x1FC10] =	vst v14;
	v7 =	vadd.f32 v24, v14;
	v13 =	vmul.f32 v14, v14;
	v14 =	vmul.f32 v24, v24  }
0x1da: {  	v3 =	vld [tilespmem:s10+$0xFFFFFE80];
	[tilespmem:$0x1FC30] =	vst v15;
	s1 =	smul.f32 s1, s0;
	v12 =	vadd.f32 v57, v15;
	v15 =	vmul.f32 v15, v15;
	v16 =	vmul.f32 v57, v57  }
0x1db: {  	v0 =	vadd.f32 v62, v31;
	[tilespmem:s6+$0x40] =	vst v9;
	v9 =	vld [tilespmem:s18+$0xFFFFFE80];
	s5 =	ssub.f32 $1.500000000e+00, s30;
	s17 =	smul.f32 s31, s13;
	v13 =	vadd.f32 v14, v13  }
0x1dc: {  	[tilespmem:s6+$0x10] =	vst v2;
	v2 =	vld [tilespmem:s10+$0xFFFFFE30];
	s15 =	smul.f32 s15, s23;
	v7 =	vadd.f32 v12, v7;
	v14 =	vadd.f32 v16, v15  }
0x1dd: {  	[tilespmem:s6+$0xFFFFFFE0] =	vst v4;
	v4 =	vadd.f32 v45, v35;
	s13 =	smul.f32 s3, s5;
	v11 =	vld [tilespmem:s18+$0xFFFFFE30]  }
0x1de: {  	[tilespmem:s6+$0x50] =	vst v0;
	v0 =	vld [tilespmem:s10+$0xFFFFFE90];
	s3 =	smul.f32 s24, s14;
	(xrf2) =	vadd.scan.msk.f32 $0xffff, v7;
	v7 =	vadd.f32 v8, v31;
	v8 =	vadd.f32 v14, v13  }
0x1df: {  	[tilespmem:s6+$0x70] =	vst v4;
	v4 =	vld [tilespmem:s10+$0xFFFFFEA0];
	s30 =	ssub.f32 $1.500000000e+00, s17;
	s5 =	smul.f32 s28, s2  }
0x1e0: {  	v10 =	vadd.f32 v41, v32;
	s17 =	smul.f32 s13, s26;
	v15 =	vadd.f32 v5, v23;
	v5 =	vld [tilespmem:s18+$0xFFFFFE90];
	(xrf2) =	vadd.scan.msk.f32 $0xffff, v8  }
0x1e1: {  	[tilespmem:s6+$0xFFFFFFF0] =	vst v1;
	v1 =	vadd.f32 v46, v31;
	v62 =	vadd.f32 v9, v3;
	v3 =	vld [tilespmem:s10+$0xFFFFFEB0];
	s8 =	smul.f32 s31, s30  }
0x1e2: {  	[tilespmem:s6+$0x20] =	vst v10;
	v10 =	vadd.f32 v42, v35;
	v9 =	vld [tilespmem:s18+$0xFFFFFF00];
	s30 =	smul.f32 s29, s22;
	v16 =	vadd.f32 v11, v2  }
0x1e3: {  	v22 =	vadd.f32 v39, v32;
	v6 =	vadd.f32 v6, v32;
	[tilespmem:s6+$0x90] =	vst v1;
	s3 =	smul.f32 s3, s24;
	v13 =	vld [tilespmem:s18+$0xFFFFFEA0]  }
0x1e4: {  	[tilespmem:s6+$0xB0] =	vst v10;
	v20 =	vadd.f32 v61, v30;
	s5 =	smul.f32 s5, s28;
	v11 =	vmul.f32 v15, v15;
	v1 =	vmul.f32 v16, v16;
	v8 =	vld [tilespmem:s18+$0xFFFFFEB0]  }
0x1e5: {  	[tilespmem:$0x1FCB0] =	vst v18;
	s17 =	smul.f32 s17, s13;
	v12 =	vadd.f32 v40, v30;
	v61 =	vadd.f32 v5, v0;
	v5 =	vld [tilespmem:s10+$0xFFFFFF00]  }
0x1e6: {  	v18 =	vadd.f32 v63, v32;
	s15 =	ssub.f32 $1.500000000e+00, s15;
	[tilespmem:s19+$0xE0] =	vst v6;
	s31 =	smul.f32 s8, s25;
	v32 =	vadd.f32 v1, v11;
	v11 =	vld [tilespmem:s10+$0xFFFFFF10]  }
0x1e7: {  	s30 =	smul.f32 s30, s29;
	s17 =	ssub.f32 $1.500000000e+00, s17;
	v2 =	vadd.f32 v16, v15;
	[tilespmem:s19+$0xD0] =	vst v7;
	v7 =	vld [tilespmem:s18+$0xFFFFFF10];
	v0 =	vmul.f32 v62, v62;
	v10 =	vmul.f32 v61, v61  }
0x1e8: {  	s3 =	ssub.f32 $1.500000000e+00, s3;
	s31 =	smul.f32 s31, s8;
	[tilespmem:$0x1FCF0] =	vst v15;
	v15 =	vld [tilespmem:s18+$0xFFFFFF30];
	v59 =	vadd.f32 v13, v4;
	v4 =	vadd.f32 v61, v62  }
0x1e9: {  	s5 =	ssub.f32 $1.500000000e+00, s5;
	s13 =	smul.f32 s17, s13;
	[tilespmem:s19+$0xC0] =	vst v12;
	v63 =	vadd.f32 v8, v3;
	v6 =	vadd.f32 v10, v0;
	v3 =	vld [tilespmem:s10+$0xFFFFFF20];
	v12, _, _ =	vpop (xrf2)  }
0x1ea: {  	s17 =	ssub.f32 $1.500000000e+00, s30;
	s30 =	smul.f32 s15, s23;
	v10 =	vld [tilespmem:s18+$0xFFFFFF20];
	v5 =	vadd.f32 v9, v5;
	(v2sf) =	vpush v12, $0xF;
	v12, _, _ =	vpop (xrf2)  }
0x1eb: {  	s15 =	smul.f32 s3, s24;
	v9 =	vld [tilespmem:s10+$0xFFFFFF30];
	v13 =	vadd.f32 v63, v59;
	(v2sf) =	vpush v12, $0xF  }
0x1ec: {  	s31 =	ssub.f32 $1.500000000e+00, s31;
	s24 =	smul.f32 s5, s28;
	v0 =	vadd.f32 v7, v11;
	v11 =	vld [tilespmem:s10+$0xFFFFFF80]  }
0x1ed: {  	s23 =	smul.f32 s17, s29;
	v8 =	vmul.f32 v59, v59;
	v14 =	vmul.f32 v63, v63;
	v4 =	vadd.f32 v13, v4;
	v13 =	vld [tilespmem:s18+$0xFFFFFF80]  }
0x1ee: {  	s0 =	smul.f32 s31, s8;
	[tilespmem:$0x1FD00] =	vst v16;
	v16 =	vld [tilespmem:s10+$0xFFFFFF90];
	v7 =	vmul.f32 v5, v5  }
0x1ef: {  	s5 =	smul.f32 s13, s26;
	v8 =	vadd.f32 v14, v8;
	v14 =	vld [tilespmem:s18+$0xFFFFFF90];
	v3 =	vadd.f32 v10, v3;
	v12 =	vmul.f32 v0, v0  }
0x1f0: {  	s26 =	smul.f32 s1, s9;
	v10 =	vadd.f32 v0, v5;
	(xrf2) =	vadd.scan.msk.f32 $0xffff, v4;
	v4 =	vadd.f32 v15, v9;
	v15 =	vld [tilespmem:s10+$0xFFFFFFA0]  }
0x1f1: {  	s29 =	smul.f32 s30, s11;
	v6 =	vadd.f32 v8, v6;
	v8 =	vld [tilespmem:s18+$0xFFFFFFA0];
	v9 =	vadd.f32 v12, v7  }
0x1f2: {  	s31 =	smul.f32 s15, s14;
	v17 =	vadd.f32 v4, v3;
	v7 =	vadd.f32 v13, v11;
	v11 =	vld [tilespmem:s10+$0xFFFFFFB0]  }
0x1f3: {  	[tilespmem:s6+$0x60] =	vst v18;
	s17 =	smul.f32 s24, s2;
	v12 =	vmul.f32 v3, v3;
	v18 =	vmul.f32 v4, v4;
	v13 =	vld [tilespmem:s18+$0xFFFFFFB0]  }
0x1f4: {  	s8 =	smul.f32 s0, s25;
	v31 =	vadd.f32 v14, v16;
	v16 =	vld [tilespmem:s10+$0x0];
	v10 =	vadd.f32 v17, v10  }
0x1f5: {  	s3 =	smul.f32 s5, s13;
	(xrf2) =	vadd.scan.msk.f32 $0xffff, v6;
	v12 =	vadd.f32 v18, v12;
	v17 =	vld [tilespmem:s18+$0x0]  }
0x1f6: {  	[tilespmem:s6+$0x80] =	vst v20;
	v20 =	vld [tilespmem:s10+$0x10];
	s5 =	smul.f32 s26, s1;
	v14 =	vmul.f32 v7, v7;
	v18 =	vmul.f32 v31, v31;
	(xrf2) =	vadd.scan.msk.f32 $0xffff, v10  }
0x1f7: {  	s9 =	smul.f32 s29, s30;
	v8 =	vadd.f32 v8, v15;
	v10 =	vadd.f32 v12, v9;
	v12 =	vld [tilespmem:s18+$0x10]  }
0x1f8: {  	s11 =	smul.f32 s31, s15;
	v9 =	vadd.f32 v13, v11;
	v11 =	vadd.f32 v18, v14;
	v14 =	vld [tilespmem:s10+$0x20]  }
0x1f9: {  	v34 =	vadd.f32 v21, v19;
	s26 =	smul.f32 s17, s24;
	v18 =	vld [tilespmem:s18+$0x20];
	s25 =	spop (v2sf)  }
0x1fa: {  	v15 =	vadd.f32 v31, v7;
	v13 =	vmul.f32 v8, v8;
	v19 =	vadd.f32 v17, v16;
	v16 =	vld [tilespmem:s10+$0x30];
	v50, _, _ =	vpop (xrf2);
	(xrf2) =	vadd.scan.msk.f32 $0xffff, v10;
	s2 =	smul.f32 $1.562500000e-02, s25;
	s29 =	spop (v2sf)  }
0x1fb: {  	v17 =	vld [tilespmem:s18+$0x30];
	v10 =	vadd.f32 v9, v8;
	v54 =	vmul.f32 v9, v9;
	(v2sf) =	vpush v50, $0xF;
	s17 =	smul.f32 $1.562500000e-02, s29  }
0x1fc: {  	v56 =	vld [tilespmem:s10+$0x90];
	s3 =	ssub.f32 $1.500000000e+00, s3;
	v39 =	vadd.f32 v12, v20;
	s31 =	smul.f32 s2, s2  }
0x1fd: {  	s14 =	smul.f32 s23, s22;
	s5 =	ssub.f32 $1.500000000e+00, s5;
	v20 =	vld [tilespmem:s18+$0x80];
	v10 =	vadd.f32 v10, v15;
	v13 =	vadd.f32 v54, v13  }
0x1fe: {  	v15 =	vld [tilespmem:s10+$0x80];
	s17 =	ssub.f32 s17, s31  }
0x1ff: {  	v30 =	vld [tilespmem:s10+$0xFFFFFE00];
	s9 =	ssub.f32 $1.500000000e+00, s9;
	s14 =	smul.f32 s14, s23;
	v12 =	vmul.f32 v19, v19;
	v55, _, _ =	vpop (xrf2);
	v41 =	vadd.f32 v18, v14;
	(xrf2) =	vadd.scan.msk.f32 $0xffff, v10;
	v10 =	vadd.f32 v13, v11  }
0x200: {  	s3 =	smul.f32 s3, s13;
	v18 =	vmul.f32 v39, v39;
	v11 =	vld [tilespmem:s18+$0x90];
	v45 =	vadd.f32 v17, v16;
	(v2sf) =	vpush v55, $0xF;
	v17, _, _ =	vpop (xrf2);
	s17 =	sadd.f32 $9.999999740e-06, s17  }
0x201: {  	v60 =	vmul.f32 v34, v34;
	s11 =	ssub.f32 $1.500000000e+00, s11;
	s5 =	smul.f32 s5, s1;
	v16 =	vld [tilespmem:s10+$0xA0];
	(v2sf) =	vpush v17, $0xF  }
0x202: {  	s22 =	ssub.f32 $1.500000000e+00, s26;
	v21 =	vmul.f32 s3, v53;
	v49 =	vmul.f32 s3, v38;
	v12 =	vadd.f32 v18, v12;
	v18 =	vld [tilespmem:s18+$0xA0];
	s29 =	sshra.s32 s17, $0x1;
	s1 =	smul.f32 $5.000000000e-01, s17  }
0x203: {  	s26 =	ssub.f32 $1.500000000e+00, s14;
	s14 =	smul.f32 s9, s30;
	v48 =	vmul.f32 s3, v43;
	v14 =	vadd.f32 v39, v19;
	(xrf2) =	vadd.scan.msk.f32 $0xffff, v10;
	v10 =	vadd.f32 v20, v15;
	v15 =	vld [tilespmem:s10+$0xB0];
	s30 =	ssub.s32 $0x5F3759DF, s29  }
0x204: {  	[tilespmem:s6+$0xA0] =	vst v22;
	v13 =	vmul.f32 v41, v41;
	v33 =	vmul.f32 v45, v45;
	v17 =	vadd.f32 v45, v41;
	v20 =	vld [tilespmem:s18+$0xB0];
	v35, _, _ =	vpop (xrf2);
	s31 =	smul.f32 s30, s1  }
0x205: {  	v25 =	vld [tilespmem:s18+$0x100];
	s9 =	smul.f32 s11, s15;
	v22 =	vmul.f32 s3, v36;
	v23 =	vmul.f32 s5, v38;
	(v2sf) =	vpush v35, $0xF  }
0x206: {  	v26 =	vld [tilespmem:s10+$0x110];
	[tilespmem:$0x1FC20] =	vst v24;
	v24 =	vmul.f32 s5, v36;
	v13 =	vadd.f32 v33, v13;
	v14 =	vadd.f32 v17, v14;
	s15 =	smul.f32 s30, s31  }
0x207: {  	s8 =	smul.f32 s8, s0;
	v47 =	vadd.f32 v58, v30;
	v30 =	vmul.f32 s9, v36;
	v50 =	vmul.f32 s5, v53;
	v17 =	vld [tilespmem:s10+$0x100]  }
0x208: {  	v27 =	vld [tilespmem:s18+$0x120];
	s11 =	smul.f32 s22, s24;
	v54 =	vmul.f32 s9, v53;
	v40 =	vadd.f32 v11, v56;
	v12 =	vadd.f32 v13, v12;
	(xrf2) =	vadd.scan.msk.f32 $0xffff, v14;
	s3 =	ssub.f32 $1.500000000e+00, s15  }
0x209: {  	s13 =	smul.f32 s26, s23;
	v55 =	vmul.f32 s14, v38;
	v42 =	vadd.f32 v18, v16;
	v13 =	vld [tilespmem:s18+$0x110];
	v46 =	vadd.f32 v20, v15  }
0x20a: {  	v28 =	vld [tilespmem:s18+$0x130];
	v11 =	vmul.f32 v10, v10;
	v1 =	vmul.f32 v40, v40;
	v18, _, _ =	vpop (xrf2);
	(xrf2) =	vadd.scan.msk.f32 $0xffff, v12;
	s22 =	spop (v2sf);
	s3 =	smul.f32 s30, s3  }
0x20b: {  	v16 =	vadd.f32 v40, v10;
	v35 =	vmul.f32 s11, v38;
	v15 =	vld [tilespmem:s10+$0x120];
	v12 =	vadd.f32 v46, v42;
	s15 =	smul.f32 $1.562500000e-02, s22  }
0x20c: {  	v14 =	vmul.f32 v42, v42;
	v11 =	vadd.f32 v1, v11;
	v1 =	vadd.f32 v25, v17;
	v17 =	vld [tilespmem:s10+$0x130];
	s24 =	smul.f32 s3, s1  }
0x20d: {  	s8 =	ssub.f32 $1.500000000e+00, s8;
	(v2sf) =	vpush v18, $0xF;
	v18 =	vmul.f32 v46, v46;
	v12 =	vadd.f32 v12, v16;
	s23 =	smul.f32 s15, s15  }
0x20e: {  	v20 =	vmul.f32 s5, v43;
	v6 =	vadd.f32 v13, v26;
	v29, _, _ =	vpop (xrf2);
	v33 =	vmov s15;
	s15 =	smul.f32 s24, s3  }
0x20f: {  	s8 =	smul.f32 s8, s0;
	v13 =	vmul.f32 v1, v1;
	v37 =	vadd.f32 v18, v14;
	(v2sf) =	vpush v29, $0xF;
	(xrf2) =	vadd.scan.msk.f32 $0xffff, v12;
	s25 =	spop (v2sf)  }
0x210: {  	v18 =	vadd.f32 v27, v15;
	v15 =	vadd.f32 v6, v1;
	v16 =	vmul.f32 v6, v6;
	s26 =	spop (v2sf);
	s30 =	ssub.f32 $1.500000000e+00, s15  }
0x211: {  	v25 =	vmul.f32 s14, v53;
	[tilespmem:$0x1FD10] =	vst v1;
	v11 =	vadd.f32 v37, v11;
	v1 =	vadd.f32 v28, v17;
	s29 =	smul.f32 $1.562500000e-02, s26  }
0x212: {  	v26 =	vmul.f32 s14, v36;
	v12 =	vadd.f32 v16, v13;
	v16 =	vadd.f32 v34, v47;
	v14, _, _ =	vpop (xrf2);
	s3 =	smul.f32 s30, s3  }
0x213: {  	v13 =	vmul.f32 v18, v18;
	(v2sf) =	vpush v14, $0xF;
	v14 =	vmul.f32 v1, v1;
	s31 =	smul.f32 s29, s29  }
0x214: {  	[tilespmem:$0x1FD30] =	vst v18;
	(xrf2) =	vadd.scan.msk.f32 $0xffff, v11;
	v11 =	vadd.f32 v1, v18;
	v2 =	vadd.f32 v2, v16;
	v18, _, _ =	vpop (xrf2);
	s22 =	spop (v2sf);
	s1 =	smul.f32 s3, s1  }
0x215: {  	[tilespmem:$0x1FCE0] =	vst v34;
	v27 =	vmul.f32 s13, v38;
	v13 =	vadd.f32 v14, v13;
	(v2sf) =	vpush v18, $0xF;
	s24 =	smul.f32 $1.562500000e-02, s22  }
0x216: {  	[tilespmem:$0x1FD20] =	vst v6;
	v17 =	vmul.f32 v47, v47;
	v34 =	vmul.f32 s11, v53;
	v6 =	vmovc v52;
	v52 =	vmov s2;
	s1 =	smul.f32 s1, s3  }
0x217: {  	v28 =	vmul.f32 s8, v38;
	v57 =	vsub.f32 v57, v52;
	s17 =	smul.f32 $1.562500000e-02, s25;
	v15 =	vadd.f32 v11, v15;
	(xrf2) =	vadd.scan.msk.f32 $0xffff, v2;
	s25 =	ssub.f32 s24, s31  }
0x218: {  	[tilespmem:$0x1FD40] =	vst v1;
	v37 =	vsub.f32 v61, v33;
	v61 =	vmul.f32 s8, v53;
	v59 =	vsub.f32 v59, v33;
	s31 =	ssub.f32 $1.500000000e+00, s1  }
0x219: {  	s5 =	ssub.f32 s17, s23;
	v11 =	vmul.f32 s9, v38;
	v14 =	vadd.f32 v60, v17;
	v1 =	vadd.f32 v13, v12;
	v13, _, _ =	vpop (xrf2);
	(xrf2) =	vadd.scan.msk.f32 $0xffff, v15  }
0x21a: {  	v60 =	vmul.f32 s9, v43;
	v2 =	vsub.f32 v62, v33;
	v62 =	vmul.f32 s13, v53;
	s3 =	smul.f32 s31, s3  }
0x21b: {  	s5 =	sadd.f32 $9.999999740e-06, s5;
	v12 =	vadd.f32 v32, v14;
	v32 =	vmul.f32 s11, v36;
	v18 =	vmul.f32 s13, v36  }
0x21c: {  	v63 =	vsub.f32 v63, v33;
	v33 =	vmul.f32 s3, v53;
	v53 =	vmul.f32 s3, v36  }
0x21d: {  	v58 =	vmov s29;
	s23 =	sshra.s32 s5, $0x1;
	s9 =	smul.f32 $5.000000000e-01, s5;
	v15 =	vmul.f32 s8, v36;
	v36 =	vmul.f32 s3, v38  }
0x21e: {  	s0 =	ssub.s32 $0x5F3759DF, s23;
	v38 =	vsub.f32 v0, v58;
	v0 =	vmul.f32 v53, v57;
	v53 =	vsub.f32 v4, v58;
	v4 =	vld [tilespmem:$0x1FF30]  }
0x21f: {  	s30 =	smul.f32 s0, s9;
	s26 =	spop (v2sf)  }
0x220: {  	(v2sf) =	vpush v13, $0xF;
	s29 =	smul.f32 $1.562500000e-02, s26;
	v14, _, _ =	vpop (xrf2);
	(xrf2) =	vadd.scan.msk.f32 $0xffff, v12  }
0x221: {  	s24 =	smul.f32 s0, s30;
	s22 =	spop (v2sf);
	(v2sf) =	vpush v14, $0xF;
	(xrf2) =	vadd.scan.msk.f32 $0xffff, v1;
	v1, _, _ =	vpop (xrf2)  }
0x222: {  	v13 =	vmovc v44;
	v44 =	vmov v51;
	s17 =	smul.f32 s29, s29;
	v51 =	vmov s29;
	s29 =	spop (v2sf);
	(v2sf) =	vpush v1, $0xF  }
0x223: {  	v57 =	vsub.f32 v7, v51;
	v7 =	vadd.f32 v0, v4;
	v0, _, _ =	vpop (xrf2)  }
0x224: {  	s2 =	ssub.f32 $1.500000000e+00, s24;
	s24 =	spop (v2sf);
	(v2sf) =	vpush v0, $0xF;
	v0 =	vld [tilespmem:$0x1FC00]  }
0x225: {  	_ =	sdelay $0x2  }
0x226: {  	v1 =	vld [tilespmem:$0x1FBE0]  }
0x227: {  	v12 =	vsub.f32 v9, v51;
	v9 =	vmul.f32 v22, v0;
	v0 =	vld [tilespmem:$0x1FD50];
	_ =	sdelay $0x1  }
0x228: {  	v14 =	vmul.f32 s8, v43;
	s8 =	smul.f32 $1.562500000e-02, s29;
	_ =	sdelay $0x1  }
0x229: {  	v1 =	vmul.f32 v49, v1;
	v4 =	vmov s8  }
0x22a: {  	v49 =	vsub.f32 v31, v51;
	v31 =	vsub.f32 v45, v4;
	v45 =	vmul.f32 v50, v0;
	v0 =	vmovc v2  }
0x22b: {  	[tilespmem:$0x1FD50] =	vst v0;
	v0 =	vld [tilespmem:$0x1FC10];
	_ =	sdelay $0x4  }
0x22c: {  	v50 =	vsub.f32 v0, v52;
	v0 =	vld [tilespmem:$0x1FC20];
	_ =	sdelay $0x4  }
0x22d: {  	v8 =	vsub.f32 v8, v51;
	v2 =	vld [tilespmem:$0x1FD60];
	v51 =	vsub.f32 v0, v52;
	v0, _, _ =	vpop (xrf2)  }
0x22e: {  	(v2sf) =	vpush v0, $0xF;
	v0 =	vld [tilespmem:$0x1FD70];
	_ =	sdelay $0x2  }
0x22f: {  	v56 =	vmul.f32 s14, v43;
	v16 =	vmul.f32 s11, v43;
	s5 =	sadd.f32 $9.999999740e-06, s25  }
0x230: {  	v17 =	vmul.f32 s13, v43;
	s23 =	smul.f32 $1.562500000e-02, s22;
	v29 =	vmul.f32 s3, v43;
	v43 =	vsub.f32 v3, v58;
	v3 =	vld [tilespmem:$0x1FBD0]  }
0x231: {  	s13 =	sshra.s32 s5, $0x1;
	s11 =	smul.f32 $5.000000000e-01, s5;
	v23 =	vmul.f32 v23, v2;
	v2 =	vld [tilespmem:$0x1FC30];
	v20 =	vmul.f32 v20, v0;
	v0 =	vmov v59  }
0x232: {  	s1 =	ssub.s32 $0x5F3759DF, s13;
	s25 =	ssub.f32 s23, s17;
	[tilespmem:$0x1FD70] =	vst v0;
	v0 =	vld [tilespmem:$0x1FF00]  }
0x233: {  	s26 =	smul.f32 s1, s11  }
0x234: {  	s5 =	sadd.f32 $9.999999740e-06, s25  }
0x235: {  	s3 =	smul.f32 s1, s26;
	v3 =	vmul.f32 v21, v3  }
0x236: {  	s14 =	smul.f32 $5.000000000e-01, s5;
	s26 =	spop (v2sf);
	v52 =	vsub.f32 v2, v52;
	v2 =	vmov v37  }
0x237: {  	s30 =	sshra.s32 s5, $0x1;
	s5 =	smul.f32 $1.562500000e-02, s26;
	[tilespmem:$0x1FD60] =	vst v2;
	v2 =	vadd.f32 v3, v0;
	v0 =	vld [tilespmem:$0x1FD80];
	_ =	sdelay $0x1  }
0x238: {  	s6 =	smov.u32 s19;
	v21 =	vsub.f32 v19, v4;
	v19 =	vmov s5  }
0x239: {  	v59 =	vsub.f32 v10, v19;
	v10 =	vmov v53;
	[tilespmem:s6+$0xFFFFFF00] =	vst v2;
	v2 =	vld [tilespmem:$0x1FDC0]  }
0x23a: {  	[tilespmem:$0x1FDC0] =	vst v10;
	v10 =	vld [tilespmem:$0x1FF30]  }
0x23b: {  	v24 =	vmul.f32 v24, v0;
	v0 =	vld [tilespmem:$0x1FD90];
	_ =	sdelay $0x2  }
0x23c: {  	s19 =	sadd.s32 $0x200, s19;
	v3, _, _ =	vpop (xrf2)  }
0x23d: {  	s22 =	ssub.s32 $0x5F3759DF, s30;
	[tilespmem:s19+$0xF0] =	vst v7;
	v7 =	vld [tilespmem:$0x1FBF0];
	s30 =	spop (v2sf);
	(v2sf) =	vpush v3, $0xF;
	v3 =	vmov v38  }
0x23e: {  	v38 =	vadd.f32 v9, v10;
	v10 =	vmul.f32 v35, v6;
	v6 =	vld [tilespmem:$0x1FC40];
	v25 =	vmul.f32 v25, v0;
	v0 =	vmovc v63  }
0x23f: {  	[tilespmem:$0x1FD80] =	vst v0;
	v0 =	vld [tilespmem:$0x1FF10]  }
0x240: {  	v5 =	vsub.f32 v5, v58;
	_ =	sdelay $0x2  }
0x241: {  	v58 =	vsub.f32 v41, v4;
	v7 =	vmul.f32 v48, v7;
	v41 =	vmul.f32 v16, v6;
	v6 =	vld [tilespmem:$0x1FC50]  }
0x242: {  	v48 =	vsub.f32 v39, v4;
	v37 =	vmovc v5;
	v5 =	vmov v43;
	v4 =	vadd.f32 v1, v0;
	v1 =	vld [tilespmem:$0x1FDB0]  }
0x243: {  	[tilespmem:$0x1FDB0] =	vst v5;
	v5 =	vld [tilespmem:$0x1FF20]  }
0x244: {  	[tilespmem:s6+$0xFFFFFF10] =	vst v4;
	v4 =	vld [tilespmem:$0x1FDE0];
	_ =	sdelay $0x1  }
0x245: {  	v0 =	vld [tilespmem:$0x1FDA0]  }
0x246: {  	v9 =	vmov v57;
	[tilespmem:$0x1FDA0] =	vst v3;
	v3 =	vld [tilespmem:$0x1FDD0]  }
0x247: {  	[tilespmem:$0x1FDD0] =	vst v9;
	v9 =	vmul.f32 v32, v6;
	v6 =	vld [tilespmem:$0x1FC60]  }
0x248: {  	v4 =	vmul.f32 v11, v4;
	v11 =	vadd.f32 v7, v5;
	v5 =	vld [tilespmem:$0x1FDF0];
	_ =	sdelay $0x4  }
0x249: {  	v7 =	vmul.f32 v60, v5;
	v60 =	vmul.f32 v62, v6;
	v6 =	vld [tilespmem:$0x1FC70];
	_ =	sdelay $0x4  }
0x24a: {  	v62 =	vmul.f32 v27, v6;
	v6 =	vld [tilespmem:$0x1FC80];
	_ =	sdelay $0x3  }
0x24b: {  	v5 =	vmul.f32 v30, v44;
	v30 =	vld [tilespmem:$0x1FF00]  }
0x24c: {  	v63 =	vmul.f32 v17, v6;
	v6 =	vld [tilespmem:$0x1FC90];
	_ =	sdelay $0x4  }
0x24d: {  	[tilespmem:s6+$0xFFFFFF20] =	vst v11;
	v11 =	vadd.f32 v45, v30;
	v45 =	vmul.f32 v18, v6;
	v6 =	vld [tilespmem:$0x1FCA0];
	_ =	sdelay $0x4  }
0x24e: {  	v61 =	vmul.f32 v61, v6;
	v6 =	vld [tilespmem:$0x1FCB0];
	_ =	sdelay $0x4  }
0x24f: {  	v3 =	vmul.f32 v54, v3;
	v54 =	vsub.f32 v46, v19;
	v46 =	vmul.f32 v28, v6;
	v6 =	vld [tilespmem:$0x1FCC0];
	_ =	sdelay $0x2  }
0x250: {  	v57 =	vmov v31;
	v31 =	vld [tilespmem:$0x1FF10];
	_ =	sdelay $0x1  }
0x251: {  	v39 =	vmul.f32 v14, v6;
	v6 =	vld [tilespmem:$0x1FCD0]  }
0x252: {  	s0 =	smul.f32 s0, s2  }
0x253: {  	s31 =	smul.f32 s8, s8  }
0x254: {  	s2 =	smul.f32 $1.562500000e-02, s24;
	v1 =	vmul.f32 v56, v1;
	v56 =	vsub.f32 v42, v19;
	v42 =	vadd.f32 v23, v31  }
0x255: {  	s29 =	smul.f32 s5, s5  }
0x256: {  	s5 =	smul.f32 $1.562500000e-02, s30;
	[tilespmem:s6+$0xFFFFFF50] =	vst v42;
	v42 =	vmul.f32 v15, v6;
	v6 =	vmov v49  }
0x257: {  	s25 =	smul.f32 s22, s14;
	s2 =	ssub.f32 s2, s31;
	[tilespmem:$0x1FDE0] =	vst v6;
	v6 =	vld [tilespmem:$0x1FCE0]  }
0x258: {  	s15 =	ssub.f32 s5, s29;
	s29 =	spop (v2sf)  }
0x259: {  	s5 =	smul.f32 $1.562500000e-02, s29  }
0x25a: {  	s2 =	sadd.f32 $9.999999740e-06, s2;
	v35 =	vld [tilespmem:$0x1FF30];
	v0 =	vmul.f32 v55, v0  }
0x25b: {  	s8 =	ssub.f32 $1.500000000e+00, s3;
	s3 =	smul.f32 s22, s25;
	v55 =	vsub.f32 v40, v19;
	v19 =	vmul.f32 v34, v13;
	v13 =	vmov s5  }
0x25c: {  	s31 =	sshra.s32 s2, $0x1;
	s2 =	smul.f32 $5.000000000e-01, s2;
	v17 =	vsub.f32 v6, v13;
	v6 =	vld [tilespmem:$0x1FCF0]  }
0x25d: {  	s3 =	ssub.f32 $1.500000000e+00, s3;
	s23 =	smul.f32 s1, s8;
	s25 =	ssub.s32 $0x5F3759DF, s31  }
0x25e: {  	s17 =	smul.f32 s25, s2  }
0x25f: {  	s24 =	smul.f32 s22, s3;
	s22 =	sadd.f32 $9.999999740e-06, s15;
	v16 =	vadd.f32 v24, v35;
	v32 =	vld [tilespmem:$0x1FF20]  }
0x260: {  	s7 =	sadd.s32 $0x8, s7;
	s26 =	smul.f32 s25, s17  }
0x261: {  	p0 =	slt.u32 s7, $0x60;
	s30 =	sshra.s32 s22, $0x1;
	s22 =	smul.f32 $5.000000000e-01, s22;
	[tilespmem:s6+$0xFFFFFF70] =	vst v16;
	v16 =	vsub.f32 v6, v13;
	v6 =	vld [tilespmem:$0x1FD00]  }
.Ltmp1:
0x262: {  	[tilespmem:$0x1FD90] =	vst v37;
	(pc) =	sbr.rel @p0 .LBB2_5-.Ltmp1, $4  }
0x263: {  	s13 =	smul.f32 s5, s5;
	s31 =	spop (v2sf);
	v2 =	vmul.f32 v26, v2;
	[tilespmem:s6+$0xFFFFFF30] =	vst v38  }
0x264: {  	s1 =	ssub.s32 $0x5F3759DF, s30;
	s3 =	smul.f32 $1.562500000e-02, s31;
	v40 =	vmul.f32 v33, v50;
	v20 =	vadd.f32 v20, v32;
	v44 =	vmovc v21;
	[tilespmem:s6+$0xFFFFFF40] =	vst v11;
	v11 =	vmov v8  }
0x265: {  	s8 =	ssub.f32 $1.500000000e+00, s26;
	s26 =	smul.f32 s1, s22;
	v43 =	vld [tilespmem:$0x1FEF0];
	v8 =	vmul.f32 v36, v51;
	[tilespmem:$0x1FDF0] =	vst v11;
	v11 =	vadd.f32 v25, v30;
	v18 =	vsub.f32 v47, v13  }
0x266: {  	s10 =	sadd.s32 $0x400, s10;
	s15 =	smul.f32 s3, s3;
	v53 =	vld [tilespmem:$0x1FEE0];
	s28 =	spop (v2sf);
	[tilespmem:s6+$0xFFFFFF60] =	vst v20;
	v51 =	vmovc v12;
	v15 =	vsub.f32 v6, v13;
	v13 =	vmov s3;
	v6 =	vmul.f32 v29, v52;
	v52 =	vmovc v48  }
0x267: {  	s3 =	smul.f32 $1.562500000e-02, s28;
	_ =	sdelay $0x1  }
0x268: {  	s3 =	ssub.f32 s3, s13  }
0x269: {  	s5 =	smul.f32 s1, s26;
	s7 =	spop (v2sf)  }
0x26a: {  	s7 =	smul.f32 $1.562500000e-02, s7;
	s3 =	sadd.f32 $9.999999740e-06, s3  }
0x26b: {  	s5 =	ssub.f32 $1.500000000e+00, s5;
	s13 =	smul.f32 s25, s8  }
0x26c: {  	s26 =	sshra.s32 s3, $0x1;
	s3 =	smul.f32 $5.000000000e-01, s3  }
0x26d: {  	s25 =	ssub.f32 s7, s15;
	s10 =	smul.f32 s1, s5;
	s5 =	ssub.s32 $0x5F3759DF, s26  }
0x26e: {  	s29 =	smul.f32 s5, s3  }
0x26f: {  	s18 =	smul.f32 s23, s11;
	s1 =	sadd.f32 $9.999999740e-06, s25  }
0x270: {  	v0 =	vadd.f32 v0, v31;
	s30 =	smul.f32 s5, s29  }
0x271: {  	[tilespmem:s6+$0xFFFFFF80] =	vst v11;
	v1 =	vadd.f32 v1, v32;
	s17 =	sshra.s32 s1, $0x1;
	s7 =	smul.f32 $5.000000000e-01, s1  }
0x272: {  	v2 =	vadd.f32 v2, v35;
	s8 =	smul.f32 s0, s9;
	[tilespmem:s6+$0xFFFFFF90] =	vst v0;
	s31 =	ssub.s32 $0x5F3759DF, s17;
	s1 =	ssub.f32 $1.500000000e+00, s30  }
0x273: {  	v0 =	vadd.f32 v3, v30;
	[tilespmem:s6+$0xFFFFFFA0] =	vst v1;
	s17 =	smul.f32 s31, s7  }
0x274: {  	v1 =	vadd.f32 v4, v31;
	[tilespmem:s6+$0xFFFFFFB0] =	vst v2;
	s5 =	smul.f32 s5, s1  }
0x275: {  	v2 =	vadd.f32 v7, v32;
	[tilespmem:s6+$0xFFFFFFC0] =	vst v0;
	s17 =	smul.f32 s31, s17  }
0x276: {  	v0 =	vadd.f32 v5, v35;
	[tilespmem:s6+$0xFFFFFFD0] =	vst v1;
	s29 =	smul.f32 s5, s3  }
0x277: {  	s18 =	smul.f32 s18, s23;
	v1 =	vadd.f32 v19, v30;
	[tilespmem:s6+$0xFFFFFFE0] =	vst v2  }
0x278: {  	v2 =	vadd.f32 v10, v31;
	[tilespmem:s6+$0xFFFFFFF0] =	vst v0;
	s26 =	ssub.f32 $1.500000000e+00, s17;
	s17 =	smul.f32 s29, s5  }
0x279: {  	s8 =	smul.f32 s8, s0;
	v0 =	vadd.f32 v41, v32;
	[tilespmem:s6+$0x0] =	vst v1  }
0x27a: {  	v1 =	vadd.f32 v9, v35;
	[tilespmem:s6+$0x10] =	vst v2;
	s30 =	smul.f32 s13, s2;
	s17 =	ssub.f32 $1.500000000e+00, s17  }
0x27b: {  	v2 =	vadd.f32 v60, v30;
	[tilespmem:s6+$0x20] =	vst v0;
	s1 =	smul.f32 s31, s26  }
0x27c: {  	v0 =	vadd.f32 v62, v31;
	[tilespmem:s6+$0x30] =	vst v1;
	s5 =	smul.f32 s17, s5  }
0x27d: {  	v1 =	vadd.f32 v63, v32;
	[tilespmem:s6+$0x40] =	vst v2;
	s31 =	smul.f32 s10, s22  }
0x27e: {  	v2 =	vadd.f32 v45, v35;
	[tilespmem:s6+$0x50] =	vst v0;
	s3 =	smul.f32 s5, s3  }
0x27f: {  	v3 =	vadd.f32 v61, v30;
	[tilespmem:s6+$0x60] =	vst v1;
	s29 =	smul.f32 s30, s13;
	s30 =	ssub.f32 $1.500000000e+00, s8  }
0x280: {  	v4 =	vadd.f32 v46, v31;
	v0 =	vld [tilespmem:$0x1FD10];
	[tilespmem:s6+$0x70] =	vst v2;
	s3 =	smul.f32 s3, s5  }
0x281: {  	v5 =	vadd.f32 v39, v32;
	v1 =	vld [tilespmem:$0x1FD20];
	[tilespmem:s6+$0x80] =	vst v3;
	s0 =	smul.f32 s30, s0  }
0x282: {  	v7 =	vadd.f32 v42, v35;
	v2 =	vld [tilespmem:$0x1FD30];
	[tilespmem:s6+$0x90] =	vst v4;
	s15 =	smul.f32 s31, s10;
	s3 =	ssub.f32 $1.500000000e+00, s3  }
0x283: {  	v9 =	vadd.f32 v40, v30;
	v3 =	vld [tilespmem:$0x1FD40];
	[tilespmem:s6+$0xA0] =	vst v5;
	s31 =	ssub.f32 $1.500000000e+00, s18;
	s18 =	smul.f32 s0, s9  }
0x284: {  	v8 =	vadd.f32 v8, v31;
	v21 =	vld [tilespmem:$0x1FF50];
	[tilespmem:s6+$0xB0] =	vst v7;
	s3 =	smul.f32 s3, s5  }
0x285: {  	v6 =	vadd.f32 v6, v32;
	[tilespmem:s19+$0xC0] =	vst v9;
	s9 =	smul.f32 s18, s0  }
0x286: {  	v20 =	vld [tilespmem:$0x1FF40];
	[tilespmem:s19+$0xD0] =	vst v8;
	v4 =	vmul.f32 s3, v53  }
0x287: {  	[tilespmem:s19+$0xE0] =	vst v6;
	s9 =	ssub.f32 $1.500000000e+00, s9  }
0x288: {  	v11 =	vld [tilespmem:$0x1FD50];
	v4 =	vmul.f32 v4, v18  }
0x289: {  	s0 =	smul.f32 s9, s0  }
0x28a: {  	v4 =	vadd.f32 v4, v30  }
0x28b: {  	v8 =	vmul.f32 s0, v53;
	v5 =	vmul.f32 s3, v21  }
0x28c: {  	[tilespmem:s19+$0xFFFFFF00] =	vst v4  }
0x28d: {  	v8 =	vmul.f32 v8, v11;
	v5 =	vmul.f32 v5, v17;
	v11 =	vld [tilespmem:$0x1FD60];
	_ =	sdelay $0x1  }
0x28e: {  	v5 =	vadd.f32 v5, v31  }
0x28f: {  	v6 =	vmul.f32 s0, v21;
	v7 =	vmul.f32 s3, v43  }
0x290: {  	[tilespmem:s19+$0xFFFFFF10] =	vst v5  }
0x291: {  	v7 =	vmul.f32 v7, v16;
	v6 =	vmul.f32 v6, v11;
	v11 =	vld [tilespmem:$0x1FD70];
	_ =	sdelay $0x1  }
0x292: {  	v4 =	vadd.f32 v7, v32  }
0x293: {  	s17 =	smul.f32 s31, s23;
	v10 =	vmul.f32 s0, v43;
	v9 =	vmul.f32 s3, v20  }
0x294: {  	[tilespmem:s19+$0xFFFFFF20] =	vst v4  }
0x295: {  	s26 =	smul.f32 s17, s11;
	v9 =	vmul.f32 v9, v15;
	v10 =	vmul.f32 v10, v11;
	v11 =	vld [tilespmem:$0x1FD80];
	_ =	sdelay $0x1  }
0x296: {  	s5 =	smul.f32 s26, s17;
	v5 =	vadd.f32 v9, v35  }
0x297: {  	v7 =	vmul.f32 s0, v20  }
0x298: {  	s5 =	ssub.f32 $1.500000000e+00, s5;
	[tilespmem:s19+$0xFFFFFF30] =	vst v5  }
0x299: {  	v7 =	vmul.f32 v7, v11;
	v11 =	vld [tilespmem:$0x1FD90]  }
0x29a: {  	s5 =	smul.f32 s5, s17  }
0x29b: {  	v4 =	vadd.f32 v8, v30  }
0x29c: {  	v9 =	vmul.f32 s5, v53  }
0x29d: {  	[tilespmem:s19+$0xFFFFFF40] =	vst v4  }
0x29e: {  	v9 =	vmul.f32 v9, v11;
	v11 =	vld [tilespmem:$0x1FDA0];
	_ =	sdelay $0x1  }
0x29f: {  	s25 =	smul.f32 s24, s14;
	v5 =	vadd.f32 v6, v31  }
0x2a0: {  	v8 =	vmul.f32 s5, v21  }
0x2a1: {  	s25 =	smul.f32 s25, s24;
	[tilespmem:s19+$0xFFFFFF50] =	vst v5  }
0x2a2: {  	v8 =	vmul.f32 v8, v11;
	v11 =	vld [tilespmem:$0x1FDB0]  }
0x2a3: {  	s25 =	ssub.f32 $1.500000000e+00, s25  }
0x2a4: {  	v4 =	vadd.f32 v10, v32  }
0x2a5: {  	s30 =	smul.f32 s25, s24;
	v6 =	vmul.f32 s5, v43  }
0x2a6: {  	s28 =	smul.f32 s1, s7;
	s31 =	ssub.f32 $1.500000000e+00, s29;
	[tilespmem:s19+$0xFFFFFF60] =	vst v4  }
0x2a7: {  	s14 =	smul.f32 s30, s14;
	v6 =	vmul.f32 v6, v11;
	v11 =	vld [tilespmem:$0x1FDC0]  }
0x2a8: {  	s18 =	smul.f32 s31, s13  }
0x2a9: {  	s23 =	smul.f32 s14, s30;
	v5 =	vadd.f32 v7, v35  }
0x2aa: {  	s25 =	smul.f32 s18, s2;
	v10 =	vmul.f32 s5, v20  }
0x2ab: {  	s8 =	smul.f32 s28, s1;
	s6 =	ssub.f32 $1.500000000e+00, s23;
	[tilespmem:s19+$0xFFFFFF70] =	vst v5  }
0x2ac: {  	s24 =	ssub.f32 $1.500000000e+00, s15;
	s2 =	smul.f32 s25, s18;
	v10 =	vmul.f32 v10, v11;
	v11 =	vld [tilespmem:$0x1FDD0]  }
0x2ad: {  	s6 =	smul.f32 s6, s30  }
0x2ae: {  	s26 =	smul.f32 s24, s10;
	v4 =	vadd.f32 v9, v30  }
0x2af: {  	s2 =	ssub.f32 $1.500000000e+00, s2;
	v7 =	vmul.f32 s6, v53  }
0x2b0: {  	s8 =	ssub.f32 $1.500000000e+00, s8;
	s9 =	smul.f32 s26, s22;
	[tilespmem:s19+$0xFFFFFF80] =	vst v4  }
0x2b1: {  	s2 =	smul.f32 s2, s18;
	v5 =	vadd.f32 v8, v31;
	v7 =	vmul.f32 v7, v11;
	v11 =	vld [tilespmem:$0x1FDE0]  }
0x2b2: {  	v0 =	vsub.f32 v0, v13;
	s1 =	smul.f32 s8, s1  }
0x2b3: {  	s29 =	smul.f32 s9, s26;
	v4 =	vadd.f32 v6, v32;
	v6 =	vmul.f32 s6, v20;
	[tilespmem:s19+$0xFFFFFF90] =	vst v5;
	v5 =	vmul.f32 s2, v53  }
0x2b4: {  	v1 =	vsub.f32 v1, v13;
	v2 =	vsub.f32 v2, v13;
	s30 =	smul.f32 s1, s7;
	v9 =	vmul.f32 s6, v21  }
0x2b5: {  	s5 =	ssub.f32 $1.500000000e+00, s29;
	v10 =	vadd.f32 v10, v35;
	v6 =	vmul.f32 v6, v51;
	v5 =	vmul.f32 v5, v44  }
0x2b6: {  	s3 =	smul.f32 s30, s1;
	v7 =	vadd.f32 v7, v30;
	v9 =	vmul.f32 v9, v11;
	v11 =	vld [tilespmem:$0x1FDF0];
	[tilespmem:s19+$0xFFFFFFA0] =	vst v4;
	v4 =	vmul.f32 s2, v21  }
0x2b7: {  	v3 =	vsub.f32 v3, v13;
	s0 =	smul.f32 s5, s26;
	v5 =	vadd.f32 v5, v30;
	[tilespmem:s19+$0xFFFFFFB0] =	vst v10;
	v10 =	vmul.f32 s2, v43  }
0x2b8: {  	v6 =	vadd.f32 v6, v35;
	[tilespmem:s19+$0xFFFFFFC0] =	vst v7;
	v7 =	vmul.f32 s2, v20;
	v4 =	vmul.f32 v4, v52  }
0x2b9: {  	s31 =	ssub.f32 $1.500000000e+00, s3;
	[tilespmem:s19+$0x0] =	vst v5;
	v5 =	vmul.f32 s0, v20;
	v9 =	vadd.f32 v9, v31;
	v10 =	vmul.f32 v10, v58  }
0x2ba: {  	v8 =	vmul.f32 s6, v43;
	[tilespmem:s19+$0xFFFFFFF0] =	vst v6;
	v7 =	vmul.f32 v7, v57;
	v4 =	vadd.f32 v4, v31  }
0x2bb: {  	s1 =	smul.f32 s31, s1;
	v5 =	vmul.f32 v5, v54;
	[tilespmem:s19+$0xFFFFFFD0] =	vst v9;
	v9 =	vmul.f32 s0, v53;
	v10 =	vadd.f32 v10, v32  }
0x2bc: {  	v6 =	vmul.f32 s0, v43;
	v7 =	vadd.f32 v7, v35;
	v8 =	vmul.f32 v8, v11;
	[tilespmem:s19+$0x10] =	vst v4  }
0x2bd: {  	v5 =	vadd.f32 v5, v35;
	v9 =	vmul.f32 v9, v59;
	v4 =	vmul.f32 s1, v53;
	[tilespmem:s19+$0x20] =	vst v10  }
0x2be: {  	v6 =	vmul.f32 v6, v56;
	v10 =	vmul.f32 s1, v21;
	[tilespmem:s19+$0x30] =	vst v7;
	v8 =	vadd.f32 v8, v32  }
0x2bf: {  	v7 =	vmul.f32 s1, v43;
	[tilespmem:s19+$0x70] =	vst v5;
	v9 =	vadd.f32 v9, v30;
	v0 =	vmul.f32 v4, v0  }
0x2c0: {  	v4 =	vadd.f32 v6, v32;
	v6 =	vmul.f32 s1, v20;
	v1 =	vmul.f32 v10, v1;
	[tilespmem:s19+$0xFFFFFFE0] =	vst v8  }
0x2c1: {  	v2 =	vmul.f32 v7, v2;
	v8 =	vmul.f32 s0, v21;
	[tilespmem:s19+$0x40] =	vst v9;
	v0 =	vadd.f32 v0, v30  }
0x2c2: {  	[tilespmem:s19+$0x60] =	vst v4;
	v3 =	vmul.f32 v6, v3;
	v1 =	vadd.f32 v1, v31  }
0x2c3: {  	v2 =	vadd.f32 v2, v32;
	v8 =	vmul.f32 v8, v55;
	[tilespmem:s19+$0x80] =	vst v0  }
0x2c4: {  	v0 =	vadd.f32 v3, v35;
	[tilespmem:s19+$0x90] =	vst v1  }
0x2c5: {  	[tilespmem:s19+$0xA0] =	vst v2;
	v8 =	vadd.f32 v8, v31  }
0x2c6: {  	[tilespmem:s19+$0xB0] =	vst v0  }
0x2c7: {  	[tilespmem:s19+$0x50] =	vst v8  }
0x2c8: {  	s1 =	sshll.u32 s16, $0xC;
	s2 =	rddreg [dreg:$0x8]  }
0x2c9: {  	s3 =	simm.s32 $0x17080;
	s0 =	sadd.s32 s1, s2  }
0x2ca: {  	[hbm4b:s0+s20] =	stream.strided.scatter [tilespmem:s3], [sflag:$0x3], $0x680, s21, s20, $0x38;
	[tilespmem:$0x1A480] =	vst v63  }
0x2cb: {  	s6 =	simm.s32 $0x17700;
	s5 =	sadd.s32 $0x200, s0  }
0x2cc: {  	[hbm4b:s5+s20] =	stream.strided.scatter [tilespmem:s6], [sflag:$0x3], $0x680, s21, s20, $0x38;
	[tilespmem:$0x1A480] =	vst v63  }
0x2cd: {  	s8 =	simm.s32 $0x17D80;
	s7 =	sadd.s32 $0x400, s0  }
0x2ce: {  	[hbm4b:s7+s20] =	stream.strided.scatter [tilespmem:s8], [sflag:$0x3], $0x680, s21, s20, $0x38;
	[tilespmem:$0x1A480] =	vst v63  }
0x2cf: {  	s10 =	simm.s32 $0x2;
	s9 =	simm.s32 $0x18400;
	s0 =	sadd.s32 $0x600, s0  }
0x2d0: {  	[hbm4b:s0+s20] =	stream.strided.scatter [tilespmem:s9], [sflag:$0x3], $0x680, s21, s20, $0x38;
	[tilespmem:$0x1A480] =	vst v63  }
0x2d1: {  	_ =	swait.ge [sflag:s10], $0x3400  }
0x2d2: {  	[sflag:s10] =	ssyncset.done $0x0  }
0x2d3: {  	p0 =	seq.s32 s16, $0xF;
	[sflag:s10] =	ssyncadd.s32 $0xFFFFCC00  }
0x2d4: {  	s2 =	simm.s32 @!p0 $0x68;
	_ =	swait.ge [sflag:s10], $0x3400  }
0x2d5: {  	s3 =	simm.s32 @!p0 $0xA080;
	s0 =	sshll.u32 @!p0 s16, $0x8;
	[sflag:s10] =	ssyncset.done $0x0  }
0x2d6: {  	s1 =	sadd.s32 @!p0 $0x8100, s0;
	s5 =	rddreg [dreg:$0x5];
	[sflag:s10] =	ssyncadd.s32 $0xFFFFCC00  }
0x2d7: {  	[tilespmem:s3], [sflag:$0x1] =	stream.indirect.gather @!p0 [hbm4b:s5+s2], $0x80, s1, s2, $0xb8;
	[tilespmem:$0x1A480] =	vst v63  }
0x2d8: {  	s11 =	simm.s32 $0x4;
	s0 =	sadd.s32 @!p0 $0x9100, s0;
	s1 =	simm.s32 @!p0 $0xD480  }
0x2d9: {  	[tilespmem:s1], [sflag:$0x1] =	stream.indirect.gather @!p0 [hbm4b:s5+s2], $0x80, s0, s2, $0xb8;
	[tilespmem:$0x1A480] =	vst v63  }
0x2da: {  	_ =	swait.ge [sflag:s11], $0x1A00  }
0x2db: {  	[sflag:s11] =	ssyncset.done $0x0  }
0x2dc: {  	s13 =	simm.s32 $0x10A80;
	[sflag:s11] =	ssyncadd.s32 $0xFFFFE600  }
0x2dd: {  	s15 =	simm.s32 $0x13EC0;
	v0 =	vld [tilespmem:s13+$0x180]  }
0x2de: {  	v1 =	vld [tilespmem:s15+$0x180]  }
0x2df: {  	v2 =	vld [tilespmem:s13+$0x190]  }
0x2e0: {  	v3 =	vld [tilespmem:s15+$0x190]  }
0x2e1: {  	v4 =	vld [tilespmem:s13+$0x1A0]  }
0x2e2: {  	v5 =	vld [tilespmem:s15+$0x1A0]  }
0x2e3: {  	v6 =	vld [tilespmem:s13+$0x1B0]  }
0x2e4: {  	v7 =	vld [tilespmem:s15+$0x1B0]  }
0x2e5: {  	v47 =	vld [tilespmem:s15+$0xFFFFFE00]  }
0x2e6: {  	v23 =	vld [tilespmem:s13+$0xFFFFFE10]  }
0x2e7: {  	v28 =	vld [tilespmem:s15+$0xFFFFFE10]  }
0x2e8: {  	v27 =	vld [tilespmem:s13+$0xFFFFFE20]  }
0x2e9: {  	v8 =	vld [tilespmem:s13+$0xFFFFFE90]  }
0x2ea: {  	v9 =	vld [tilespmem:s15+$0xFFFFFEB0]  }
0x2eb: {  	v10 =	vld [tilespmem:s13+$0xFFFFFF00]  }
0x2ec: {  	v11 =	vld [tilespmem:s15+$0xFFFFFF00];
	v45 =	vadd.f32 v1, v0;
	v50 =	vadd.f32 v3, v2  }
0x2ed: {  	v12 =	vld [tilespmem:s13+$0xFFFFFF10];
	v19 =	vadd.f32 v5, v4;
	v24 =	vadd.f32 v7, v6  }
0x2ee: {  	v46 =	vld [tilespmem:s15+$0xFFFFFF10];
	v0 =	vmul.f32 v45, v45;
	v1 =	vmul.f32 v50, v50  }
0x2ef: {  	v2 =	vld [tilespmem:s13+$0xFFFFFE80];
	v3 =	vmul.f32 v19, v19;
	v4 =	vmul.f32 v24, v24  }
0x2f0: {  	v7 =	vld [tilespmem:s15+$0xFFFFFE80];
	v5 =	vadd.f32 v50, v45;
	v6 =	vadd.f32 v24, v19  }
0x2f1: {  	v0 =	vadd.f32 v1, v0;
	v1 =	vadd.f32 v4, v3;
	v4 =	vld [tilespmem:s15+$0xFFFFFE90]  }
0x2f2: {  	v3 =	vadd.f32 v6, v5;
	v5 =	vld [tilespmem:s13+$0xFFFFFEA0]  }
0x2f3: {  	v6 =	vld [tilespmem:s13+$0xFFFFFEB0];
	v0 =	vadd.f32 v1, v0  }
0x2f4: {  	(xrf2) =	vadd.scan.msk.f32 $0xffff, v3;
	v3 =	vld [tilespmem:s15+$0xFFFFFEA0]  }
0x2f5: {  	v14 =	vld [tilespmem:s13+$0xFFFFFF20];
	(xrf2) =	vadd.scan.msk.f32 $0xffff, v0  }
0x2f6: {  	v15 =	vld [tilespmem:s15+$0xFFFFFF30]  }
0x2f7: {  	v17 =	vld [tilespmem:s13+$0xFFFFFF80]  }
0x2f8: {  	v29 =	vld [tilespmem:s15+$0xFFFFFF80];
	v1 =	vadd.f32 v7, v2;
	v2 =	vadd.f32 v4, v8  }
0x2f9: {  	v48 =	vld [tilespmem:s15+$0xFFFFFFA0];
	v0 =	vadd.f32 v3, v5;
	v5 =	vadd.f32 v9, v6  }
0x2fa: {  	v49 =	vld [tilespmem:s13+$0xFFFFFFB0]  }
0x2fb: {  	v6 =	vld [tilespmem:s13+$0xFFFFFF30];
	v7 =	vadd.f32 v2, v1;
	v16 =	vadd.f32 v5, v0  }
0x2fc: {  	v52 =	vld [tilespmem:s13+$0x20]  }
0x2fd: {  	v4 =	vld [tilespmem:s15+$0xFFFFFF20];
	v7 =	vadd.f32 v16, v7  }
0x2fe: {  	v54 =	vld [tilespmem:s15+$0x20];
	v26 =	vadd.f32 v11, v10;
	v3 =	vmul.f32 v1, v1;
	v9, _, _ =	vpop (xrf2)  }
0x2ff: {  	v31 =	vld [tilespmem:s15+$0x30];
	v8 =	vmul.f32 v2, v2;
	v18 =	vmul.f32 v0, v0;
	(v2sf) =	vpush v9, $0xF;
	(xrf2) =	vadd.scan.msk.f32 $0xffff, v7;
	v9, _, _ =	vpop (xrf2)  }
0x300: {  	v25 =	vadd.f32 v15, v6;
	v6 =	vld [tilespmem:s13+$0xFFFFFFA0];
	(v2sf) =	vpush v9, $0xF;
	v9 =	vmul.f32 v5, v5  }
0x301: {  	v8 =	vadd.f32 v8, v3;
	v3 =	vadd.f32 v46, v12;
	v16 =	vld [tilespmem:s15+$0xFFFFFFB0]  }
0x302: {  	v57 =	vld [tilespmem:s13+$0x80];
	v4 =	vadd.f32 v4, v14;
	v9 =	vadd.f32 v9, v18  }
0x303: {  	v10 =	vld [tilespmem:s13+$0xFFFFFF90];
	v51 =	vmul.f32 v26, v26;
	v15 =	vmul.f32 v3, v3;
	v7 =	vadd.f32 v3, v26  }
0x304: {  	v11 =	vld [tilespmem:s15+$0xFFFFFF90];
	v30 =	vmul.f32 v25, v25;
	v8 =	vadd.f32 v9, v8;
	v9 =	vadd.f32 v25, v4  }
0x305: {  	v59 =	vld [tilespmem:s13+$0xA0];
	v14 =	vadd.f32 v15, v51;
	v18 =	vmul.f32 v4, v4;
	v33 =	vadd.f32 v48, v6  }
0x306: {  	v15 =	vld [tilespmem:s15+$0x0];
	v6 =	vadd.f32 v16, v49;
	(xrf2) =	vadd.scan.msk.f32 $0xffff, v8;
	v8 =	vadd.f32 v9, v7  }
0x307: {  	v9 =	vld [tilespmem:s13+$0x0];
	v7 =	vadd.f32 v29, v17;
	v17 =	vadd.f32 v30, v18  }
0x308: {  	v63 =	vld [tilespmem:s15+$0xFFFFFE30];
	v34 =	vadd.f32 v54, v52;
	(xrf2) =	vadd.scan.msk.f32 $0xffff, v8  }
0x309: {  	v56 =	vmul.f32 v6, v6;
	v18 =	vld [tilespmem:s13+$0x10];
	v8 =	vadd.f32 v11, v10;
	v11 =	vadd.f32 v17, v14;
	v16, _, _ =	vpop (xrf2)  }
0x30a: {  	v17 =	vld [tilespmem:s13+$0x30];
	v29 =	vmul.f32 v7, v7;
	(v2sf) =	vpush v16, $0xF;
	v16 =	vmul.f32 v33, v33  }
0x30b: {  	v10 =	vld [tilespmem:s15+$0x10];
	v55 =	vadd.f32 v8, v7;
	(xrf2) =	vadd.scan.msk.f32 $0xffff, v11;
	v11 =	vadd.f32 v6, v33;
	v30 =	vmul.f32 v8, v8  }
0x30c: {  	v54 =	vld [tilespmem:s13+$0x120];
	v9 =	vadd.f32 v15, v9;
	v16 =	vadd.f32 v56, v16  }
0x30d: {  	v15 =	vld [tilespmem:s15+$0x80];
	v11 =	vadd.f32 v11, v55;
	v29 =	vadd.f32 v30, v29  }
0x30e: {  	v30 =	vld [tilespmem:s13+$0x90]  }
0x30f: {  	s17 =	spop (v2sf);
	v35 =	vadd.f32 v31, v17;
	v17 =	vld [tilespmem:s15+$0xA0];
	(xrf2) =	vadd.scan.msk.f32 $0xffff, v11;
	v58 =	vadd.f32 v16, v29  }
0x310: {  	v10 =	vadd.f32 v10, v18;
	s14 =	smul.f32 $1.562500000e-02, s17;
	v11 =	vld [tilespmem:s15+$0x90];
	s18 =	spop (v2sf)  }
0x311: {  	v38 =	vmul.f32 v34, v34;
	v61 =	vmul.f32 v9, v9;
	v29 =	vld [tilespmem:s15+$0xB0];
	v60 =	vadd.f32 v35, v34;
	s1 =	smul.f32 $1.562500000e-02, s18;
	v18, _, _ =	vpop (xrf2);
	(xrf2) =	vadd.scan.msk.f32 $0xffff, v58  }
0x312: {  	v36 =	vmul.f32 v10, v10;
	v62 =	vmul.f32 v35, v35;
	s19 =	smul.f32 s14, s14;
	(v2sf) =	vpush v18, $0xF;
	v18 =	vld [tilespmem:s13+$0xB0];
	v16, _, _ =	vpop (xrf2)  }
0x313: {  	v48 =	vld [tilespmem:s15+$0x100];
	(v2sf) =	vpush v16, $0xF;
	v16 =	vadd.f32 v10, v9  }
0x314: {  	v56 =	vld [tilespmem:s13+$0xFFFFFE00];
	v32 =	vadd.f32 v36, v61;
	v46 =	vadd.f32 v62, v38;
	s1 =	ssub.f32 s1, s19  }
0x315: {  	v31 =	vld [tilespmem:s15+$0xFFFFFE20];
	v40 =	vadd.f32 v11, v30;
	v12 =	vadd.f32 v60, v16  }
0x316: {  	v36 =	vadd.f32 v15, v57;
	v57 =	vld [tilespmem:s15+$0x130];
	v41 =	vadd.f32 v17, v59;
	s1 =	sadd.f32 $9.999999740e-06, s1  }
0x317: {  	v17 =	vld [tilespmem:s13+$0x110];
	v37, _, _ =	vpop (xrf2);
	v42 =	vadd.f32 v29, v18;
	v18 =	vmul.f32 v40, v40;
	(xrf2) =	vadd.scan.msk.f32 $0xffff, v12;
	v12 =	vadd.f32 v46, v32  }
0x318: {  	v11 =	vld [tilespmem:s13+$0x100];
	v15 =	vmul.f32 v36, v36;
	(v2sf) =	vpush v37, $0xF;
	s22 =	sshra.s32 s1, $0x1;
	s1 =	smul.f32 $5.000000000e-01, s1  }
0x319: {  	v16 =	vld [tilespmem:s13+$0xFFFFFE30];
	v51 =	vadd.f32 v40, v36;
	s3 =	ssub.s32 $0x5F3759DF, s22;
	v49, _, _ =	vpop (xrf2);
	v30 =	vadd.f32 v42, v41;
	(xrf2) =	vadd.scan.msk.f32 $0xffff, v12  }
0x31a: {  	v38 =	vadd.f32 v31, v27;
	v29 =	vld [tilespmem:s15+$0x110];
	s23 =	smul.f32 s3, s1;
	v15 =	vadd.f32 v18, v15  }
0x31b: {  	(v2sf) =	vpush v49, $0xF;
	v18, _, _ =	vpop (xrf2);
	v13 =	vadd.f32 v30, v51;
	v30 =	vld [tilespmem:s15+$0x120]  }
0x31c: {  	v52 =	vmul.f32 v41, v41;
	v55 =	vmul.f32 v42, v42;
	s5 =	smul.f32 s3, s23;
	(v2sf) =	vpush v18, $0xF;
	v18 =	vld [tilespmem:s13+$0x130]  }
0x31d: {  	v37 =	vadd.f32 v28, v23;
	v28 =	vadd.f32 v47, v56  }
0x31e: {  	s24 =	spop (v2sf);
	v47 =	vadd.f32 v48, v11;
	v12 =	vadd.f32 v55, v52;
	s5 =	ssub.f32 $1.500000000e+00, s5  }
0x31f: {  	v11 =	vadd.f32 v37, v28;
	s22 =	smul.f32 $1.562500000e-02, s24;
	v46 =	vadd.f32 v63, v16  }
0x320: {  	v59 =	vmul.f32 v38, v38;
	v60 =	vadd.f32 v29, v17;
	(xrf2) =	vadd.scan.msk.f32 $0xffff, v13;
	v12 =	vadd.f32 v12, v15;
	s3 =	smul.f32 s3, s5  }
0x321: {  	v32 =	vmul.f32 v47, v47;
	s25 =	smul.f32 s22, s22;
	v62 =	vadd.f32 v30, v54;
	v63 =	vadd.f32 v57, v18  }
0x322: {  	v17 =	vmul.f32 v28, v28;
	v58 =	vadd.f32 v46, v38;
	v14 =	vadd.f32 v60, v47;
	s26 =	smul.f32 s3, s1;
	s29 =	spop (v2sf);
	v15, _, _ =	vpop (xrf2);
	(xrf2) =	vadd.scan.msk.f32 $0xffff, v12  }
0x323: {  	v61 =	vmul.f32 v46, v46;
	s30 =	smul.f32 $1.562500000e-02, s29;
	(v2sf) =	vpush v15, $0xF;
	v16 =	vadd.f32 v63, v62;
	v15, _, _ =	vpop (xrf2)  }
0x324: {  	v11 =	vadd.f32 v58, v11;
	s2 =	smul.f32 s26, s3;
	s31 =	spop (v2sf);
	(v2sf) =	vpush v15, $0xF;
	v15 =	vmul.f32 v37, v37  }
0x325: {  	v44 =	vmul.f32 v62, v62;
	s15 =	smul.f32 $1.562500000e-02, s31;
	s0 =	ssub.f32 s30, s25;
	v39 =	vadd.f32 v16, v14;
	v16 =	vmul.f32 v60, v60  }
0x326: {  	(xrf2) =	vadd.scan.msk.f32 $0xffff, v11;
	v11 =	vadd.f32 v61, v59;
	s2 =	ssub.f32 $1.500000000e+00, s2;
	v15 =	vadd.f32 v15, v17;
	v17 =	vmul.f32 v63, v63  }
0x327: {  	s9 =	spop (v2sf);
	s7 =	smul.f32 s15, s15;
	v12 =	vadd.f32 v16, v32  }
0x328: {  	s0 =	sadd.f32 $9.999999740e-06, s0;
	s10 =	smul.f32 $1.562500000e-02, s9;
	v11 =	vadd.f32 v11, v15;
	v14 =	vadd.f32 v17, v44  }
0x329: {  	s3 =	smul.f32 s2, s3;
	(xrf2) =	vadd.scan.msk.f32 $0xffff, v39  }
0x32a: {  	v22 =	vmov v43;
	v43, _, _ =	vpop (xrf2);
	s2 =	smul.f32 $5.000000000e-01, s0;
	s0 =	sshra.s32 s0, $0x1;
	s17 =	ssub.f32 s10, s7;
	(xrf2) =	vadd.scan.msk.f32 $0xffff, v11;
	v11 =	vadd.f32 v14, v12  }
0x32b: {  	s1 =	smul.f32 s3, s1;
	s8 =	ssub.s32 $0x5F3759DF, s0  }
0x32c: {  	s18 =	smul.f32 s8, s2;
	s23 =	sadd.f32 $9.999999740e-06, s17;
	v48, _, _ =	vpop (xrf2);
	(xrf2) =	vadd.scan.msk.f32 $0xffff, v11  }
0x32d: {  	s11 =	smul.f32 s1, s3  }
0x32e: {  	s7 =	smul.f32 $5.000000000e-01, s23  }
0x32f: {  	s26 =	sshra.s32 s23, $0x1;
	s5 =	smul.f32 s8, s18;
	s18 =	simm.s32 $0x142C0  }
0x330: {  	s19 =	ssub.f32 $1.500000000e+00, s11;
	s11 =	ssub.s32 $0x5F3759DF, s26;
	v49 =	vld [tilespmem:s18+$0x180]  }
0x331: {  	s13 =	spop (v2sf);
	v54 =	vld [tilespmem:s18+$0x190];
	s6 =	smul.f32 s11, s7  }
0x332: {  	(v2sf) =	vpush v43, $0xF;
	s1 =	smul.f32 $1.562500000e-02, s13;
	v17 =	vld [tilespmem:s18+$0x1A0]  }
0x333: {  	(v2sf) =	vpush v48, $0xF;
	v18 =	vld [tilespmem:s18+$0x1B0];
	v11, _, _ =	vpop (xrf2);
	s10 =	smul.f32 s11, s6;
	s6 =	simm.s32 $0x10E80  }
0x334: {  	s25 =	spop (v2sf);
	(v2sf) =	vpush v11, $0xF;
	v11, _, _ =	vpop (xrf2);
	v52 =	vld [tilespmem:s6+$0x190]  }
0x335: {  	s24 =	smul.f32 s1, s1;
	s5 =	ssub.f32 $1.500000000e+00, s5;
	v15 =	vld [tilespmem:s6+$0x1A0];
	(v2sf) =	vpush v11, $0xF;
	v51, _, _ =	vpop (xrf2)  }
0x336: {  	s0 =	smul.f32 s19, s3;
	s29 =	spop (v2sf);
	v11 =	vld [tilespmem:s6+$0x180];
	(v2sf) =	vpush v51, $0xF;
	v16, _, _ =	vpop (xrf2)  }
0x337: {  	s23 =	smul.f32 s8, s5;
	s8 =	spop (v2sf);
	(v2sf) =	vpush v16, $0xF;
	v16 =	vld [tilespmem:s6+$0x1B0]  }
0x338: {  	s3 =	smul.f32 $1.562500000e-02, s25;
	_ =	sdelay $0x1  }
0x339: {  	s3 =	ssub.f32 s3, s24  }
0x33a: {  	s13 =	smul.f32 $1.562500000e-02, s29;
	v44 =	vadd.f32 v54, v52;
	v39 =	vadd.f32 v17, v15  }
0x33b: {  	s3 =	sadd.f32 $9.999999740e-06, s3;
	v43 =	vadd.f32 v49, v11;
	v29 =	vadd.f32 v18, v16  }
0x33c: {  	s30 =	smul.f32 s13, s13;
	v55 =	vmul.f32 v44, v44;
	v56 =	vmul.f32 v39, v39  }
0x33d: {  	s31 =	sshra.s32 s3, $0x1;
	s9 =	smul.f32 $5.000000000e-01, s3;
	v11 =	vmul.f32 v43, v43;
	v57 =	vmul.f32 v29, v29  }
0x33e: {  	v13 =	vld [tilespmem:s18+$0xFFFFFE10];
	s3 =	smul.f32 $1.562500000e-02, s8;
	s5 =	ssub.s32 $0x5F3759DF, s31;
	v15 =	vadd.f32 v44, v43;
	v16 =	vadd.f32 v29, v39  }
0x33f: {  	v12 =	vld [tilespmem:s18+$0xFFFFFE20];
	s24 =	smul.f32 s5, s9;
	v11 =	vadd.f32 v55, v11;
	v58 =	vadd.f32 v57, v56  }
0x340: {  	v61 =	vmov s22;
	v17 =	vld [tilespmem:s6+$0xFFFFFE10];
	s3 =	ssub.f32 s3, s30;
	s26 =	spop (v2sf);
	v59 =	vadd.f32 v16, v15  }
0x341: {  	v52 =	vsub.f32 v1, v61;
	v1 =	vld [tilespmem:s18+$0xFFFFFE30];
	s25 =	smul.f32 $1.562500000e-02, s26;
	v11 =	vadd.f32 v58, v11  }
0x342: {  	v32 =	vmov s1;
	s8 =	smul.f32 s5, s24;
	s3 =	sadd.f32 $9.999999740e-06, s3;
	v55 =	vsub.f32 v0, v61;
	v15 =	vld [tilespmem:s6+$0xFFFFFE20];
	(xrf2) =	vadd.scan.msk.f32 $0xffff, v59  }
0x343: {  	s30 =	ssub.f32 $1.500000000e+00, s10;
	s17 =	smul.f32 s25, s25;
	v16 =	vld [tilespmem:s6+$0xFFFFFE30];
	v56 =	vsub.f32 v2, v61;
	v57 =	vsub.f32 v5, v61;
	(xrf2) =	vadd.scan.msk.f32 $0xffff, v11;
	v11 =	vmov s15  }
0x344: {  	s10 =	smul.f32 $5.000000000e-01, s3;
	s29 =	spop (v2sf);
	v2 =	vld [tilespmem:s6+$0xFFFFFE80];
	v61 =	vsub.f32 v4, v11;
	v4 =	vsub.f32 v7, v32  }
0x345: {  	s31 =	sshra.s32 s3, $0x1;
	s19 =	smul.f32 $1.562500000e-02, s29;
	v5 =	vld [tilespmem:s18+$0xFFFFFE80];
	v7 =	vsub.f32 v8, v32  }
0x346: {  	s24 =	smul.f32 s11, s30;
	s8 =	ssub.f32 $1.500000000e+00, s8;
	s3 =	ssub.s32 $0x5F3759DF, s31;
	v59 =	vsub.f32 v3, v11;
	v3 =	vld [tilespmem:s6+$0xFFFFFE90];
	[tilespmem:$0x1FAC0] =	vst v4  }
0x347: {  	s26 =	smul.f32 s3, s10;
	s17 =	ssub.f32 s19, s17;
	v4 =	vld [tilespmem:s18+$0xFFFFFE90];
	[tilespmem:$0x1FAD0] =	vst v7;
	v7 =	vsub.f32 v33, v32  }
0x348: {  	v6 =	vsub.f32 v6, v32;
	s19 =	smul.f32 s5, s8;
	s30 =	spop (v2sf)  }
0x349: {  	s8 =	smul.f32 $1.562500000e-02, s30;
	[tilespmem:$0x1FB00] =	vst v7;
	v7 =	vmov s13  }
0x34a: {  	s29 =	sadd.f32 $9.999999740e-06, s17;
	s17 =	smul.f32 s3, s26;
	v8 =	vld [tilespmem:s6+$0xFFFFFEA0];
	[tilespmem:$0x1FB10] =	vst v6;
	v6 =	vsub.f32 v9, v7  }
0x34b: {  	s31 =	spop (v2sf);
	s28 =	smul.f32 s8, s8;
	v9 =	vsub.f32 v10, v7  }
0x34c: {  	s26 =	smul.f32 $1.562500000e-02, s31;
	[tilespmem:$0x1FB20] =	vst v6  }
0x34d: {  	v0 =	vmov s14;
	s11 =	smul.f32 $5.000000000e-01, s29;
	s5 =	sshra.s32 s29, $0x1;
	v6 =	vld [tilespmem:s18+$0xFFFFFEA0];
	[tilespmem:$0x1FB30] =	vst v9;
	v9 =	vsub.f32 v34, v7  }
0x34e: {  	v48 =	vsub.f32 v24, v0;
	s5 =	ssub.s32 $0x5F3759DF, s5;
	s30 =	smul.f32 s26, s26;
	v7 =	vsub.f32 v35, v7  }
0x34f: {  	v27 =	vsub.f32 v45, v0;
	v30 =	vsub.f32 v50, v0;
	s29 =	smul.f32 s5, s11;
	s31 =	spop (v2sf);
	v10, _, _ =	vpop (xrf2);
	[tilespmem:$0x1FB40] =	vst v9  }
0x350: {  	s17 =	ssub.f32 $1.500000000e+00, s17;
	s31 =	smul.f32 $1.562500000e-02, s31;
	v32 =	vsub.f32 v19, v0;
	v0 =	vmov s25;
	(v2sf) =	vpush v10, $0xF;
	v10, _, _ =	vpop (xrf2);
	v9 =	vld [tilespmem:s6+$0xFFFFFEB0];
	[tilespmem:$0x1FB50] =	vst v7  }
0x351: {  	s22 =	smul.f32 s5, s29;
	(v2sf) =	vpush v10, $0xF;
	v10 =	vsub.f32 v36, v0;
	v7 =	vld [tilespmem:s18+$0xFFFFFEB0]  }
0x352: {  	s14 =	smul.f32 s3, s17;
	v54 =	vsub.f32 v26, v11;
	v58 =	vsub.f32 v25, v11;
	s29 =	ssub.f32 s31, s28;
	v11 =	vld [tilespmem:s6+$0xFFFFFF00]  }
0x353: {  	s28 =	spop (v2sf);
	s22 =	ssub.f32 $1.500000000e+00, s22;
	v14 =	vld [tilespmem:s18+$0xFFFFFF00];
	[tilespmem:$0x1FB60] =	vst v10;
	v10 =	vsub.f32 v40, v0  }
0x354: {  	s28 =	smul.f32 $1.562500000e-02, s28  }
0x355: {  	s31 =	sadd.f32 $9.999999740e-06, s29;
	s15 =	smul.f32 s5, s22;
	[tilespmem:$0x1FB70] =	vst v10;
	v10 =	vsub.f32 v41, v0;
	v0 =	vsub.f32 v42, v0  }
0x356: {  	s17 =	ssub.f32 s28, s30;
	s28 =	smul.f32 s23, s2  }
0x357: {  	s5 =	smul.f32 s14, s10;
	v18 =	vld [tilespmem:s6+$0xFFFFFF10];
	[tilespmem:$0x1FB90] =	vst v0;
	v0 =	vmov s8  }
0x358: {  	s22 =	sshra.s32 s31, $0x1;
	s30 =	smul.f32 $5.000000000e-01, s31;
	v31 =	vsub.f32 v28, v0;
	v49 =	vsub.f32 v37, v0  }
0x359: {  	s3 =	ssub.s32 $0x5F3759DF, s22;
	s1 =	sadd.f32 $9.999999740e-06, s17;
	s5 =	smul.f32 s5, s14;
	[tilespmem:$0x1FB80] =	vst v10;
	v51 =	vsub.f32 v38, v0;
	v45 =	vsub.f32 v46, v0;
	v0 =	vmov s26  }
0x35a: {  	s29 =	smul.f32 s3, s30;
	v25 =	vld [tilespmem:s18+$0xFFFFFF10];
	v10 =	vsub.f32 v60, v0  }
0x35b: {  	s22 =	smul.f32 $5.000000000e-01, s1;
	v36 =	vld [tilespmem:s6+$0xFFFFFF20]  }
0x35c: {  	s31 =	sshra.s32 s1, $0x1;
	s17 =	smul.f32 s3, s29;
	v37 =	vld [tilespmem:s18+$0xFFFFFF20];
	[tilespmem:$0x1FBA0] =	vst v10;
	v10 =	vsub.f32 v62, v0  }
0x35d: {  	s29 =	ssub.s32 $0x5F3759DF, s31;
	s31 =	smul.f32 s24, s7;
	v46 =	vsub.f32 v47, v0;
	v0 =	vsub.f32 v63, v0  }
0x35e: {  	s13 =	smul.f32 s29, s22;
	v38 =	vld [tilespmem:s6+$0xFFFFFF30];
	[tilespmem:$0x1FBB0] =	vst v10  }
0x35f: {  	s1 =	ssub.f32 $1.500000000e+00, s17;
	s17 =	smul.f32 s31, s24;
	[tilespmem:$0x1FBC0] =	vst v0  }
0x360: {  	s13 =	smul.f32 s29, s13;
	v0 =	vld [tilespmem:s18+$0xFFFFFF30]  }
0x361: {  	s3 =	smul.f32 s3, s1;
	v41 =	vadd.f32 v1, v16;
	v1 =	vld [tilespmem:s6+$0xFFFFFF80]  }
0x362: {  	v23 =	vadd.f32 v6, v8;
	s25 =	ssub.f32 $1.500000000e+00, s13;
	s13 =	smul.f32 s15, s11;
	v10 =	vadd.f32 v4, v3;
	v4 =	vld [tilespmem:s18+$0xFFFFFF80]  }
0x363: {  	v19 =	vadd.f32 v5, v2;
	s8 =	smul.f32 s19, s9;
	v47 =	vadd.f32 v12, v15;
	v5 =	vld [tilespmem:s6+$0xFFFFFF90]  }
0x364: {  	v42 =	vadd.f32 v13, v17;
	s26 =	smul.f32 s3, s30;
	v26 =	vadd.f32 v7, v9;
	v15 =	vmul.f32 v23, v23;
	v6 =	vld [tilespmem:s18+$0xFFFFFF90]  }
0x365: {  	s1 =	smul.f32 s29, s25;
	v24 =	vadd.f32 v14, v11;
	v2 =	vmul.f32 v47, v47;
	v3 =	vmul.f32 v41, v41;
	v40 =	vld [tilespmem:s6+$0xFFFFFFA0]  }
0x366: {  	s25 =	smul.f32 s26, s3;
	v8 =	vadd.f32 v26, v23;
	v16 =	vmul.f32 v26, v26;
	v25 =	vadd.f32 v25, v18;
	v50 =	vld [tilespmem:s18+$0xFFFFFFA0]  }
0x367: {  	s29 =	smul.f32 s28, s23;
	v11 =	vld [tilespmem:s18+$0xFFFFFFB0];
	v28 =	vadd.f32 v3, v2;
	v2 =	vmul.f32 v19, v19;
	v3 =	vmul.f32 v10, v10  }
0x368: {  	s28 =	smul.f32 s1, s22;
	s25 =	ssub.f32 $1.500000000e+00, s25;
	v62 =	vadd.f32 v16, v15;
	v15 =	vld [tilespmem:s18+$0x0];
	v7 =	vadd.f32 v10, v19  }
0x369: {  	s31 =	ssub.f32 $1.500000000e+00, s29;
	s8 =	smul.f32 s8, s19;
	v34 =	vld [tilespmem:s18+$0x10];
	v16 =	vadd.f32 v25, v24;
	v17 =	vadd.f32 v3, v2  }
0x36a: {  	s17 =	ssub.f32 $1.500000000e+00, s17;
	s26 =	smul.f32 s25, s3;
	v63 =	vld [tilespmem:s6+$0x30];
	v7 =	vadd.f32 v8, v7;
	v3 =	vadd.f32 v37, v36  }
0x36b: {  	s25 =	smul.f32 s31, s23;
	v18 =	vmul.f32 v25, v25;
	v8 =	vld [tilespmem:s6+$0xFFFFFFB0];
	v9 =	vadd.f32 v0, v38;
	v14 =	vadd.f32 v62, v17  }
0x36c: {  	s23 =	smul.f32 s17, s24;
	s31 =	spop (v2sf);
	v13 =	vld [tilespmem:s6+$0x80];
	(xrf2) =	vadd.scan.msk.f32 $0xffff, v7;
	v0 =	vmul.f32 v24, v24;
	v60 =	vadd.f32 v4, v1;
	v62 =	vadd.f32 v6, v5  }
0x36d: {  	s24 =	smul.f32 $1.562500000e-02, s31;
	s17 =	spop (v2sf);
	v7 =	vld [tilespmem:s6+$0x0];
	v1 =	vmul.f32 v3, v3;
	v33 =	vadd.f32 v9, v3;
	v4 =	vmul.f32 v9, v9  }
0x36e: {  	s3 =	smul.f32 $1.562500000e-02, s17;
	v36 =	vld [tilespmem:s6+$0x90];
	v6 =	vadd.f32 v18, v0;
	v18 =	vmul.f32 v62, v62  }
0x36f: {  	s5 =	ssub.f32 $1.500000000e+00, s5;
	s29 =	smul.f32 s24, s24;
	v5 =	vld [tilespmem:s6+$0x20];
	(xrf2) =	vadd.scan.msk.f32 $0xffff, v14;
	v0 =	vadd.f32 v33, v16;
	v4 =	vadd.f32 v4, v1;
	v16 =	vmul.f32 v60, v60  }
0x370: {  	s8 =	ssub.f32 $1.500000000e+00, s8;
	s31 =	smul.f32 s28, s1;
	v2 =	vadd.f32 v50, v40;
	v14 =	vld [tilespmem:s18+$0x20];
	v1 =	vadd.f32 v11, v8  }
0x371: {  	s13 =	smul.f32 s13, s15;
	s3 =	ssub.f32 s3, s29;
	v8 =	vld [tilespmem:s18+$0x30];
	v11 =	vadd.f32 v4, v6;
	v40 =	vadd.f32 v18, v16  }
0x372: {  	v17 =	vld [tilespmem:s6+$0x10];
	s29 =	smul.f32 s5, s14;
	s14 =	ssub.f32 $1.500000000e+00, s31;
	v4 =	vadd.f32 v15, v7;
	v15 =	vmul.f32 v2, v2;
	v50 =	vmul.f32 v1, v1  }
0x373: {  	s28 =	smul.f32 s8, s19;
	v37 =	vld [tilespmem:s18+$0x90];
	s17 =	sadd.f32 $9.999999740e-06, s3;
	(xrf2) =	vadd.scan.msk.f32 $0xffff, v0;
	v6 =	vadd.f32 v62, v60;
	v16 =	vadd.f32 v1, v2  }
0x374: {  	s13 =	ssub.f32 $1.500000000e+00, s13;
	s14 =	smul.f32 s14, s1;
	v33 =	vld [tilespmem:s6+$0xB0];
	v15 =	vadd.f32 v50, v15  }
0x375: {  	s8 =	sshra.s32 s17, $0x1;
	s1 =	smul.f32 $5.000000000e-01, s17;
	v18 =	vld [tilespmem:s18+$0x80];
	v5 =	vadd.f32 v14, v5;
	v16 =	vadd.f32 v16, v6  }
0x376: {  	s19 =	smul.f32 s13, s15;
	s5 =	ssub.s32 $0x5F3759DF, s8;
	v6 =	vadd.f32 v8, v63;
	v8 =	vld [tilespmem:s18+$0xA0];
	v7, _, _ =	vpop (xrf2);
	v12 =	vadd.f32 v15, v40  }
0x377: {  	s13 =	smul.f32 s5, s1;
	v40 =	vld [tilespmem:s18+$0xB0];
	(v2sf) =	vpush v7, $0xF;
	v7 =	vadd.f32 v34, v17  }
0x378: {  	v63 =	vmul.f32 v4, v4;
	v17 =	vld [tilespmem:s6+$0xA0]  }
0x379: {  	(xrf2) =	vadd.scan.msk.f32 $0xffff, v11;
	s8 =	smul.f32 s5, s13;
	v38 =	vadd.f32 v6, v5;
	v11, _, _ =	vpop (xrf2);
	v15 =	vmul.f32 v7, v7;
	v34 =	vadd.f32 v7, v4  }
0x37a: {  	v35 =	vld [tilespmem:s18+$0x100];
	(xrf2) =	vadd.scan.msk.f32 $0xffff, v16;
	(v2sf) =	vpush v11, $0xF  }
0x37b: {  	s2 =	smul.f32 s25, s2;
	v14 =	vld [tilespmem:s6+$0x100];
	s8 =	ssub.f32 $1.500000000e+00, s8;
	v50 =	vmul.f32 v6, v6;
	(xrf2) =	vadd.scan.msk.f32 $0xffff, v12;
	v11 =	vadd.f32 v15, v63;
	v12 =	vadd.f32 v38, v34  }
0x37c: {  	s7 =	smul.f32 s23, s7;
	v15 =	vmul.f32 v5, v5;
	v63 =	vadd.f32 v18, v13;
	v13 =	vld [tilespmem:s6+$0x110];
	v38 =	vadd.f32 v37, v36  }
0x37d: {  	s5 =	smul.f32 s5, s8;
	v37 =	vadd.f32 v40, v33;
	v36 =	vld [tilespmem:s6+$0x130];
	v16, _, _ =	vpop (xrf2);
	v8 =	vadd.f32 v8, v17  }
0x37e: {  	s9 =	smul.f32 s28, s9;
	(v2sf) =	vpush v16, $0xF;
	v15 =	vadd.f32 v50, v15;
	(xrf2) =	vadd.scan.msk.f32 $0xffff, v12;
	v12 =	vld [tilespmem:s18+$0x110]  }
0x37f: {  	s17 =	smul.f32 s5, s1;
	v40 =	vld [tilespmem:s6+$0xFFFFFE00];
	v17 =	vmul.f32 v63, v63;
	v18 =	vadd.f32 v38, v63;
	v33 =	vmul.f32 v38, v38  }
0x380: {  	s15 =	smul.f32 s14, s22;
	v16 =	vld [tilespmem:s6+$0x120];
	v0 =	vmul.f32 v37, v37;
	v34 =	vmul.f32 v8, v8;
	v50 =	vadd.f32 v37, v8  }
0x381: {  	s22 =	smul.f32 s17, s5;
	v11 =	vadd.f32 v15, v11;
	v15 =	vadd.f32 v33, v17;
	v17 =	vld [tilespmem:s18+$0x120]  }
0x382: {  	s11 =	smul.f32 s19, s11;
	v18 =	vadd.f32 v50, v18;
	v0 =	vadd.f32 v0, v34;
	v50 =	vld [tilespmem:s18+$0x130]  }
0x383: {  	s2 =	smul.f32 s2, s25;
	s6 =	ssub.f32 $1.500000000e+00, s22;
	v34 =	vadd.f32 v35, v14;
	(xrf2) =	vadd.scan.msk.f32 $0xffff, v11;
	v11 =	vld [tilespmem:s18+$0xFFFFFE00];
	v35 =	vadd.f32 v12, v13;
	v12, _, _ =	vpop (xrf2)  }
0x384: {  	s7 =	smul.f32 s7, s23;
	(v2sf) =	vpush v12, $0xF;
	v12, _, _ =	vpop (xrf2)  }
0x385: {  	s5 =	smul.f32 s6, s5;
	(xrf2) =	vadd.scan.msk.f32 $0xffff, v18;
	v0 =	vadd.f32 v0, v15;
	(v2sf) =	vpush v12, $0xF  }
0x386: {  	s31 =	smul.f32 s26, s30;
	v12, _, _ =	vpop (xrf2);
	v14 =	vmul.f32 v35, v35;
	v15 =	vadd.f32 v17, v16;
	[tilespmem:$0x1F9F0] =	vst v35;
	v35 =	vadd.f32 v35, v34  }
0x387: {  	s1 =	smul.f32 s5, s1;
	(xrf2) =	vadd.scan.msk.f32 $0xffff, v0;
	v0 =	vmul.f32 s0, v20;
	v17 =	vadd.f32 v41, v47;
	(v2sf) =	vpush v12, $0xF  }
0x388: {  	s3 =	smul.f32 s31, s26;
	v13 =	vmul.f32 v34, v34;
	v16 =	vadd.f32 v50, v36;
	v40 =	vadd.f32 v11, v40;
	v36, _, _ =	vpop (xrf2)  }
0x389: {  	s1 =	smul.f32 s1, s5;
	v48 =	vmul.f32 v0, v48;
	v0 =	vmul.f32 s0, v53;
	(v2sf) =	vpush v36, $0xF  }
0x38a: {  	s31 =	smul.f32 s11, s19;
	s17 =	ssub.f32 $1.500000000e+00, s7;
	[tilespmem:$0x1FA00] =	vst v15;
	v36 =	vmul.f32 v15, v15;
	v15 =	vadd.f32 v16, v15;
	v18 =	vadd.f32 v42, v40  }
0x38b: {  	s11 =	smul.f32 s15, s14;
	[tilespmem:$0x1F9E0] =	vst v34;
	v12 =	vadd.f32 v14, v13;
	v11 =	vmul.f32 v42, v42;
	s15 =	ssub.f32 $1.500000000e+00, s1;
	v34 =	vmul.f32 v40, v40  }
0x38c: {  	s8 =	smul.f32 s17, s23;
	v13 =	vadd.f32 v15, v35;
	v15 =	vmul.f32 v0, v27;
	v0 =	vadd.f32 v17, v18  }
0x38d: {  	s23 =	spop (v2sf);
	[tilespmem:$0x1FA10] =	vst v16;
	v16 =	vmul.f32 v16, v16;
	s7 =	smul.f32 s15, s5  }
0x38e: {  	s3 =	ssub.f32 $1.500000000e+00, s3;
	s5 =	smul.f32 $1.562500000e-02, s23;
	v11 =	vadd.f32 v11, v34;
	v17, _, _ =	vpop (xrf2);
	(xrf2) =	vadd.scan.msk.f32 $0xffff, v0;
	v0 =	vmul.f32 s0, v22  }
0x38f: {  	s10 =	smul.f32 s29, s10;
	v50 =	vmov s24;
	v14 =	vadd.f32 v16, v36  }
0x390: {  	s3 =	smul.f32 s3, s26;
	v34 =	vmul.f32 v0, v32;
	v0 =	vadd.f32 v28, v11;
	v11 =	vmov s5  }
0x391: {  	s9 =	smul.f32 s9, s28;
	s2 =	ssub.f32 $1.500000000e+00, s2;
	v16 =	vmul.f32 s0, v21;
	v27 =	vadd.f32 v14, v12;
	v10 =	vsub.f32 v10, v11  }
0x392: {  	s30 =	smul.f32 s10, s29;
	v36 =	vmul.f32 s3, v53;
	(v2sf) =	vpush v17, $0xF;
	v35, _, _ =	vpop (xrf2);
	v12 =	vsub.f32 v29, v50  }
0x393: {  	s1 =	smul.f32 s2, s25;
	s26 =	spop (v2sf);
	v18 =	vmul.f32 v16, v30;
	(v2sf) =	vpush v35, $0xF;
	[tilespmem:$0x1FA30] =	vst v10;
	v10 =	vsub.f32 v23, v11  }
0x394: {  	s25 =	ssub.f32 $1.500000000e+00, s30;
	v17 =	vmul.f32 s7, v20;
	s30 =	spop (v2sf);
	v32 =	vsub.f32 v19, v11;
	v11 =	vsub.f32 v26, v11  }
0x395: {  	s22 =	ssub.f32 $1.500000000e+00, s9;
	v35 =	vmul.f32 s3, v21;
	(xrf2) =	vadd.scan.msk.f32 $0xffff, v13;
	s9 =	smul.f32 $1.562500000e-02, s30;
	v16, _, _ =	vpop (xrf2);
	[tilespmem:$0x1FA40] =	vst v10;
	v10 =	vmul.f32 s3, v22  }
0x396: {  	(v2sf) =	vpush v16, $0xF;
	v16 =	vmul.f32 v17, v12;
	[tilespmem:$0x1FA50] =	vst v11;
	v11 =	vmul.f32 s1, v53  }
0x397: {  	s10 =	ssub.f32 $1.500000000e+00, s31;
	v12 =	vmul.f32 v36, v31;
	v17 =	vmul.f32 v10, v51;
	v10 =	vmov s9  }
0x398: {  	v36 =	vmul.f32 s3, v20;
	s31 =	spop (v2sf);
	v13 =	vmul.f32 v11, v52;
	v11 =	vsub.f32 v24, v10  }
0x399: {  	s2 =	smul.f32 s10, s19;
	v49 =	vmul.f32 v35, v49;
	(xrf2) =	vadd.scan.msk.f32 $0xffff, v0;
	s17 =	spop (v2sf);
	v3 =	vsub.f32 v3, v10  }
0x39a: {  	v14 =	vmul.f32 v36, v45;
	s10 =	smul.f32 $1.562500000e-02, s17;
	v9 =	vsub.f32 v9, v10;
	v19, _, _ =	vpop (xrf2);
	(xrf2) =	vadd.scan.msk.f32 $0xffff, v27;
	[tilespmem:$0x1FA60] =	vst v11  }
0x39b: {  	v52 =	vsub.f32 v25, v10;
	v10 =	vmul.f32 s8, v53;
	[tilespmem:$0x1FA70] =	vst v3;
	v3 =	vmul.f32 s1, v21  }
0x39c: {  	v33 =	vld [tilespmem:$0x1FF30];
	s19 =	spop (v2sf);
	v0 =	vmov s10;
	v11 =	vmul.f32 s1, v22;
	[tilespmem:$0x1FA80] =	vst v9;
	v9 =	vmul.f32 s1, v20  }
0x39d: {  	s6 =	smul.f32 s22, s28;
	v30 =	vld [tilespmem:$0x1FF00];
	v24 =	vsub.f32 v43, v50;
	(v2sf) =	vpush v19, $0xF;
	s23 =	spop (v2sf);
	v35 =	vmul.f32 v3, v56  }
0x39e: {  	v31 =	vld [tilespmem:$0x1FF10];
	s24 =	smul.f32 $1.562500000e-02, s23;
	v36 =	vmul.f32 v11, v55;
	v23 =	vmul.f32 v9, v57;
	v3 =	vsub.f32 v60, v0  }
0x39f: {  	[tilespmem:$0x1FA20] =	vst v32;
	v32 =	vld [tilespmem:$0x1FF20];
	s22 =	smul.f32 $1.562500000e-02, s19;
	v11 =	vmul.f32 v10, v54;
	v9 =	vmul.f32 s8, v20;
	v57 =	vsub.f32 v1, v0;
	v1, _, _ =	vpop (xrf2)  }
0x3a0: {  	v45 =	vld [tilespmem:$0x1FB50];
	s10 =	smul.f32 s10, s10;
	v10 =	vmov s24;
	(v2sf) =	vpush v1, $0xF;
	[tilespmem:$0x1FA90] =	vst v3;
	v3 =	vsub.f32 v62, v0  }
0x3a1: {  	v51 =	vsub.f32 v5, v10;
	v5 =	vsub.f32 v6, v10;
	v1 =	vmul.f32 v9, v58;
	v9 =	vld [tilespmem:$0x1FAC0]  }
0x3a2: {  	v25 =	vsub.f32 v44, v50;
	v43 =	vld [tilespmem:$0x1FB30];
	v2 =	vsub.f32 v2, v0;
	s10 =	ssub.f32 s22, s10;
	[tilespmem:$0x1FAA0] =	vst v3;
	v3 =	vmul.f32 s8, v21  }
0x3a3: {  	v19 =	vmul.f32 s6, v22;
	v7 =	vsub.f32 v7, v10;
	v58 =	vsub.f32 v4, v10;
	[tilespmem:$0x1FAF0] =	vst v5;
	v5 =	vld [tilespmem:$0x1FB00];
	v10, _, _ =	vpop (xrf2)  }
0x3a4: {  	v44 =	vld [tilespmem:$0x1FB40];
	s30 =	sadd.f32 $9.999999740e-06, s10;
	s19 =	spop (v2sf);
	(v2sf) =	vpush v10, $0xF;
	v0 =	vmul.f32 v3, v59;
	v3 =	vmul.f32 s6, v53;
	v28, _, _ =	vpop (xrf2)  }
0x3a5: {  	v62 =	vmul.f32 s6, v20;
	(v2sf) =	vpush v28, $0xF;
	v28 =	vadd.f32 v48, v33;
	v48 =	vld [tilespmem:$0x1FB60]  }
0x3a6: {  	s3 =	smul.f32 $1.562500000e-02, s31;
	[tilespmem:$0x1FAB0] =	vst v2;
	v4 =	vld [tilespmem:$0x1FAD0];
	v3 =	vmul.f32 v3, v9;
	v9 =	vmul.f32 s6, v21;
	s6 =	sshra.s32 s30, $0x1  }
0x3a7: {  	v15 =	vadd.f32 v15, v30;
	s31 =	smul.f32 s24, s24;
	[tilespmem:$0x1FAE0] =	vst v7;
	v10 =	vld [tilespmem:$0x1FB20];
	s24 =	ssub.s32 $0x5F3759DF, s6;
	s6 =	simm.s32 $0x18B80  }
0x3a8: {  	v29 =	vmul.f32 s2, v53;
	v18 =	vadd.f32 v18, v31;
	v6 =	vmul.f32 v19, v5;
	v5 =	vld [tilespmem:$0x1FB10];
	[tilespmem:s6+$0xF0] =	vst v28  }
0x3a9: {  	s15 =	smul.f32 $1.562500000e-02, s26;
	[tilespmem:s6+$0xC0] =	vst v15  }
0x3aa: {  	s5 =	smul.f32 s5, s5;
	s22 =	spop (v2sf);
	v60 =	vmul.f32 v29, v48;
	v29 =	vld [tilespmem:$0x1FF00];
	[tilespmem:s6+$0xD0] =	vst v18  }
0x3ab: {  	s17 =	smul.f32 $1.562500000e-02, s22;
	v18 =	vld [tilespmem:$0x1FB70]  }
0x3ac: {  	s5 =	ssub.f32 s15, s5  }
0x3ad: {  	s11 =	ssub.f32 $1.500000000e+00, s11;
	s9 =	smul.f32 s9, s9;
	v27 =	vsub.f32 v39, v50;
	v50 =	vadd.f32 v34, v32;
	v30 =	vmov s17  }
0x3ae: {  	s5 =	sadd.f32 $9.999999740e-06, s5;
	v56 =	vsub.f32 v8, v30;
	v8 =	vmul.f32 s2, v21  }
0x3af: {  	s0 =	smul.f32 s25, s29;
	s3 =	ssub.f32 s3, s9;
	[tilespmem:s6+$0xE0] =	vst v50  }
0x3b0: {  	s9 =	smul.f32 $5.000000000e-01, s5;
	s5 =	sshra.s32 s5, $0x1;
	v5 =	vmul.f32 v62, v5;
	v62 =	vmul.f32 v8, v18;
	v18 =	vld [tilespmem:$0x1FB80]  }
0x3b1: {  	s1 =	smul.f32 s11, s14;
	s5 =	ssub.s32 $0x5F3759DF, s5;
	s3 =	sadd.f32 $9.999999740e-06, s3  }
0x3b2: {  	s26 =	smul.f32 s5, s9  }
0x3b3: {  	v16 =	vadd.f32 v16, v33;
	s11 =	smul.f32 $5.000000000e-01, s3;
	v15 =	vmul.f32 s2, v22  }
0x3b4: {  	v2 =	vmul.f32 s8, v22;
	s25 =	sshra.s32 s3, $0x1;
	s15 =	smul.f32 $1.562500000e-02, s19;
	s19 =	simm.s32 $0x18D80;
	v12 =	vadd.f32 v12, v29  }
0x3b5: {  	s3 =	smul.f32 s5, s26;
	s8 =	ssub.s32 $0x5F3759DF, s25;
	v59 =	vsub.f32 v63, v30;
	[tilespmem:s19+$0xF0] =	vst v16;
	v63 =	vmul.f32 v15, v18;
	v18 =	vadd.f32 v49, v31  }
0x3b6: {  	s29 =	smul.f32 s8, s11;
	v16 =	vld [tilespmem:$0x1FB90];
	[tilespmem:s6+$0xFFFFFF00] =	vst v12  }
0x3b7: {  	s14 =	smul.f32 $5.000000000e-01, s30;
	[tilespmem:s6+$0xFFFFFF10] =	vst v18  }
0x3b8: {  	v34 =	vadd.f32 v17, v32;
	v7 =	vmul.f32 s0, v53;
	s13 =	ssub.f32 s15, s31;
	s10 =	smul.f32 s8, s29;
	v17 =	vld [tilespmem:$0x1FBA0]  }
0x3b9: {  	s29 =	smul.f32 s17, s17;
	v19 =	vmul.f32 s0, v22;
	s30 =	spop (v2sf)  }
0x3ba: {  	s23 =	ssub.f32 $1.500000000e+00, s3;
	v10 =	vmul.f32 v7, v10;
	v7 =	vmul.f32 s0, v20;
	s17 =	smul.f32 $1.562500000e-02, s30  }
0x3bb: {  	s13 =	sadd.f32 $9.999999740e-06, s13;
	v4 =	vmul.f32 v9, v4;
	s25 =	smul.f32 s24, s14;
	v15 =	vmul.f32 s1, v21  }
0x3bc: {  	v9 =	vmul.f32 s0, v21;
	v19 =	vmul.f32 v19, v44;
	s0 =	smul.f32 s5, s23  }
0x3bd: {  	s31 =	sshra.s32 s13, $0x1;
	v28 =	vmul.f32 s2, v20;
	s2 =	smul.f32 $5.000000000e-01, s13;
	v44 =	vmul.f32 v15, v17;
	v15 =	vld [tilespmem:$0x1FBB0];
	[tilespmem:s6+$0xFFFFFF20] =	vst v34  }
0x3be: {  	v2 =	vmul.f32 v2, v61;
	s10 =	ssub.f32 $1.500000000e+00, s10;
	s26 =	smul.f32 s24, s25;
	s25 =	ssub.s32 $0x5F3759DF, s31;
	v12 =	vld [tilespmem:$0x1FBC0]  }
0x3bf: {  	v55 =	vsub.f32 v38, v30;
	v38 =	vmul.f32 s7, v21;
	s17 =	ssub.f32 s17, s29;
	s22 =	smul.f32 s25, s2;
	v8 =	vmul.f32 s1, v53  }
0x3c0: {  	v14 =	vadd.f32 v14, v33;
	v7 =	vmul.f32 v7, v45;
	s23 =	smul.f32 s8, s10;
	v9 =	vmul.f32 v9, v43;
	s5 =	ssub.f32 $1.500000000e+00, s26  }
0x3c1: {  	v39 =	vadd.f32 v35, v31;
	s30 =	spop (v2sf);
	s29 =	smul.f32 s25, s22;
	v46 =	vmul.f32 v8, v46;
	v8 =	vmul.f32 s1, v20  }
0x3c2: {  	v54 =	vsub.f32 v37, v30;
	s26 =	sadd.f32 $9.999999740e-06, s17;
	s24 =	smul.f32 s24, s5;
	v45 =	vmul.f32 v28, v16;
	v16 =	vmul.f32 s1, v22  }
0x3c3: {  	s5 =	smul.f32 $1.562500000e-02, s30;
	v37 =	vadd.f32 v13, v29;
	v43 =	vmul.f32 v8, v12;
	v8 =	vmul.f32 s7, v53  }
0x3c4: {  	v48 =	vadd.f32 v23, v33;
	s22 =	smul.f32 $5.000000000e-01, s26;
	v11 =	vadd.f32 v11, v29;
	[tilespmem:s6+$0xFFFFFF30] =	vst v14;
	v49 =	vmul.f32 v16, v15  }
0x3c5: {  	s31 =	spop (v2sf);
	s13 =	smul.f32 s5, s5;
	s1 =	sshra.s32 s26, $0x1;
	[tilespmem:s6+$0xFFFFFF40] =	vst v37;
	v15 =	vadd.f32 v36, v32;
	v61 =	vmul.f32 v8, v24;
	v8 =	vmov s5  }
0x3c6: {  	v50 =	vmul.f32 s7, v22;
	s1 =	ssub.s32 $0x5F3759DF, s1;
	[tilespmem:s6+$0xFFFFFF50] =	vst v39;
	s5 =	smul.f32 $1.562500000e-02, s31;
	v23 =	vsub.f32 v40, v8;
	v20 =	vsub.f32 v42, v8  }
0x3c7: {  	s10 =	simm.s32 $0x11280;
	s8 =	ssub.f32 $1.500000000e+00, s29;
	s26 =	smul.f32 s1, s22;
	[tilespmem:s6+$0xFFFFFF70] =	vst v48;
	v18 =	vsub.f32 v47, v8;
	v17 =	vsub.f32 v41, v8  }
0x3c8: {  	s28 =	spop (v2sf);
	s7 =	simm.s32 $0x8;
	[tilespmem:s6+$0xFFFFFF60] =	vst v15;
	v41 =	vmul.f32 v38, v25;
	v8 =	vmul.f32 v50, v27;
	s15 =	smul.f32 s5, s5;
	v42 =	vmov s5  }
.LBB2_7:
0x3c9: {  	[tilespmem:$0x1F8A0] =	vst v20;
	v12 =	vld [tilespmem:s10+$0x180]  }
0x3ca: {  	[tilespmem:$0x1F8B0] =	vst v18;
	v13 =	vld [tilespmem:$0x1F9E0]  }
0x3cb: {  	[tilespmem:$0x1F8F0] =	vst v57;
	v24 =	vld [tilespmem:$0x1F9F0];
	v16 =	vmov v51  }
0x3cc: {  	v14 =	vld [tilespmem:$0x1FAF0];
	[tilespmem:$0x1F910] =	vst v16  }
0x3cd: {  	v34 =	vld [tilespmem:$0x1FA00];
	v15 =	vmov v55;
	[tilespmem:s6+$0xFFFFFF80] =	vst v11  }
0x3ce: {  	s3 =	smul.f32 $1.562500000e-02, s28;
	v35 =	vld [tilespmem:$0x1FA10];
	v0 =	vadd.f32 v0, v31;
	[tilespmem:$0x1F940] =	vst v15;
	v11 =	vmov v56  }
0x3cf: {  	s18 =	sadd.s32 $0x400, s18;
	v2 =	vadd.f32 v2, v32;
	v18 =	vld [tilespmem:s10+$0xFFFFFE10];
	s5 =	smul.f32 s1, s26;
	[tilespmem:$0x1F950] =	vst v11  }
0x3d0: {  	s31 =	spop (v2sf);
	v1 =	vadd.f32 v1, v33;
	v26 =	vld [tilespmem:s18+$0x180];
	s3 =	ssub.f32 s3, s13;
	[tilespmem:s6+$0xFFFFFF90] =	vst v0  }
0x3d1: {  	v37 =	vld [tilespmem:s18+$0x190];
	v3 =	vadd.f32 v3, v29;
	s28 =	smul.f32 s25, s8;
	[tilespmem:s6+$0xFFFFFFA0] =	vst v2;
	s5 =	ssub.f32 $1.500000000e+00, s5  }
0x3d2: {  	v15 =	vld [tilespmem:s10+$0x1A0];
	s13 =	smul.f32 $1.562500000e-02, s31;
	v0 =	vadd.f32 v4, v31;
	[tilespmem:s6+$0xFFFFFFB0] =	vst v1  }
0x3d3: {  	v11 =	vld [tilespmem:s10+$0x190];
	v4 =	vadd.f32 v6, v32;
	[tilespmem:s6+$0xFFFFFFC0] =	vst v3;
	s3 =	sadd.f32 $9.999999740e-06, s3;
	s29 =	smul.f32 s1, s5  }
0x3d4: {  	v6 =	vld [tilespmem:s18+$0x1A0];
	s8 =	ssub.f32 s13, s15;
	[tilespmem:s6+$0xFFFFFFD0] =	vst v0;
	v16 =	vsub.f32 v35, v42;
	s1 =	smul.f32 s0, s9  }
0x3d5: {  	v2 =	vadd.f32 v5, v33;
	v5 =	vadd.f32 v10, v29;
	v10 =	vld [tilespmem:s10+$0x1B0];
	[tilespmem:s6+$0xFFFFFFE0] =	vst v4;
	s13 =	sshra.s32 s3, $0x1;
	s26 =	smul.f32 $5.000000000e-01, s3  }
0x3d6: {  	v1 =	vadd.f32 v9, v31;
	s5 =	sadd.f32 $9.999999740e-06, s8;
	[tilespmem:$0x1F9A0] =	vst v16;
	v16 =	vld [tilespmem:s18+$0x1B0];
	s3 =	ssub.s32 $0x5F3759DF, s13;
	s1 =	smul.f32 s1, s0  }
0x3d7: {  	v22 =	vld [tilespmem:s10+$0xFFFFFE20];
	v3 =	vadd.f32 v7, v33;
	[tilespmem:s6+$0xFFFFFFF0] =	vst v2;
	s15 =	smul.f32 s3, s26  }
0x3d8: {  	v21 =	vadd.f32 v49, v32;
	v20 =	vld [tilespmem:s18+$0xFFFFFE10];
	v7 =	vadd.f32 v60, v29;
	[tilespmem:s6+$0x10] =	vst v1;
	s17 =	sshra.s32 s5, $0x1;
	s25 =	smul.f32 $5.000000000e-01, s5  }
0x3d9: {  	v9 =	vadd.f32 v19, v32;
	v1 =	vld [tilespmem:s10+$0xFFFFFE30];
	v13 =	vsub.f32 v13, v42;
	[tilespmem:s6+$0x30] =	vst v3;
	s31 =	ssub.s32 $0x5F3759DF, s17;
	s30 =	smul.f32 s3, s15  }
0x3da: {  	v3 =	vld [tilespmem:s10+$0xFFFFFE80];
	[tilespmem:s6+$0x40] =	vst v7;
	v12 =	vadd.f32 v26, v12;
	v38 =	vadd.f32 v37, v11;
	s1 =	ssub.f32 $1.500000000e+00, s1;
	s13 =	smul.f32 s31, s25  }
0x3db: {  	v7 =	vld [tilespmem:s18+$0xFFFFFE80];
	[tilespmem:$0x1F970] =	vst v13;
	v56 =	vadd.f32 v6, v15;
	s15 =	smul.f32 s23, s11;
	v57 =	vadd.f32 v16, v10  }
0x3dc: {  	[tilespmem:$0x1F8D0] =	vst v12;
	v6 =	vadd.f32 v38, v12;
	v12 =	vmul.f32 v12, v12;
	v13 =	vmul.f32 v38, v38;
	s1 =	smul.f32 s1, s0;
	v10 =	vld [tilespmem:s18+$0xFFFFFE30]  }
0x3dd: {  	v0 =	vadd.f32 v62, v31;
	[tilespmem:s6+$0x0] =	vst v5;
	v5 =	vld [tilespmem:s18+$0xFFFFFE20];
	v39 =	vmul.f32 v56, v56;
	s5 =	ssub.f32 $1.500000000e+00, s30;
	s17 =	smul.f32 s31, s13;
	v15 =	vmul.f32 v57, v57  }
0x3de: {  	[tilespmem:s6+$0x20] =	vst v9;
	v9 =	vadd.f32 v43, v33;
	v43 =	vld [tilespmem:s18+$0xFFFFFEA0];
	s15 =	smul.f32 s15, s23;
	v11 =	vadd.f32 v57, v56  }
0x3df: {  	v49 =	vld [tilespmem:s18+$0xFFFFFF80];
	v12 =	vadd.f32 v13, v12;
	s13 =	smul.f32 s3, s5;
	v40 =	vadd.f32 v15, v39  }
0x3e0: {  	[tilespmem:s6+$0x50] =	vst v0;
	v0 =	vld [tilespmem:s10+$0xFFFFFE90];
	v62 =	vadd.f32 v7, v3;
	s3 =	smul.f32 s24, s14;
	v6 =	vadd.f32 v11, v6  }
0x3e1: {  	v3 =	vld [tilespmem:s10+$0xFFFFFEB0];
	s30 =	ssub.f32 $1.500000000e+00, s17;
	s5 =	smul.f32 s28, s2;
	v15 =	vadd.f32 v10, v1;
	v1 =	vadd.f32 v40, v12  }
0x3e2: {  	[tilespmem:$0x1F8C0] =	vst v17;
	v4 =	vadd.f32 v45, v33;
	v17 =	vsub.f32 v24, v42;
	v14 =	vmovc v14;
	v7 =	vld [tilespmem:s18+$0xFFFFFEB0];
	s17 =	smul.f32 s13, s26;
	(xrf2) =	vadd.scan.msk.f32 $0xffff, v6  }
0x3e3: {  	[tilespmem:$0x1F920] =	vst v14;
	v14 =	vsub.f32 v34, v42;
	v42 =	vadd.f32 v5, v22;
	v5 =	vld [tilespmem:s18+$0xFFFFFE90];
	s8 =	smul.f32 s31, s30;
	(xrf2) =	vadd.scan.msk.f32 $0xffff, v1  }
0x3e4: {  	v51 =	vld [tilespmem:s18+$0xFFFFFF90];
	s30 =	smul.f32 s29, s22  }
0x3e5: {  	v55 =	vld [tilespmem:s18+$0xFFFFFFB0];
	[tilespmem:s6+$0x70] =	vst v4;
	s3 =	smul.f32 s3, s24  }
0x3e6: {  	v8 =	vadd.f32 v8, v32;
	v2 =	vadd.f32 v44, v31;
	v4 =	vld [tilespmem:s10+$0xFFFFFEA0];
	[tilespmem:s6+$0xB0] =	vst v9;
	s5 =	smul.f32 s5, s28  }
0x3e7: {  	v9 =	vld [tilespmem:s18+$0xFFFFFF00];
	[tilespmem:$0x1F980] =	vst v17;
	v17 =	vadd.f32 v63, v32;
	v63 =	vadd.f32 v7, v3;
	s17 =	smul.f32 s17, s13  }
0x3e8: {  	s15 =	ssub.f32 $1.500000000e+00, s15;
	v3 =	vld [tilespmem:s10+$0xFFFFFF20];
	v11 =	vadd.f32 v61, v29;
	v61 =	vadd.f32 v5, v0;
	s31 =	smul.f32 s8, s25  }
0x3e9: {  	[tilespmem:s6+$0x90] =	vst v2;
	v5 =	vld [tilespmem:s10+$0xFFFFFF00];
	v10 =	vmul.f32 v42, v42;
	v6 =	vadd.f32 v41, v31;
	s30 =	smul.f32 s30, s29;
	v44 =	vmul.f32 v15, v15;
	s17 =	ssub.f32 $1.500000000e+00, s17  }
0x3ea: {  	v19 =	vadd.f32 v46, v29;
	v33 =	vadd.f32 v20, v18;
	[tilespmem:s19+$0xC0] =	vst v11;
	v11 =	vld [tilespmem:s10+$0xFFFFFF10];
	s3 =	ssub.f32 $1.500000000e+00, s3;
	s31 =	smul.f32 s31, s8  }
0x3eb: {  	v0 =	vmul.f32 v62, v62;
	s5 =	ssub.f32 $1.500000000e+00, s5;
	[tilespmem:s19+$0xD0] =	vst v6;
	v6 =	vld [tilespmem:s18+$0xFFFFFF10];
	v32 =	vadd.f32 v44, v10;
	v10 =	vmul.f32 v61, v61;
	s13 =	smul.f32 s17, s13  }
0x3ec: {  	v25 =	vmov v59;
	v59 =	vadd.f32 v43, v4;
	[tilespmem:$0x1F9D0] =	vst v15;
	v2 =	vadd.f32 v15, v42;
	v15 =	vld [tilespmem:s18+$0xFFFFFF30];
	s17 =	ssub.f32 $1.500000000e+00, s30;
	s30 =	smul.f32 s15, s23;
	v45, _, _ =	vpop (xrf2)  }
0x3ed: {  	s15 =	smul.f32 s3, s24;
	v7 =	vadd.f32 v10, v0;
	v10 =	vld [tilespmem:s18+$0xFFFFFF20];
	(v2sf) =	vpush v45, $0xF;
	v48, _, _ =	vpop (xrf2)  }
0x3ee: {  	[tilespmem:s19+$0xE0] =	vst v8;
	v8 =	vmul.f32 v59, v59;
	v40 =	vadd.f32 v9, v5;
	v9 =	vld [tilespmem:s10+$0xFFFFFF30];
	s31 =	ssub.f32 $1.500000000e+00, s31;
	s24 =	smul.f32 s5, s28;
	(v2sf) =	vpush v48, $0xF  }
0x3ef: {  	v20 =	vld [tilespmem:s10+$0x10];
	v46 =	vadd.f32 v63, v59;
	v47 =	vmul.f32 v63, v63;
	v4 =	vadd.f32 v61, v62;
	s23 =	smul.f32 s17, s29  }
0x3f0: {  	s0 =	smul.f32 s31, s8;
	v31 =	vadd.f32 v6, v11;
	v11 =	vld [tilespmem:s10+$0xFFFFFF80]  }
0x3f1: {  	v16 =	vld [tilespmem:s10+$0xFFFFFF90];
	v8 =	vadd.f32 v47, v8;
	v4 =	vadd.f32 v46, v4;
	s5 =	smul.f32 s13, s26  }
0x3f2: {  	[tilespmem:$0x1F930] =	vst v25;
	v25 =	vld [tilespmem:s18+$0x10];
	s26 =	smul.f32 s1, s9;
	v6 =	vmul.f32 v40, v40;
	v50 =	vmul.f32 v31, v31;
	v0 =	vadd.f32 v10, v3  }
0x3f3: {  	s29 =	smul.f32 s30, s11;
	v10 =	vadd.f32 v31, v40;
	(xrf2) =	vadd.scan.msk.f32 $0xffff, v4;
	v4 =	vadd.f32 v15, v9;
	v15 =	vld [tilespmem:s10+$0xFFFFFFA0]  }
0x3f4: {  	v36 =	vmovc v54;
	s31 =	smul.f32 s15, s14;
	v9 =	vadd.f32 v50, v6;
	v54 =	vmul.f32 v0, v0;
	v6 =	vadd.f32 v8, v7;
	v8 =	vld [tilespmem:s18+$0xFFFFFFA0]  }
0x3f5: {  	[tilespmem:s6+$0x60] =	vst v17;
	s17 =	smul.f32 s24, s2;
	v3 =	vadd.f32 v49, v11;
	v11 =	vld [tilespmem:s10+$0xFFFFFFB0];
	v17 =	vadd.f32 v4, v0;
	v18 =	vmul.f32 v4, v4  }
0x3f6: {  	s14 =	smul.f32 s23, s22;
	(xrf2) =	vadd.scan.msk.f32 $0xffff, v6;
	v6 =	vadd.f32 v51, v16;
	v16 =	vld [tilespmem:s10+$0x0]  }
0x3f7: {  	[tilespmem:s6+$0xA0] =	vst v21;
	s8 =	smul.f32 s0, s25;
	v10 =	vadd.f32 v17, v10;
	v12 =	vadd.f32 v18, v54;
	v17 =	vld [tilespmem:s18+$0x0]  }
0x3f8: {  	[tilespmem:s6+$0x80] =	vst v19;
	v34 =	vld [tilespmem:s10+$0x20];
	s3 =	smul.f32 s5, s13;
	v24 =	vmul.f32 v3, v3;
	v18 =	vmul.f32 v6, v6  }
0x3f9: {  	[tilespmem:$0x1F8E0] =	vst v38;
	v38 =	vld [tilespmem:s18+$0x110];
	s5 =	smul.f32 s26, s1;
	v8 =	vadd.f32 v8, v15;
	(xrf2) =	vadd.scan.msk.f32 $0xffff, v10;
	v10 =	vadd.f32 v12, v9  }
0x3fa: {  	s9 =	smul.f32 s29, s30;
	v9 =	vadd.f32 v55, v11;
	v11 =	vadd.f32 v18, v24;
	v18 =	vld [tilespmem:s18+$0x20]  }
0x3fb: {  	v41 =	vadd.f32 v25, v20;
	v20 =	vld [tilespmem:s18+$0x80];
	s11 =	smul.f32 s31, s15  }
0x3fc: {  	s26 =	smul.f32 s17, s24;
	v26 =	vmul.f32 v8, v8;
	v22 =	vmul.f32 v9, v9;
	v19 =	vadd.f32 v17, v16;
	v16 =	vld [tilespmem:s10+$0x30];
	s25 =	spop (v2sf)  }
0x3fd: {  	v15 =	vadd.f32 v6, v3;
	v17 =	vld [tilespmem:s18+$0x30];
	v21, _, _ =	vpop (xrf2);
	(xrf2) =	vadd.scan.msk.f32 $0xffff, v10;
	v10 =	vadd.f32 v9, v8;
	s2 =	smul.f32 $1.562500000e-02, s25;
	s29 =	spop (v2sf)  }
0x3fe: {  	v13 =	vadd.f32 v22, v26;
	v22 =	vld [tilespmem:s10+$0x90];
	(v2sf) =	vpush v21, $0xF;
	s17 =	smul.f32 $1.562500000e-02, s29  }
0x3ff: {  	s3 =	ssub.f32 $1.500000000e+00, s3;
	v35 =	vmul.f32 v19, v19;
	v43 =	vadd.f32 v18, v34;
	v18 =	vmul.f32 v41, v41;
	v34 =	vld [tilespmem:$0x1FF40];
	s31 =	smul.f32 s2, s2  }
0x400: {  	s5 =	ssub.f32 $1.500000000e+00, s5;
	v10 =	vadd.f32 v10, v15;
	v15 =	vld [tilespmem:s10+$0x80]  }
0x401: {  	s14 =	smul.f32 s14, s23;
	v12 =	vadd.f32 v18, v35;
	v18 =	vld [tilespmem:s18+$0xA0];
	s17 =	ssub.f32 s17, s31  }
0x402: {  	[tilespmem:$0x1F960] =	vst v36;
	s9 =	ssub.f32 $1.500000000e+00, s9;
	s8 =	smul.f32 s8, s0;
	v36 =	vadd.f32 v41, v19;
	v21, _, _ =	vpop (xrf2);
	v35 =	vld [tilespmem:$0x1FF50];
	v45 =	vadd.f32 v17, v16  }
0x403: {  	s3 =	smul.f32 s3, s13;
	(xrf2) =	vadd.scan.msk.f32 $0xffff, v10;
	v10 =	vadd.f32 v13, v11;
	v11 =	vld [tilespmem:s18+$0x90];
	(v2sf) =	vpush v21, $0xF;
	v17, _, _ =	vpop (xrf2);
	s17 =	sadd.f32 $9.999999740e-06, s17  }
0x404: {  	s11 =	ssub.f32 $1.500000000e+00, s11;
	s5 =	smul.f32 s5, s1;
	v16 =	vld [tilespmem:s10+$0xA0];
	(v2sf) =	vpush v17, $0xF;
	v17 =	vadd.f32 v45, v43  }
0x405: {  	s22 =	ssub.f32 $1.500000000e+00, s26;
	(xrf2) =	vadd.scan.msk.f32 $0xffff, v10;
	v10 =	vadd.f32 v20, v15;
	v15 =	vld [tilespmem:s10+$0xB0];
	s29 =	sshra.s32 s17, $0x1;
	s1 =	smul.f32 $5.000000000e-01, s17  }
0x406: {  	[tilespmem:$0x1F990] =	vst v14;
	s26 =	ssub.f32 $1.500000000e+00, s14;
	s14 =	smul.f32 s9, s30;
	v14 =	vadd.f32 v17, v36;
	v36 =	vld [tilespmem:$0x1FEF0];
	s30 =	ssub.s32 $0x5F3759DF, s29  }
0x407: {  	v55 =	vmov v23;
	v37 =	vmul.f32 v43, v43;
	v23 =	vmul.f32 v45, v45;
	v20 =	vld [tilespmem:s18+$0xB0];
	v24, _, _ =	vpop (xrf2);
	s31 =	smul.f32 s30, s1  }
0x408: {  	s9 =	smul.f32 s11, s15;
	v26 =	vld [tilespmem:s10+$0x110];
	(v2sf) =	vpush v24, $0xF  }
0x409: {  	v60 =	vmul.f32 v33, v33;
	v25 =	vld [tilespmem:s18+$0x100];
	v50 =	vmul.f32 s5, v53;
	v13 =	vadd.f32 v23, v37;
	s15 =	smul.f32 s30, s31  }
0x40a: {  	[tilespmem:$0x1F9C0] =	vst v42;
	s8 =	ssub.f32 $1.500000000e+00, s8;
	s11 =	smul.f32 s22, s24;
	v21 =	vmul.f32 s3, v53;
	v48 =	vmul.f32 s3, v35;
	v42 =	vadd.f32 v11, v22;
	v17 =	vld [tilespmem:s10+$0x100]  }
0x40b: {  	v30 =	vld [tilespmem:s10+$0xFFFFFE00];
	s13 =	smul.f32 s26, s23;
	v22 =	vmul.f32 s3, v34;
	v12 =	vadd.f32 v13, v12;
	(xrf2) =	vadd.scan.msk.f32 $0xffff, v14;
	v54 =	vmul.f32 s3, v36;
	s3 =	ssub.f32 $1.500000000e+00, s15  }
0x40c: {  	[tilespmem:$0x1F900] =	vst v58;
	v58 =	vld [tilespmem:s18+$0xFFFFFE00];
	s8 =	smul.f32 s8, s0;
	v23 =	vmul.f32 s5, v35;
	v44 =	vadd.f32 v18, v16;
	v46 =	vadd.f32 v20, v15  }
0x40d: {  	v27 =	vld [tilespmem:s18+$0x120];
	v5 =	vadd.f32 v38, v26;
	v11 =	vmul.f32 v10, v10;
	v1 =	vmul.f32 v42, v42;
	v18, _, _ =	vpop (xrf2);
	(xrf2) =	vadd.scan.msk.f32 $0xffff, v12;
	s22 =	spop (v2sf);
	s3 =	smul.f32 s30, s3  }
0x40e: {  	v26 =	vmul.f32 s14, v35;
	v16 =	vadd.f32 v42, v10;
	v15 =	vld [tilespmem:s10+$0x120];
	v39 =	vadd.f32 v46, v44;
	s15 =	smul.f32 $1.562500000e-02, s22  }
0x40f: {  	v28 =	vld [tilespmem:s18+$0x130];
	v51 =	vmul.f32 v44, v44;
	v11 =	vadd.f32 v1, v11;
	v1 =	vadd.f32 v25, v17;
	s24 =	smul.f32 s3, s1  }
0x410: {  	v17 =	vld [tilespmem:s10+$0x130];
	(v2sf) =	vpush v18, $0xF;
	v18 =	vmul.f32 v46, v46;
	v12 =	vadd.f32 v39, v16;
	s23 =	smul.f32 s15, s15  }
0x411: {  	v24 =	vmul.f32 s5, v34;
	v29, _, _ =	vpop (xrf2);
	v47 =	vmul.f32 v1, v1;
	v37 =	vmov s15;
	s15 =	smul.f32 s24, s3  }
0x412: {  	v16 =	vmul.f32 v5, v5;
	v18 =	vadd.f32 v18, v51;
	(v2sf) =	vpush v29, $0xF;
	(xrf2) =	vadd.scan.msk.f32 $0xffff, v12;
	s25 =	spop (v2sf)  }
0x413: {  	v14 =	vmul.f32 s8, v35;
	v7 =	vadd.f32 v27, v15;
	v15 =	vadd.f32 v5, v1;
	s26 =	spop (v2sf);
	s30 =	ssub.f32 $1.500000000e+00, s15  }
0x414: {  	v20 =	vmul.f32 s5, v36;
	v12 =	vadd.f32 v16, v47;
	v47 =	vadd.f32 v58, v30;
	s29 =	smul.f32 $1.562500000e-02, s26  }
0x415: {  	v25 =	vmul.f32 s14, v53;
	[tilespmem:$0x1F9E0] =	vst v1;
	v11 =	vadd.f32 v18, v11;
	v1 =	vadd.f32 v28, v17;
	v51, _, _ =	vpop (xrf2);
	s3 =	smul.f32 s30, s3  }
0x416: {  	[tilespmem:$0x1F9F0] =	vst v5;
	v5 =	vmovc v52;
	v52 =	vmov s2;
	v16 =	vadd.f32 v33, v47;
	(v2sf) =	vpush v51, $0xF;
	s31 =	smul.f32 s29, s29  }
0x417: {  	v27 =	vmul.f32 s8, v53;
	v57 =	vsub.f32 v57, v52;
	(xrf2) =	vadd.scan.msk.f32 $0xffff, v11;
	v11 =	vadd.f32 v1, v7;
	v18, _, _ =	vpop (xrf2);
	s22 =	spop (v2sf);
	s1 =	smul.f32 s3, s1  }
0x418: {  	v39 =	vmul.f32 v7, v7;
	v2 =	vadd.f32 v2, v16;
	(v2sf) =	vpush v18, $0xF;
	s24 =	smul.f32 $1.562500000e-02, s22  }
0x419: {  	[tilespmem:$0x1F9B0] =	vst v33;
	v28 =	vmul.f32 s9, v53;
	v38 =	vmul.f32 v1, v1;
	v33 =	vsub.f32 v61, v37;
	s1 =	smul.f32 s1, s3  }
0x41a: {  	v17 =	vmul.f32 v47, v47;
	s17 =	smul.f32 $1.562500000e-02, s25;
	v59 =	vsub.f32 v59, v37;
	v15 =	vadd.f32 v11, v15;
	(xrf2) =	vadd.scan.msk.f32 $0xffff, v2;
	s25 =	ssub.f32 s24, s31  }
0x41b: {  	v16 =	vmul.f32 s9, v34;
	v63 =	vsub.f32 v63, v37;
	v13 =	vadd.f32 v38, v39;
	s31 =	ssub.f32 $1.500000000e+00, s1  }
0x41c: {  	v11 =	vmul.f32 s9, v35;
	v39 =	vadd.f32 v60, v17;
	v60 =	vmul.f32 s9, v36;
	s5 =	ssub.f32 s17, s23;
	v51, _, _ =	vpop (xrf2);
	(xrf2) =	vadd.scan.msk.f32 $0xffff, v15  }
0x41d: {  	v38 =	vmul.f32 s11, v53;
	v17 =	vmul.f32 s13, v35;
	v2 =	vsub.f32 v62, v37;
	s3 =	smul.f32 s31, s3  }
0x41e: {  	[tilespmem:$0x1FA10] =	vst v1;
	v58 =	vmov s29;
	v1 =	vadd.f32 v13, v12;
	v13 =	vmul.f32 s13, v53;
	s5 =	sadd.f32 $9.999999740e-06, s5  }
0x41f: {  	v12 =	vadd.f32 v32, v39;
	v37 =	vmul.f32 s3, v53;
	v53 =	vmul.f32 s3, v34  }
0x420: {  	[tilespmem:$0x1FA00] =	vst v7;
	v39 =	vmul.f32 s11, v35;
	v7 =	vsub.f32 v40, v58;
	s23 =	sshra.s32 s5, $0x1;
	s9 =	smul.f32 $5.000000000e-01, s5;
	v40 =	vmul.f32 s3, v35  }
0x421: {  	s0 =	ssub.s32 $0x5F3759DF, s23;
	v35 =	vsub.f32 v0, v58;
	v0 =	vmul.f32 v53, v57;
	v53 =	vsub.f32 v4, v58;
	v4 =	vld [tilespmem:$0x1FF30]  }
0x422: {  	s26 =	spop (v2sf);
	s30 =	smul.f32 s0, s9  }
0x423: {  	(v2sf) =	vpush v51, $0xF;
	s29 =	smul.f32 $1.562500000e-02, s26;
	v15, _, _ =	vpop (xrf2);
	(xrf2) =	vadd.scan.msk.f32 $0xffff, v12  }
0x424: {  	v29 =	vmul.f32 s14, v34;
	v30 =	vmul.f32 s13, v34;
	s22 =	spop (v2sf);
	(v2sf) =	vpush v15, $0xF;
	s24 =	smul.f32 s0, s30;
	(xrf2) =	vadd.scan.msk.f32 $0xffff, v1;
	v1, _, _ =	vpop (xrf2)  }
0x425: {  	v61 =	vmul.f32 s8, v34;
	s17 =	smul.f32 s29, s29;
	v51 =	vmov s29;
	s29 =	spop (v2sf);
	(v2sf) =	vpush v1, $0xF  }
0x426: {  	v32 =	vmul.f32 s11, v34;
	v34 =	vsub.f32 v31, v58;
	v31 =	vadd.f32 v0, v4;
	v0, _, _ =	vpop (xrf2)  }
0x427: {  	s2 =	ssub.f32 $1.500000000e+00, s24;
	s24 =	spop (v2sf);
	(v2sf) =	vpush v0, $0xF;
	v0 =	vld [tilespmem:$0x1F8C0]  }
0x428: {  	_ = 	snop  }
0x429: {  	v15 =	vmul.f32 s8, v36;
	s8 =	smul.f32 $1.562500000e-02, s29;
	_ =	sdelay $0x1  }
0x42a: {  	v57 =	vsub.f32 v8, v51;
	v4 =	vmov s8  }
0x42b: {  	v8 =	vsub.f32 v9, v51;
	v9 =	vmul.f32 v22, v0;
	v0 =	vsub.f32 v45, v4;
	_ =	sdelay $0x1  }
0x42c: {  	[tilespmem:$0x1FAF0] =	vst v0;
	v0 =	vld [tilespmem:$0x1FA20];
	_ =	sdelay $0x3  }
0x42d: {  	v58 =	vsub.f32 v3, v51  }
0x42e: {  	v3 =	vmul.f32 v21, v55;
	v21 =	vsub.f32 v19, v4;
	v19 =	vmul.f32 v50, v0;
	v0 =	vmovc v2  }
0x42f: {  	[tilespmem:$0x1FA20] =	vst v0;
	v0 =	vld [tilespmem:$0x1F8D0];
	_ =	sdelay $0x3  }
0x430: {  	v1 =	vld [tilespmem:$0x1F8A0]  }
0x431: {  	v22 =	vsub.f32 v0, v52;
	v0 =	vld [tilespmem:$0x1F8E0];
	_ =	sdelay $0x4  }
0x432: {  	v1 =	vmul.f32 v48, v1;
	v48 =	vsub.f32 v41, v4;
	v41 =	vsub.f32 v0, v52;
	v0, _, _ =	vpop (xrf2)  }
0x433: {  	(v2sf) =	vpush v0, $0xF;
	v0 =	vld [tilespmem:$0x1FA40];
	_ =	sdelay $0x4  }
0x434: {  	v20 =	vmul.f32 v20, v0;
	v0 =	vmov v59  }
0x435: {  	[tilespmem:$0x1FA40] =	vst v0;
	v0 =	vld [tilespmem:$0x1FF00];
	_ =	sdelay $0x3  }
0x436: {  	s6 =	smov.u32 s19;
	s19 =	sadd.s32 $0x200, s19  }
0x437: {  	[tilespmem:s19+$0xF0] =	vst v31;
	v31 =	vadd.f32 v3, v0;
	v0 =	vld [tilespmem:$0x1FA50];
	_ =	sdelay $0x4  }
0x438: {  	v24 =	vmul.f32 v24, v0;
	v0 =	vld [tilespmem:$0x1FA60];
	_ =	sdelay $0x4  }
0x439: {  	v25 =	vmul.f32 v25, v0;
	v0 =	vmov v63  }
0x43a: {  	[tilespmem:$0x1FA50] =	vst v0;
	v0 =	vld [tilespmem:$0x1FF10]  }
0x43b: {  	s5 =	sadd.f32 $9.999999740e-06, s25;
	s23 =	smul.f32 $1.562500000e-02, s22  }
0x43c: {  	_ = 	snop  }
0x43d: {  	v62 =	vmul.f32 s11, v36;
	v18 =	vmul.f32 s13, v36;
	s13 =	sshra.s32 s5, $0x1;
	s11 =	smul.f32 $5.000000000e-01, s5;
	s25 =	ssub.f32 s23, s17  }
0x43e: {  	s1 =	ssub.s32 $0x5F3759DF, s13;
	v2 =	vld [tilespmem:$0x1FA30]  }
0x43f: {  	s26 =	smul.f32 s1, s11;
	s5 =	sadd.f32 $9.999999740e-06, s25;
	v45 =	vadd.f32 v1, v0;
	v1 =	vld [tilespmem:$0x1FA70]  }
0x440: {  	v49 =	vmul.f32 s14, v36  }
0x441: {  	v12 =	vmul.f32 s3, v36;
	s3 =	smul.f32 s1, s26;
	s30 =	sshra.s32 s5, $0x1;
	v36 =	vsub.f32 v6, v51;
	v6 =	vld [tilespmem:$0x1F8B0];
	s26 =	spop (v2sf);
	v51 =	vsub.f32 v43, v4;
	v4, _, _ =	vpop (xrf2)  }
0x442: {  	s22 =	ssub.s32 $0x5F3759DF, s30;
	s30 =	spop (v2sf);
	(v2sf) =	vpush v4, $0xF;
	v4 =	vld [tilespmem:$0x1FAA0];
	v0 =	vmul.f32 v26, v5;
	v5 =	vmov v35  }
0x443: {  	v23 =	vmul.f32 v23, v2;
	v2 =	vmov v33;
	[tilespmem:$0x1FA70] =	vst v5;
	v5 =	vld [tilespmem:$0x1FF20]  }
0x444: {  	[tilespmem:$0x1FA30] =	vst v2;
	v3 =	vmov v7;
	v7 =	vmov v53;
	v2 =	vmul.f32 v49, v1;
	v1 =	vld [tilespmem:$0x1FA80]  }
0x445: {  	[tilespmem:$0x1FA80] =	vst v7;
	v7 =	vld [tilespmem:$0x1F900]  }
0x446: {  	s14 =	smul.f32 $5.000000000e-01, s5  }
0x447: {  	v6 =	vmul.f32 v54, v6;
	s5 =	smul.f32 $1.562500000e-02, s26  }
0x448: {  	v33 =	vld [tilespmem:$0x1FF30]  }
0x449: {  	v4 =	vmul.f32 v11, v4;
	v49 =	vmov s5;
	v11 =	vadd.f32 v6, v5;
	v5 =	vld [tilespmem:$0x1FAB0]  }
0x44a: {  	v59 =	vsub.f32 v10, v49;
	v10 =	vmul.f32 v38, v7;
	v7 =	vld [tilespmem:$0x1FAE0];
	_ =	sdelay $0x3  }
0x44b: {  	[tilespmem:$0x1FA60] =	vst v3  }
0x44c: {  	v3 =	vld [tilespmem:$0x1FA90];
	v6 =	vmul.f32 v60, v5;
	v60 =	vadd.f32 v9, v33;
	v9 =	vmul.f32 v39, v7;
	v7 =	vmovc v58  }
0x44d: {  	[tilespmem:$0x1FA90] =	vst v7;
	v7 =	vld [tilespmem:$0x1FF00];
	_ =	sdelay $0x4  }
0x44e: {  	[tilespmem:s6+$0xFFFFFF20] =	vst v11;
	v11 =	vadd.f32 v19, v7;
	v7 =	vld [tilespmem:$0x1F910];
	_ =	sdelay $0x4  }
0x44f: {  	v19 =	vmul.f32 v62, v7;
	v7 =	vld [tilespmem:$0x1F920];
	_ =	sdelay $0x4  }
0x450: {  	v7 =	vmul.f32 v32, v7;
	v32 =	vld [tilespmem:$0x1FF20];
	_ =	sdelay $0x4  }
0x451: {  	[tilespmem:s6+$0xFFFFFF40] =	vst v11;
	v11 =	vadd.f32 v20, v32;
	_ =	sdelay $0x1  }
0x452: {  	[tilespmem:s6+$0xFFFFFF60] =	vst v11;
	v11 =	vld [tilespmem:$0x1F990];
	_ =	sdelay $0x3  }
0x453: {  	v50 =	vsub.f32 v56, v52;
	v55 =	vsub.f32 v42, v49  }
0x454: {  	v56 =	vsub.f32 v44, v49;
	v54 =	vsub.f32 v46, v49;
	v49 =	vmul.f32 v15, v11;
	v11 =	vld [tilespmem:$0x1F9A0]  }
0x455: {  	s0 =	smul.f32 s0, s2  }
0x456: {  	s31 =	smul.f32 s8, s8  }
0x457: {  	s2 =	smul.f32 $1.562500000e-02, s24  }
0x458: {  	s29 =	smul.f32 s5, s5  }
0x459: {  	v52 =	vmov v34;
	v34 =	vld [tilespmem:$0x1F960];
	s5 =	smul.f32 $1.562500000e-02, s30;
	v43 =	vmul.f32 v61, v11;
	v11 =	vmov v57  }
0x45a: {  	s25 =	smul.f32 s22, s14;
	s2 =	ssub.f32 s2, s31;
	[tilespmem:$0x1FAB0] =	vst v11;
	v11 =	vld [tilespmem:$0x1F9B0]  }
0x45b: {  	[tilespmem:s6+$0xFFFFFF00] =	vst v31;
	v31 =	vld [tilespmem:$0x1FF10];
	s15 =	ssub.f32 s5, s29;
	s29 =	spop (v2sf)  }
0x45c: {  	s5 =	smul.f32 $1.562500000e-02, s29;
	v5 =	vld [tilespmem:$0x1F8F0]  }
0x45d: {  	s2 =	sadd.f32 $9.999999740e-06, s2;
	v63 =	vld [tilespmem:$0x1F940]  }
0x45e: {  	s8 =	ssub.f32 $1.500000000e+00, s3;
	s3 =	smul.f32 s22, s25;
	v26 =	vld [tilespmem:$0x1F950];
	v39 =	vmov s5  }
0x45f: {  	s31 =	sshra.s32 s2, $0x1;
	s2 =	smul.f32 $5.000000000e-01, s2;
	v20 =	vsub.f32 v11, v39;
	v11 =	vld [tilespmem:$0x1F9C0]  }
0x460: {  	s3 =	ssub.f32 $1.500000000e+00, s3;
	s23 =	smul.f32 s1, s8;
	s25 =	ssub.s32 $0x5F3759DF, s31;
	v35 =	vld [tilespmem:$0x1F970]  }
0x461: {  	s17 =	smul.f32 s25, s2;
	v5 =	vmul.f32 v16, v5;
	v16 =	vld [tilespmem:$0x1F930]  }
0x462: {  	s24 =	smul.f32 s22, s3;
	v23 =	vadd.f32 v23, v31;
	v38 =	vld [tilespmem:$0x1F980]  }
0x463: {  	s7 =	sadd.s32 $0x8, s7;
	s26 =	smul.f32 s25, s17;
	v41 =	vmul.f32 v40, v41;
	s31 =	spop (v2sf);
	v1 =	vmul.f32 v29, v1;
	v29 =	vld [tilespmem:$0x1FF00]  }
0x464: {  	p0 =	slt.u32 s7, $0x60;
	[tilespmem:s6+$0xFFFFFF50] =	vst v23;
	s3 =	smul.f32 $1.562500000e-02, s31;
	v62 =	vmul.f32 v17, v63;
	v63 =	vmul.f32 v18, v26;
	v18 =	vsub.f32 v11, v39;
	v11 =	vld [tilespmem:$0x1F9D0]  }
.Ltmp2:
0x465: {  	v3 =	vmul.f32 v28, v3;
	[tilespmem:s6+$0xFFFFFF10] =	vst v45;
	v45 =	vmul.f32 v30, v34;
	s22 =	sadd.f32 $9.999999740e-06, s15;
	(pc) =	sbr.rel @p0 .LBB2_7-.Ltmp2, $4  }
0x466: {  	v42 =	vmov v36;
	s13 =	smul.f32 s5, s5;
	[tilespmem:s6+$0xFFFFFF30] =	vst v60;
	v60 =	vmul.f32 v13, v16;
	v16 =	vadd.f32 v24, v33  }
0x467: {  	v46 =	vmul.f32 v27, v35;
	[tilespmem:$0x1FAA0] =	vst v42;
	s30 =	sshra.s32 s22, $0x1;
	s22 =	smul.f32 $5.000000000e-01, s22;
	v44 =	vmul.f32 v14, v38;
	v58 =	vmov v21  }
0x468: {  	s8 =	ssub.f32 $1.500000000e+00, s26;
	s15 =	smul.f32 s3, s3;
	v42 =	vmov s3;
	s1 =	ssub.s32 $0x5F3759DF, s30;
	v23 =	vsub.f32 v47, v39;
	[tilespmem:s6+$0xFFFFFF70] =	vst v16;
	v57 =	vmovc v8;
	v8 =	vmul.f32 v12, v50;
	v50 =	vmovc v48  }
0x469: {  	s10 =	sadd.s32 $0x400, s10;
	v53 =	vld [tilespmem:$0x1FEE0];
	s28 =	spop (v2sf);
	s26 =	smul.f32 s1, s22;
	v61 =	vmul.f32 v37, v22;
	[tilespmem:$0x1FAE0] =	vst v50;
	v17 =	vsub.f32 v11, v39;
	v11 =	vadd.f32 v25, v29  }
0x46a: {  	s3 =	smul.f32 $1.562500000e-02, s28;
	_ =	sdelay $0x1  }
0x46b: {  	s3 =	ssub.f32 s3, s13;
	_ =	sdelay $0x1  }
0x46c: {  	s3 =	sadd.f32 $9.999999740e-06, s3;
	_ =	sdelay $0x1  }
0x46d: {  	s10 =	sshra.s32 s3, $0x1;
	s3 =	smul.f32 $5.000000000e-01, s3  }
0x46e: {  	s5 =	smul.f32 s1, s26;
	s18 =	ssub.s32 $0x5F3759DF, s10  }
0x46f: {  	s7 =	spop (v2sf);
	s10 =	smul.f32 s18, s3  }
0x470: {  	s7 =	smul.f32 $1.562500000e-02, s7  }
0x471: {  	v0 =	vadd.f32 v0, v31;
	s5 =	ssub.f32 $1.500000000e+00, s5;
	s28 =	smul.f32 s18, s10  }
0x472: {  	v2 =	vadd.f32 v2, v32;
	[tilespmem:s6+$0xFFFFFF80] =	vst v11;
	s7 =	ssub.f32 s7, s15  }
0x473: {  	v1 =	vadd.f32 v1, v33;
	[tilespmem:s6+$0xFFFFFF90] =	vst v0;
	s15 =	smul.f32 s1, s5;
	s5 =	ssub.f32 $1.500000000e+00, s28  }
0x474: {  	s8 =	smul.f32 s25, s8;
	v50 =	vadd.f32 v3, v29;
	[tilespmem:s6+$0xFFFFFFA0] =	vst v2  }
0x475: {  	v4 =	vadd.f32 v4, v31;
	[tilespmem:s6+$0xFFFFFFB0] =	vst v1;
	s5 =	smul.f32 s18, s5  }
0x476: {  	s17 =	smul.f32 s0, s9;
	v6 =	vadd.f32 v6, v32;
	[tilespmem:s6+$0xFFFFFFC0] =	vst v50;
	s25 =	sadd.f32 $9.999999740e-06, s7  }
0x477: {  	v12 =	vadd.f32 v10, v29;
	[tilespmem:s6+$0xFFFFFFD0] =	vst v4;
	s31 =	smul.f32 s5, s3  }
0x478: {  	v13 =	vadd.f32 v9, v31;
	[tilespmem:s6+$0xFFFFFFE0] =	vst v6;
	s7 =	smul.f32 $5.000000000e-01, s25  }
0x479: {  	v14 =	vadd.f32 v19, v32;
	[tilespmem:s6+$0x0] =	vst v12;
	s26 =	sshra.s32 s25, $0x1;
	s25 =	smul.f32 s31, s5  }
0x47a: {  	v15 =	vadd.f32 v7, v33;
	[tilespmem:s6+$0x10] =	vst v13  }
0x47b: {  	v16 =	vadd.f32 v60, v29;
	s17 =	smul.f32 s17, s0;
	[tilespmem:s6+$0x20] =	vst v14;
	s29 =	ssub.s32 $0x5F3759DF, s26;
	s10 =	ssub.f32 $1.500000000e+00, s25  }
0x47c: {  	v19 =	vadd.f32 v62, v31;
	[tilespmem:s6+$0x30] =	vst v15;
	s13 =	smul.f32 s29, s7  }
0x47d: {  	v24 =	vadd.f32 v63, v32;
	[tilespmem:s6+$0x40] =	vst v16;
	s5 =	smul.f32 s10, s5  }
0x47e: {  	v25 =	vadd.f32 v45, v33;
	[tilespmem:s6+$0x50] =	vst v19;
	s13 =	smul.f32 s29, s13  }
0x47f: {  	v26 =	vadd.f32 v46, v29;
	[tilespmem:s6+$0x60] =	vst v24;
	s3 =	smul.f32 s5, s3  }
0x480: {  	v11 =	vadd.f32 v5, v33;
	[tilespmem:s6+$0x70] =	vst v25;
	s26 =	smul.f32 s24, s14  }
0x481: {  	[tilespmem:s6+$0x80] =	vst v26;
	s30 =	ssub.f32 $1.500000000e+00, s13;
	s3 =	smul.f32 s3, s5  }
0x482: {  	[tilespmem:s6+$0xFFFFFFF0] =	vst v11;
	s18 =	smul.f32 s23, s11  }
0x483: {  	v22 =	vld [tilespmem:$0x1FF50];
	s1 =	smul.f32 s29, s30;
	s3 =	ssub.f32 $1.500000000e+00, s3  }
0x484: {  	v15 =	vld [tilespmem:$0x1FEF0];
	s28 =	ssub.f32 $1.500000000e+00, s17;
	s18 =	smul.f32 s18, s23  }
0x485: {  	v27 =	vadd.f32 v44, v31;
	v21 =	vld [tilespmem:$0x1FF40];
	s3 =	smul.f32 s3, s5  }
0x486: {  	v28 =	vadd.f32 v49, v32;
	s30 =	smul.f32 s28, s0  }
0x487: {  	v35 =	vadd.f32 v43, v33;
	[tilespmem:s6+$0x90] =	vst v27;
	s13 =	smul.f32 s26, s24;
	s29 =	ssub.f32 $1.500000000e+00, s18;
	v30 =	vmul.f32 s3, v53  }
0x488: {  	v38 =	vadd.f32 v61, v29;
	[tilespmem:s6+$0xA0] =	vst v28;
	s26 =	smul.f32 s30, s9;
	v34 =	vmul.f32 s3, v22  }
0x489: {  	v41 =	vadd.f32 v41, v31;
	[tilespmem:s6+$0xB0] =	vst v35;
	s10 =	smul.f32 s29, s23;
	v36 =	vmul.f32 s3, v15;
	v0 =	vmul.f32 v30, v23  }
0x48a: {  	v8 =	vadd.f32 v8, v32;
	[tilespmem:s19+$0xC0] =	vst v38;
	s9 =	smul.f32 s26, s30;
	v37 =	vmul.f32 s3, v21;
	v45 =	vmul.f32 v34, v20  }
0x48b: {  	[tilespmem:s19+$0xD0] =	vst v41;
	s29 =	smul.f32 s10, s11;
	v47 =	vmul.f32 v36, v18;
	v0 =	vadd.f32 v0, v29  }
0x48c: {  	[tilespmem:s19+$0xE0] =	vst v8;
	s28 =	ssub.f32 $1.500000000e+00, s9;
	v6 =	vmul.f32 v37, v17;
	v2 =	vadd.f32 v45, v31  }
0x48d: {  	v11 =	vld [tilespmem:$0x1FA20];
	s9 =	smul.f32 s29, s10;
	v50 =	vadd.f32 v47, v32;
	[tilespmem:s19+$0xFFFFFF00] =	vst v0  }
0x48e: {  	s5 =	smul.f32 s28, s30;
	v62 =	vadd.f32 v6, v33;
	v61 =	vld [tilespmem:$0x1FA30];
	[tilespmem:s19+$0xFFFFFF10] =	vst v2  }
0x48f: {  	s31 =	ssub.f32 $1.500000000e+00, s13;
	v12 =	vld [tilespmem:$0x1FA40];
	[tilespmem:s19+$0xFFFFFF20] =	vst v50  }
0x490: {  	s9 =	ssub.f32 $1.500000000e+00, s9;
	v39 =	vmul.f32 s5, v53;
	v16 =	vld [tilespmem:$0x1FA50];
	[tilespmem:s19+$0xFFFFFF30] =	vst v62  }
0x491: {  	s24 =	smul.f32 s31, s24;
	v40 =	vmul.f32 s5, v22;
	v19 =	vld [tilespmem:$0x1FA60]  }
0x492: {  	s9 =	smul.f32 s9, s10;
	v43 =	vmul.f32 s5, v15;
	v1 =	vmul.f32 v39, v11  }
0x493: {  	s25 =	smul.f32 s15, s22;
	v44 =	vmul.f32 s5, v21;
	v7 =	vmul.f32 v40, v61  }
0x494: {  	s23 =	smul.f32 s8, s2;
	v46 =	vmul.f32 s9, v53;
	v13 =	vadd.f32 v1, v29;
	v9 =	vmul.f32 v43, v12  }
0x495: {  	s30 =	smul.f32 s24, s14;
	v48 =	vmul.f32 s9, v22;
	v10 =	vmul.f32 v44, v16;
	v17 =	vadd.f32 v7, v31  }
0x496: {  	s17 =	smul.f32 s23, s8;
	[tilespmem:s19+$0xFFFFFF40] =	vst v13;
	v3 =	vmul.f32 v46, v19;
	v24 =	vadd.f32 v9, v32  }
0x497: {  	s11 =	smul.f32 s30, s24;
	v5 =	vmul.f32 v48, v52;
	[tilespmem:s19+$0xFFFFFF50] =	vst v17;
	v26 =	vadd.f32 v10, v33  }
0x498: {  	s17 =	ssub.f32 $1.500000000e+00, s17;
	v28 =	vld [tilespmem:$0x1FA70];
	[tilespmem:s19+$0xFFFFFF60] =	vst v24;
	v30 =	vadd.f32 v3, v29  }
0x499: {  	s0 =	smul.f32 s25, s15;
	s11 =	ssub.f32 $1.500000000e+00, s11;
	v36 =	vadd.f32 v5, v31;
	v35 =	vld [tilespmem:$0x1FA80];
	[tilespmem:s19+$0xFFFFFF70] =	vst v26  }
0x49a: {  	s8 =	smul.f32 s17, s8;
	v38 =	vld [tilespmem:$0x1FA90];
	[tilespmem:s19+$0xFFFFFF80] =	vst v30  }
0x49b: {  	s0 =	ssub.f32 $1.500000000e+00, s0;
	v49 =	vmul.f32 s9, v15;
	s5 =	smul.f32 s11, s24;
	v41 =	vld [tilespmem:$0x1FAA0];
	[tilespmem:s19+$0xFFFFFF90] =	vst v36  }
0x49c: {  	s13 =	smul.f32 s8, s2;
	v60 =	vmul.f32 s9, v21;
	v44 =	vld [tilespmem:$0x1FAB0]  }
0x49d: {  	s0 =	smul.f32 s0, s15;
	v63 =	vmul.f32 s5, v53;
	v8 =	vmul.f32 v49, v28  }
0x49e: {  	s2 =	smul.f32 s13, s8;
	v14 =	vmul.f32 s5, v22;
	v4 =	vmul.f32 v60, v35  }
0x49f: {  	s31 =	smul.f32 s1, s7;
	v18 =	vmul.f32 s5, v15;
	v6 =	vmul.f32 v63, v38;
	v39 =	vadd.f32 v8, v32  }
0x4a0: {  	s14 =	smul.f32 s0, s22;
	s2 =	ssub.f32 $1.500000000e+00, s2;
	v1 =	vmul.f32 v14, v41;
	v4 =	vadd.f32 v4, v33  }
0x4a1: {  	s3 =	smul.f32 s31, s1;
	v7 =	vmul.f32 v18, v44;
	v6 =	vadd.f32 v6, v29;
	[tilespmem:s19+$0xFFFFFFA0] =	vst v39  }
0x4a2: {  	s2 =	smul.f32 s2, s8;
	v1 =	vadd.f32 v1, v31;
	[tilespmem:s19+$0xFFFFFFB0] =	vst v4  }
0x4a3: {  	v7 =	vadd.f32 v7, v32;
	[tilespmem:s19+$0xFFFFFFC0] =	vst v6  }
0x4a4: {  	s15 =	smul.f32 s14, s0;
	s3 =	ssub.f32 $1.500000000e+00, s3;
	v37 =	vmul.f32 s2, v15;
	v48 =	vld [tilespmem:$0x1FAE0];
	[tilespmem:s19+$0xFFFFFFD0] =	vst v1  }
0x4a5: {  	v25 =	vmul.f32 s5, v21;
	[tilespmem:s19+$0xFFFFFFE0] =	vst v7  }
0x4a6: {  	s1 =	smul.f32 s3, s1;
	s3 =	ssub.f32 $1.500000000e+00, s15;
	v27 =	vmul.f32 s2, v53;
	v5 =	vmul.f32 v37, v51;
	v51 =	vld [tilespmem:$0x1FAF0]  }
0x4a7: {  	v34 =	vmul.f32 s2, v22;
	v9 =	vmul.f32 v25, v57  }
0x4a8: {  	s0 =	smul.f32 s3, s0;
	v10 =	vmul.f32 v27, v58  }
0x4a9: {  	v40 =	vmul.f32 s2, v21;
	v9 =	vadd.f32 v9, v33;
	v3 =	vmul.f32 v34, v48  }
0x4aa: {  	s17 =	smul.f32 s1, s7;
	v43 =	vmul.f32 s0, v53;
	v10 =	vadd.f32 v10, v29  }
0x4ab: {  	[tilespmem:s19+$0xFFFFFFF0] =	vst v9;
	v8 =	vmul.f32 v40, v51;
	v3 =	vadd.f32 v3, v31  }
0x4ac: {  	s18 =	smul.f32 s17, s1;
	v5 =	vadd.f32 v5, v32;
	v2 =	vmul.f32 v43, v59;
	[tilespmem:s19+$0x0] =	vst v10  }
0x4ad: {  	v8 =	vadd.f32 v8, v33;
	[tilespmem:s19+$0x10] =	vst v3  }
0x4ae: {  	v45 =	vmul.f32 s0, v22;
	s22 =	ssub.f32 $1.500000000e+00, s18;
	v2 =	vadd.f32 v2, v29;
	v3 =	vld [tilespmem:$0x1F9E0];
	[tilespmem:s19+$0x20] =	vst v5  }
0x4af: {  	v5 =	vld [tilespmem:$0x1F9F0];
	[tilespmem:s19+$0x30] =	vst v8  }
0x4b0: {  	v0 =	vmul.f32 v45, v55;
	s1 =	smul.f32 s22, s1;
	v8 =	vld [tilespmem:$0x1FA00];
	[tilespmem:s19+$0x40] =	vst v2  }
0x4b1: {  	v47 =	vmul.f32 s0, v21;
	v46 =	vmul.f32 s0, v15;
	v2 =	vld [tilespmem:$0x1FA10]  }
0x4b2: {  	v0 =	vadd.f32 v0, v31;
	v50 =	vmul.f32 s1, v22;
	v52 =	vmul.f32 s1, v15  }
0x4b3: {  	v49 =	vmul.f32 s1, v53;
	v4 =	vmul.f32 v46, v56;
	v3 =	vsub.f32 v3, v42  }
0x4b4: {  	v57 =	vmul.f32 s1, v21;
	v6 =	vmul.f32 v47, v54;
	v5 =	vsub.f32 v5, v42  }
0x4b5: {  	v58 =	vadd.f32 v4, v32;
	v8 =	vsub.f32 v8, v42;
	v1 =	vmul.f32 v49, v3  }
0x4b6: {  	v60 =	vadd.f32 v6, v33;
	[tilespmem:s19+$0x50] =	vst v0;
	v2 =	vsub.f32 v2, v42;
	v59 =	vmul.f32 v50, v5  }
0x4b7: {  	[tilespmem:s19+$0x60] =	vst v58;
	v61 =	vmul.f32 v52, v8;
	v1 =	vadd.f32 v1, v29  }
0x4b8: {  	[tilespmem:s19+$0x70] =	vst v60;
	v2 =	vmul.f32 v57, v2;
	v62 =	vadd.f32 v59, v31  }
0x4b9: {  	v0 =	vadd.f32 v61, v32;
	[tilespmem:s19+$0x80] =	vst v1  }
0x4ba: {  	v63 =	vadd.f32 v2, v33;
	[tilespmem:s19+$0x90] =	vst v62  }
0x4bb: {  	[tilespmem:s19+$0xA0] =	vst v0  }
0x4bc: {  	s23 =	rddreg [dreg:$0xc];
	[tilespmem:s19+$0xB0] =	vst v63  }
0x4bd: {  	s0 =	sshll.u32 s23, $0xB;
	s24 =	rddreg [dreg:$0x8]  }
0x4be: {  	s16 =	sadd.s32 $0x1, s16;
	s25 =	simm.s32 $0x18A80;
	s0 =	sadd.s32 s0, s24  }
0x4bf: {  	[hbm4b:s0+s20] =	stream.strided.scatter [tilespmem:s25], [sflag:$0x4], $0x680, s21, s20, $0x38;
	[tilespmem:$0x1A480] =	vst v63  }
0x4c0: {  	p0 =	sne.s32 s16, $0x10;
	s28 =	simm.s32 $0x19100;
	s26 =	sadd.s32 $0x200, s0  }
0x4c1: {  	[hbm4b:s26+s20] =	stream.strided.scatter [tilespmem:s28], [sflag:$0x4], $0x680, s21, s20, $0x38;
	[tilespmem:$0x1A480] =	vst v63  }
.Ltmp3:
0x4c2: {  	_ = 	snop;
	(pc) =	sbr.rel @p0 .LBB2_4-.Ltmp3, $4  }
0x4c3: {  	s30 =	simm.s32 $0x19780;
	s29 =	sadd.s32 $0x400, s0  }
0x4c4: {  	[hbm4b:s29+s20] =	stream.strided.scatter [tilespmem:s30], [sflag:$0x4], $0x680, s21, s20, $0x38;
	[tilespmem:$0x1A480] =	vst v63  }
0x4c5: {  	s31 =	simm.s32 $0x19E00;
	s0 =	sadd.s32 $0x600, s0  }
0x4c6: {  	[hbm4b:s0+s20] =	stream.strided.scatter [tilespmem:s31], [sflag:$0x4], $0x680, s21, s20, $0x38;
	[tilespmem:$0x1A480] =	vst v63  }
0x4c7: {  	s0 =	simm.s32 $0x3  }
0x4c8: {  	_ =	swait.ge [sflag:s0], $0x1A00  }
0x4c9: {  	[sflag:s0] =	ssyncset.done $0x0  }
0x4ca: {  	s1 =	simm.s32 $0x4;
	[sflag:s0] =	ssyncadd.s32 $0xFFFFE600  }
0x4cb: {  	_ =	swait.ge [sflag:s1], $0x1A00  }
0x4cc: {  	v8 =	vld [tilespmem:$0x1FF60]  }
0x4cd: {  	v9 =	vld [tilespmem:$0x1FF70]  }
0x4ce: {  	s2 =	rddreg [dreg:$0xb];
	v10 =	vld [tilespmem:$0x1FF80]  }
0x4cf: {  	s31 =	rddreg [dreg:$0xa];
	v11 =	vld [tilespmem:$0x1FF90];
	s2 =	sadd.s32 $0x1, s2  }
0x4d0: {  	v7 =	vld [tilespmem:$0x1FFA0];
	p0 =	sne.s32 s2, s31  }
.Ltmp4:
0x4d1: {  	v3 =	vld [tilespmem:$0x1FFB0];
	(pc) =	sbr.rel @p0 .LBB2_1-.Ltmp4, $4  }
0x4d2: {  	v6 =	vld [tilespmem:$0x1FFC0]  }
0x4d3: {  	v4 =	vld [tilespmem:$0x1FFD0]  }
0x4d4: {  	[sflag:s1] =	ssyncset.done $0x0;
	v5 =	vld [tilespmem:$0x1FFE0]  }
0x4d5: {  	v12 =	vlaneseq.u32;
	v13 =	vld [tilespmem:$0x1FFF0];
	[sflag:s1] =	ssyncadd.s32 $0xFFFFE600  }
0x4d6: {  	_ =	sfence.sel $0x180000  }
0x4d7: {  	[bflag:$0x0] =	sbarrier.arrive $0xFFFF  }
0x4d8: {  	_ =	strace $0x90000047  }
0x4d9: {  	s0 =	stileid.u32;
	[bflag:$0x2] =	sbarrier.arrive $0xFFFF  }
0x4da: {  	p0 =	sne.s32 s0, $0x0;
	s0 =	rddreg [dreg:$0x4]  }
0x4db: {  	s0 =	sadd.s32 @!p0 $0x100000, s0  }
0x4dc: {  	[sflag:s0] =	ssyncadd.tile.s32 @!p0 $0x1;
	_ =	shalt  }
.Lfunc_end2:
_tile_overlayer_lowered:
.L_overlay_start_2:
0x4dd: {  	(tag) =	ssettag $0x2  }
0x4de: {  	s0 =	rddreg [dreg:$0x0];
	s2 =	stileid.u32  }
0x4df: {  	s1 =	rddreg [dreg:$0x1];
	p0 =	sne.s32 s2, $0x0  }
0x4e0: {  	s3 =	rddreg [dreg:$0x2];
	[bflag:$0x3] =	sbarrier.arrive $0xFFFF;
	s2 =	simm.s32 @!p0 $0x1C05  }
0x4e1: {  	[timem:s3], [sflag:s2] =	dma.local @!p0 [hbm:s0], s1  }
0x4e2: {  	s0 =	simm.s32 @!p0 $0x5  }
0x4e3: {  	_ =	swait.ge @!p0 [sflag:s0], s1  }
0x4e4: {  	s1 =	ssub.s32 @!p0 $0x0, s1;
	[sflag:s0] =	ssyncset.done @!p0 $0x0  }
0x4e5: {  	[sflag:s0] =	ssyncadd.s32 @!p0 s1  }
0x4e6: {  	[bflag:$0x3] =	sbarrier.arrive $0xFFFF  }
0x4e7: {  	_ =	shalt  }

</sc_bundles>
